<compile_context>
chip_gen: v7x
topology: tpu7x:2x2x1
jax: 0.10.2.dev20260603
libtpu: 0.0.44.dev20260713+nightly
codegen_flags: <defaults>
</compile_context>

<pallas_src>
import functools

import jax
import jax.numpy as jnp
from jax import lax
from jax.experimental import pallas as pl
from jax.experimental.pallas import tpu as pltpu
from jax.experimental.pallas import tpu_sc as plsc

NE = 64
D = 1024
F = 512
NT = 4096
BLK = 128
NBLK = NT // BLK + NE
NROWS = NBLK * BLK

NW = 32
CHUNK = 32
NBUF = 3


def _routing(dispatch_order):
    de = dispatch_order.astype(jnp.int32)
    oh = (de[:, None] == jnp.arange(NE, dtype=jnp.int32)[None, :]).astype(jnp.float32)
    X = oh.reshape(64, 64, NE)
    tri = jnp.tril(jnp.ones((64, 64), jnp.float32))
    stri = jnp.tril(jnp.ones((64, 64), jnp.float32), -1)
    within = jnp.einsum("ij,cjk->cik", tri, X)
    chunk_tot = X.sum(axis=1)
    pre = stri @ chunk_tot
    csum = within + pre[:, None, :]
    counts = chunk_tot.sum(axis=0)
    rank = (X * csum).sum(axis=2).reshape(NT) - 1.0
    nb = jnp.floor((counts + (BLK - 1)) * (1.0 / BLK))
    ps = stri @ nb + nb
    pstart = (ps - nb) * BLK
    pos = (oh @ pstart + rank).astype(jnp.int32)
    total = ps[-1].astype(jnp.int32)
    qi = jnp.arange(NBLK, dtype=jnp.int32)
    be_raw = jnp.minimum(
        (qi[:, None] >= ps[None, :].astype(jnp.int32)).astype(jnp.int32).sum(axis=1),
        NE - 1)
    last_e = be_raw[jnp.maximum(total - 1, 0)]
    be = jnp.where(qi < total, be_raw, last_e)
    block_meta = jnp.concatenate([be, total[None]]).astype(jnp.int32)
    gather_idx = (jnp.arange(NROWS, dtype=jnp.int32) % NT).at[pos].set(
        jnp.arange(NT, dtype=jnp.int32))
    return gather_idx, pos, block_meta


def _sc_row_gather(table, idx, n_out, n_valid=None):
    per_w = n_out // NW
    n_chunks = per_w // CHUNK
    idx3 = idx.reshape(NW, n_chunks, CHUNK)
    mesh = plsc.VectorSubcoreMesh(core_axis_name="c", subcore_axis_name="s")
    nbuf = min(NBUF, n_chunks)
    limited = n_valid is not None
    if not limited:
        n_valid = jnp.full((16,), n_out, jnp.int32)

    @functools.partial(
        pl.kernel,
        mesh=mesh,
        out_type=jax.ShapeDtypeStruct((n_out, D), jnp.float32),
        scratch_types=[
            pltpu.VMEM((n_chunks, CHUNK), jnp.int32),
            [pltpu.VMEM((CHUNK, D), jnp.float32) for _ in range(nbuf)],
            [pltpu.SemaphoreType.DMA for _ in range(nbuf)],
            [pltpu.SemaphoreType.DMA for _ in range(nbuf)],
            pltpu.VMEM((16,), jnp.int32),
        ],
    )
    def gather_kernel(table_hbm, idx_hbm, nv_hbm, out_hbm,
                      idx_v, bufs, gsems, wsems, nv_v):
        wid = lax.axis_index("s") * 2 + lax.axis_index("c")
        base = wid * per_w
        pltpu.sync_copy(nv_hbm, nv_v)
        pltpu.sync_copy(idx_hbm.at[wid], idx_v)
        nv = nv_v[...][0]

        def gcp(c):
            return pltpu.make_async_copy(
                table_hbm.at[idx_v.at[c]], bufs[c % nbuf], gsems[c % nbuf])

        def wcp(c):
            return pltpu.make_async_copy(
                bufs[c % nbuf],
                out_hbm.at[pl.ds(base + c * CHUNK, CHUNK)],
                wsems[c % nbuf])

        def live(c):
            return base + c * CHUNK < nv

        for c in range(n_chunks + 1):
            if c < n_chunks:
                if c >= nbuf:
                    pl.when(live(c - nbuf))(lambda p=c - nbuf: wcp(p).wait())
                pl.when(live(c))(lambda p=c: gcp(p).start())
            if c >= 1:
                def _drain(p=c - 1):
                    gcp(p).wait()
                    wcp(p).start()
                pl.when(live(c - 1))(_drain)
        for p in range(max(0, n_chunks - nbuf), n_chunks):
            pl.when(live(p))(lambda q=p: wcp(q).wait())

    return gather_kernel(table, idx3, n_valid)


def _ffn_body(bm_ref, x_ref, w1_ref, b1_ref, w2_ref, b2_ref, o_ref):
    @pl.when(pl.program_id(0) < bm_ref[NBLK])
    def _():
        x = x_ref[...]
        h = jnp.maximum(
            jnp.dot(x, w1_ref[0], preferred_element_type=jnp.float32)
            + b1_ref[0, 0], 0.0)
        o_ref[...] = (
            jnp.dot(h, w2_ref[0], preferred_element_type=jnp.float32)
            + b2_ref[0, 0])


def _grouped_ffn(block_meta, xg, w1, b1, w2, b2):
    def xmap(i, bm):
        return (jnp.minimum(i, bm[NBLK]), 0)

    def wmap(i, bm):
        return (bm[i], 0, 0)

    grid_spec = pltpu.PrefetchScalarGridSpec(
        num_scalar_prefetch=1,
        grid=(NBLK,),
        in_specs=[
            pl.BlockSpec((BLK, D), xmap),
            pl.BlockSpec((1, D, F), wmap),
            pl.BlockSpec((1, 1, F), wmap),
            pl.BlockSpec((1, F, D), wmap),
            pl.BlockSpec((1, 1, D), wmap),
        ],
        out_specs=pl.BlockSpec((BLK, D), xmap),
    )
    return pl.pallas_call(
        _ffn_body,
        grid_spec=grid_spec,
        out_shape=jax.ShapeDtypeStruct((NROWS, D), jnp.float32),
    )(block_meta, xg, w1, b1.reshape(NE, 1, F), w2, b2.reshape(NE, 1, D))


def kernel(inputs, dispatch_order, w1, b1, w2, b2):
    flat = inputs.reshape(NT, D)
    gather_idx, inv_idx, block_meta = _routing(dispatch_order)
    n_valid = jnp.full((16,), BLK, jnp.int32) * block_meta[NBLK]
    xg = _sc_row_gather(flat, gather_idx, NROWS, n_valid)
    y = _grouped_ffn(block_meta, xg, w1, b1, w2, b2)
    out = _sc_row_gather(y, inv_idx, NT)
    return out.reshape(inputs.shape)

# --- scband reference (transcript-rebuilt; emitter-appended) ---
"""Pipeline reference for scband-experts-78975858638953 (READ-ONLY COPY).

The authoritative reference and input builder live on the scoring server;
editing this copy changes nothing except your own understanding.
"""

import jax, jax.numpy as jnp
import numpy as np

NUM_EXPERTS = 64
D_MODEL = 1024
D_FF = 512
B, S = 2, 2048


def setup_inputs(seed: int = 0) -> dict:
    key = jax.random.key(seed)
    ks = jax.random.split(key, 6)
    inputs = jax.random.normal(ks[0], (B, S, D_MODEL), dtype=jnp.float32)
    dispatch_order = jax.random.randint(ks[1], (B * S,), 0, NUM_EXPERTS, dtype=jnp.int32)
    w1 = jax.random.normal(ks[2], (NUM_EXPERTS, D_MODEL, D_FF), dtype=jnp.float32) * (1.0 / np.sqrt(D_MODEL))
    b1 = jnp.zeros((NUM_EXPERTS, D_FF), dtype=jnp.float32)
    w2 = jax.random.normal(ks[3], (NUM_EXPERTS, D_FF, D_MODEL), dtype=jnp.float32) * (1.0 / np.sqrt(D_FF))
    b2 = jnp.zeros((NUM_EXPERTS, D_MODEL), dtype=jnp.float32)
    return {"inputs": inputs, "dispatch_order": dispatch_order, "w1": w1, "b1": b1, "w2": w2, "b2": b2}


def reference(inputs, dispatch_order, w1, b1, w2, b2):
    # Faithful translation of Experts.forward with enable_tensor_parallel=True
    # (all experts local; the all_reduce over a 1-chip TP group is a no-op).
    flat = inputs.reshape(-1, inputs.shape[-1])
    outputs = jnp.zeros(flat.shape, dtype=flat.dtype)
    for e in range(NUM_EXPERTS):
        mask = (dispatch_order == e)[:, None]  # token_indices for this expert
        h = jnp.maximum(flat @ w1[e] + b1[e], 0.0)
        y = h @ w2[e] + b2[e]
        outputs = jnp.where(mask, y, outputs)  # scatter-overwrite into output rows
    return outputs.reshape(inputs.shape)

if __name__ == "__main__":
    import jax
    _d = setup_inputs()
    print(jax.jit(kernel)(*tuple(_d.values())))

</pallas_src>

<mosaic_0001>
#map = affine_map<(d0, d1) -> (0, 0)>
#map1 = affine_map<(d0, d1) -> (0, 0, 0)>
#map2 = affine_map<(d0, d1) -> (0)>
module attributes {stable_mosaic.version = 14 : i64} {
  func.func @gather_kernel(%arg0: i32, %arg1: i32, %arg2: memref<4096x1024xf32, #tpu.memory_space<hbm>>, %arg3: memref<32x12x32xi32, #tpu.memory_space<hbm>>, %arg4: memref<16xi32, #tpu.memory_space<hbm>>, %arg5: memref<12288x1024xf32, #tpu.memory_space<hbm>>, %arg6: memref<12x32xi32, #tpu.memory_space<vmem>>, %arg7: memref<32x1024xf32, #tpu.memory_space<vmem>>, %arg8: memref<32x1024xf32, #tpu.memory_space<vmem>>, %arg9: memref<32x1024xf32, #tpu.memory_space<vmem>>, %arg10: memref<!tpu.dma_semaphore, #tpu.memory_space<semaphore_mem>>, %arg11: memref<!tpu.dma_semaphore, #tpu.memory_space<semaphore_mem>>, %arg12: memref<!tpu.dma_semaphore, #tpu.memory_space<semaphore_mem>>, %arg13: memref<!tpu.dma_semaphore, #tpu.memory_space<semaphore_mem>>, %arg14: memref<!tpu.dma_semaphore, #tpu.memory_space<semaphore_mem>>, %arg15: memref<!tpu.dma_semaphore, #tpu.memory_space<semaphore_mem>>, %arg16: memref<16xi32, #tpu.memory_space<vmem>>) attributes {dimension_semantics = [#tpu.dimension_semantics<core_parallel>, #tpu.dimension_semantics<subcore_parallel>], iteration_bounds = array<i64: 2, 16>, scalar_prefetch = 0 : i64, scratch_operands = 11 : i64, tpu.core_type = #tpu.core_type<sc_vector_subcore>, window_params = [{transform_indices = #map}, {transform_indices = #map1}, {transform_indices = #map2}, {transform_indices = #map}]} {
    %mul3A = arith.constant 2 : i32
    %mul3A_0 = arith.muli %arg1, %mul3A : i32
    %add3A = arith.addi %mul3A_0, %arg0 : i32
    %mul3A_1 = arith.constant 384 : i32
    %mul3A_2 = arith.muli %add3A, %mul3A_1 : i32
    "tpu.region"() ({
      %run_scoped3A = tpu.sem_alloc : memref<!tpu.dma_semaphore, #tpu.memory_space<semaphore_mem>>
      tpu.enqueue_dma source(%arg4 : memref<16xi32, #tpu.memory_space<hbm>>) target(%arg16 : memref<16xi32, #tpu.memory_space<vmem>>) target_semaphore(%run_scoped3A : memref<!tpu.dma_semaphore, #tpu.memory_space<semaphore_mem>>)
      tpu.wait_dma2 semaphore(%run_scoped3A : memref<!tpu.dma_semaphore, #tpu.memory_space<semaphore_mem>>) src(%arg4 : memref<16xi32, #tpu.memory_space<hbm>>) dst(%arg16 : memref<16xi32, #tpu.memory_space<vmem>>)
      tpu.yield
    }) : () -> ()
    "tpu.region"() ({
      %run_scoped3A = tpu.sem_alloc : memref<!tpu.dma_semaphore, #tpu.memory_space<semaphore_mem>>
      %dma_start3A = arith.constant 0 : i32
      %dma_start3A_218 = arith.constant 0 : i32
      %dma_start3A_219 = tpu.memref_slice %arg3[%add3A, %dma_start3A, %dma_start3A_218] : memref<32x12x32xi32, #tpu.memory_space<hbm>> -> memref<1x12x32xi32, #tpu.memory_space<hbm>>
      %dma_start3A_220 = tpu.memref_squeeze %dma_start3A_219 : memref<1x12x32xi32, #tpu.memory_space<hbm>> -> memref<12x32xi32, #tpu.memory_space<hbm>>
      %dma_start3A_221 = arith.constant 0 : i32
      %dma_start3A_222 = arith.constant 0 : i32
      %dma_start3A_223 = tpu.memref_slice %arg3[%add3A, %dma_start3A_221, %dma_start3A_222] : memref<32x12x32xi32, #tpu.memory_space<hbm>> -> memref<1x12x32xi32, #tpu.memory_space<hbm>>
      %dma_start3A_224 = tpu.memref_squeeze %dma_start3A_223 : memref<1x12x32xi32, #tpu.memory_space<hbm>> -> memref<12x32xi32, #tpu.memory_space<hbm>>
      tpu.enqueue_dma source(%dma_start3A_224 : memref<12x32xi32, #tpu.memory_space<hbm>>) target(%arg6 : memref<12x32xi32, #tpu.memory_space<vmem>>) target_semaphore(%run_scoped3A : memref<!tpu.dma_semaphore, #tpu.memory_space<semaphore_mem>>)
      %dma_wait3A = arith.constant 0 : i32
      %dma_wait3A_225 = arith.constant 0 : i32
      %dma_wait3A_226 = tpu.memref_slice %arg3[%add3A, %dma_wait3A, %dma_wait3A_225] : memref<32x12x32xi32, #tpu.memory_space<hbm>> -> memref<1x12x32xi32, #tpu.memory_space<hbm>>
      %dma_wait3A_227 = tpu.memref_squeeze %dma_wait3A_226 : memref<1x12x32xi32, #tpu.memory_space<hbm>> -> memref<12x32xi32, #tpu.memory_space<hbm>>
      %dma_wait3A_228 = arith.constant 0 : i32
      %dma_wait3A_229 = arith.constant 0 : i32
      %dma_wait3A_230 = tpu.memref_slice %arg3[%add3A, %dma_wait3A_228, %dma_wait3A_229] : memref<32x12x32xi32, #tpu.memory_space<hbm>> -> memref<1x12x32xi32, #tpu.memory_space<hbm>>
      %dma_wait3A_231 = tpu.memref_squeeze %dma_wait3A_230 : memref<1x12x32xi32, #tpu.memory_space<hbm>> -> memref<12x32xi32, #tpu.memory_space<hbm>>
      tpu.wait_dma2 semaphore(%run_scoped3A : memref<!tpu.dma_semaphore, #tpu.memory_space<semaphore_mem>>) src(%dma_wait3A_231 : memref<12x32xi32, #tpu.memory_space<hbm>>) dst(%arg6 : memref<12x32xi32, #tpu.memory_space<vmem>>)
      tpu.yield
    }) : () -> ()
    %get3A = arith.constant 0 : index
    %get3A_3 = tpu.vector_load %arg16[%get3A] {strides = array<i32>} : memref<16xi32, #tpu.memory_space<vmem>>, vector<16xi32>,
    %get3A_4 = vector.shape_cast %get3A_3 : vector<16xi32> to vector<16xi32>
    %slice3A = vector.extract_strided_slice %get3A_4 {offsets = [0], sizes = [1], strides = [1]} : vector<16xi32> to vector<1xi32>
    %squeeze3A = vector.extract %slice3A[0] : i32 from vector<1xi32>
    %add3A_5 = arith.constant 0 : i32
    %add3A_6 = arith.addi %mul3A_2, %add3A_5 : i32
    %lt3A = arith.cmpi slt, %add3A_6, %squeeze3A : i32
    %convert_element_type3A = arith.extui %lt3A : i1 to i32
    %cond3A = arith.constant 0 : i32
    %cond3A_7 = arith.cmpi ne, %convert_element_type3A, %cond3A : i32
    scf.if %cond3A_7 {
      %dma_start3A = arith.constant 0 : i32
      %dma_start3A_218 = arith.constant 0 : i32
      %dma_start3A_219 = tpu.memref_slice %arg6[%dma_start3A, %dma_start3A_218] : memref<12x32xi32, #tpu.memory_space<vmem>> -> memref<1x32xi32, #tpu.memory_space<vmem>>
      %dma_start3A_220 = tpu.memref_squeeze %dma_start3A_219 : memref<1x32xi32, #tpu.memory_space<vmem>> -> memref<32xi32, #tpu.memory_space<vmem>>
      %dma_start3A_221 = arith.constant 0 : i32
      %dma_start3A_222 = arith.constant 0 : i32
      %dma_start3A_223 = tpu.memref_slice %arg2[%dma_start3A_221, %dma_start3A_222] : memref<4096x1024xf32, #tpu.memory_space<hbm>> -> memref<4096x1024xf32, #tpu.memory_space<hbm>>
      tpu.enqueue_indirect_dma source(%dma_start3A_223 : memref<4096x1024xf32, #tpu.memory_space<hbm>>) target(%arg7 : memref<32x1024xf32, #tpu.memory_space<vmem>>) offsets(%dma_start3A_220 : memref<32xi32, #tpu.memory_space<vmem>>) semaphore(%arg10 : memref<!tpu.dma_semaphore, #tpu.memory_space<semaphore_mem>>)
    } else {
    }
    %add3A_8 = arith.constant 32 : i32
    %add3A_9 = arith.addi %mul3A_2, %add3A_8 : i32
    %lt3A_10 = arith.cmpi slt, %add3A_9, %squeeze3A : i32
    %convert_element_type3A_11 = arith.extui %lt3A_10 : i1 to i32
    %cond3A_12 = arith.constant 0 : i32
    %cond3A_13 = arith.cmpi ne, %convert_element_type3A_11, %cond3A_12 : i32
    scf.if %cond3A_13 {
      %dma_start3A = arith.constant 1 : i32
      %dma_start3A_218 = arith.constant 0 : i32
      %dma_start3A_219 = tpu.memref_slice %arg6[%dma_start3A, %dma_start3A_218] : memref<12x32xi32, #tpu.memory_space<vmem>> -> memref<1x32xi32, #tpu.memory_space<vmem>>
      %dma_start3A_220 = tpu.memref_squeeze %dma_start3A_219 : memref<1x32xi32, #tpu.memory_space<vmem>> -> memref<32xi32, #tpu.memory_space<vmem>>
      %dma_start3A_221 = arith.constant 0 : i32
      %dma_start3A_222 = arith.constant 0 : i32
      %dma_start3A_223 = tpu.memref_slice %arg2[%dma_start3A_221, %dma_start3A_222] : memref<4096x1024xf32, #tpu.memory_space<hbm>> -> memref<4096x1024xf32, #tpu.memory_space<hbm>>
      tpu.enqueue_indirect_dma source(%dma_start3A_223 : memref<4096x1024xf32, #tpu.memory_space<hbm>>) target(%arg8 : memref<32x1024xf32, #tpu.memory_space<vmem>>) offsets(%dma_start3A_220 : memref<32xi32, #tpu.memory_space<vmem>>) semaphore(%arg11 : memref<!tpu.dma_semaphore, #tpu.memory_space<semaphore_mem>>)
    } else {
    }
    %add3A_14 = arith.constant 0 : i32
    %add3A_15 = arith.addi %mul3A_2, %add3A_14 : i32
    %lt3A_16 = arith.cmpi slt, %add3A_15, %squeeze3A : i32
    %convert_element_type3A_17 = arith.extui %lt3A_16 : i1 to i32
    %cond3A_18 = arith.constant 0 : i32
    %cond3A_19 = arith.cmpi ne, %convert_element_type3A_17, %cond3A_18 : i32
    scf.if %cond3A_19 {
      %dma_wait3A = arith.constant 0 : i32
      %dma_wait3A_218 = arith.constant 0 : i32
      %dma_wait3A_219 = tpu.memref_slice %arg6[%dma_wait3A, %dma_wait3A_218] : memref<12x32xi32, #tpu.memory_space<vmem>> -> memref<1x32xi32, #tpu.memory_space<vmem>>
      %dma_wait3A_220 = tpu.memref_squeeze %dma_wait3A_219 : memref<1x32xi32, #tpu.memory_space<vmem>> -> memref<32xi32, #tpu.memory_space<vmem>>
      %dma_wait3A_221 = arith.constant 0 : i32
      %dma_wait3A_222 = arith.constant 0 : i32
      %dma_wait3A_223 = tpu.memref_slice %arg2[%dma_wait3A_221, %dma_wait3A_222] : memref<4096x1024xf32, #tpu.memory_space<hbm>> -> memref<4096x1024xf32, #tpu.memory_space<hbm>>
      tpu.wait_indirect_dma semaphore(%arg10 : memref<!tpu.dma_semaphore, #tpu.memory_space<semaphore_mem>>) src(%dma_wait3A_223 : memref<4096x1024xf32, #tpu.memory_space<hbm>>) dst(%arg7 : memref<32x1024xf32, #tpu.memory_space<vmem>>)
      %add3A_224 = arith.constant 0 : i32
      %add3A_225 = arith.addi %mul3A_2, %add3A_224 : i32
      %dma_start3A = arith.constant 0 : i32
      %dma_start3A_226 = tpu.memref_slice %arg5[%add3A_225, %dma_start3A] : memref<12288x1024xf32, #tpu.memory_space<hbm>> -> memref<32x1024xf32, #tpu.memory_space<hbm>>
      %dma_start3A_227 = arith.constant 0 : i32
      %dma_start3A_228 = tpu.memref_slice %arg5[%add3A_225, %dma_start3A_227] : memref<12288x1024xf32, #tpu.memory_space<hbm>> -> memref<32x1024xf32, #tpu.memory_space<hbm>>
      tpu.enqueue_dma source(%arg7 : memref<32x1024xf32, #tpu.memory_space<vmem>>) target(%dma_start3A_228 : memref<32x1024xf32, #tpu.memory_space<hbm>>) target_semaphore(%arg13 : memref<!tpu.dma_semaphore, #tpu.memory_space<semaphore_mem>>)
    } else {
    }
    %add3A_20 = arith.constant 64 : i32
    %add3A_21 = arith.addi %mul3A_2, %add3A_20 : i32
    %lt3A_22 = arith.cmpi slt, %add3A_21, %squeeze3A : i32
    %convert_element_type3A_23 = arith.extui %lt3A_22 : i1 to i32
    %cond3A_24 = arith.constant 0 : i32
    %cond3A_25 = arith.cmpi ne, %convert_element_type3A_23, %cond3A_24 : i32
    scf.if %cond3A_25 {
      %dma_start3A = arith.constant 2 : i32
      %dma_start3A_218 = arith.constant 0 : i32
      %dma_start3A_219 = tpu.memref_slice %arg6[%dma_start3A, %dma_start3A_218] : memref<12x32xi32, #tpu.memory_space<vmem>> -> memref<1x32xi32, #tpu.memory_space<vmem>>
      %dma_start3A_220 = tpu.memref_squeeze %dma_start3A_219 : memref<1x32xi32, #tpu.memory_space<vmem>> -> memref<32xi32, #tpu.memory_space<vmem>>
      %dma_start3A_221 = arith.constant 0 : i32
      %dma_start3A_222 = arith.constant 0 : i32
      %dma_start3A_223 = tpu.memref_slice %arg2[%dma_start3A_221, %dma_start3A_222] : memref<4096x1024xf32, #tpu.memory_space<hbm>> -> memref<4096x1024xf32, #tpu.memory_space<hbm>>
      tpu.enqueue_indirect_dma source(%dma_start3A_223 : memref<4096x1024xf32, #tpu.memory_space<hbm>>) target(%arg9 : memref<32x1024xf32, #tpu.memory_space<vmem>>) offsets(%dma_start3A_220 : memref<32xi32, #tpu.memory_space<vmem>>) semaphore(%arg12 : memref<!tpu.dma_semaphore, #tpu.memory_space<semaphore_mem>>)
    } else {
    }
    %add3A_26 = arith.constant 32 : i32
    %add3A_27 = arith.addi %mul3A_2, %add3A_26 : i32
    %lt3A_28 = arith.cmpi slt, %add3A_27, %squeeze3A : i32
    %convert_element_type3A_29 = arith.extui %lt3A_28 : i1 to i32
    %cond3A_30 = arith.constant 0 : i32
    %cond3A_31 = arith.cmpi ne, %convert_element_type3A_29, %cond3A_30 : i32
    scf.if %cond3A_31 {
      %dma_wait3A = arith.constant 1 : i32
      %dma_wait3A_218 = arith.constant 0 : i32
      %dma_wait3A_219 = tpu.memref_slice %arg6[%dma_wait3A, %dma_wait3A_218] : memref<12x32xi32, #tpu.memory_space<vmem>> -> memref<1x32xi32, #tpu.memory_space<vmem>>
      %dma_wait3A_220 = tpu.memref_squeeze %dma_wait3A_219 : memref<1x32xi32, #tpu.memory_space<vmem>> -> memref<32xi32, #tpu.memory_space<vmem>>
      %dma_wait3A_221 = arith.constant 0 : i32
      %dma_wait3A_222 = arith.constant 0 : i32
      %dma_wait3A_223 = tpu.memref_slice %arg2[%dma_wait3A_221, %dma_wait3A_222] : memref<4096x1024xf32, #tpu.memory_space<hbm>> -> memref<4096x1024xf32, #tpu.memory_space<hbm>>
      tpu.wait_indirect_dma semaphore(%arg11 : memref<!tpu.dma_semaphore, #tpu.memory_space<semaphore_mem>>) src(%dma_wait3A_223 : memref<4096x1024xf32, #tpu.memory_space<hbm>>) dst(%arg8 : memref<32x1024xf32, #tpu.memory_space<vmem>>)
      %add3A_224 = arith.constant 32 : i32
      %add3A_225 = arith.addi %mul3A_2, %add3A_224 : i32
      %dma_start3A = arith.constant 0 : i32
      %dma_start3A_226 = tpu.memref_slice %arg5[%add3A_225, %dma_start3A] : memref<12288x1024xf32, #tpu.memory_space<hbm>> -> memref<32x1024xf32, #tpu.memory_space<hbm>>
      %dma_start3A_227 = arith.constant 0 : i32
      %dma_start3A_228 = tpu.memref_slice %arg5[%add3A_225, %dma_start3A_227] : memref<12288x1024xf32, #tpu.memory_space<hbm>> -> memref<32x1024xf32, #tpu.memory_space<hbm>>
      tpu.enqueue_dma source(%arg8 : memref<32x1024xf32, #tpu.memory_space<vmem>>) target(%dma_start3A_228 : memref<32x1024xf32, #tpu.memory_space<hbm>>) target_semaphore(%arg14 : memref<!tpu.dma_semaphore, #tpu.memory_space<semaphore_mem>>)
    } else {
    }
    %add3A_32 = arith.constant 0 : i32
    %add3A_33 = arith.addi %mul3A_2, %add3A_32 : i32
    %lt3A_34 = arith.cmpi slt, %add3A_33, %squeeze3A : i32
    %convert_element_type3A_35 = arith.extui %lt3A_34 : i1 to i32
    %cond3A_36 = arith.constant 0 : i32
    %cond3A_37 = arith.cmpi ne, %convert_element_type3A_35, %cond3A_36 : i32
    scf.if %cond3A_37 {
      %add3A_218 = arith.constant 0 : i32
      %add3A_219 = arith.addi %mul3A_2, %add3A_218 : i32
      %dma_wait3A = arith.constant 0 : i32
      %dma_wait3A_220 = tpu.memref_slice %arg5[%add3A_219, %dma_wait3A] : memref<12288x1024xf32, #tpu.memory_space<hbm>> -> memref<32x1024xf32, #tpu.memory_space<hbm>>
      %dma_wait3A_221 = arith.constant 0 : i32
      %dma_wait3A_222 = tpu.memref_slice %arg5[%add3A_219, %dma_wait3A_221] : memref<12288x1024xf32, #tpu.memory_space<hbm>> -> memref<32x1024xf32, #tpu.memory_space<hbm>>
      tpu.wait_dma2 semaphore(%arg13 : memref<!tpu.dma_semaphore, #tpu.memory_space<semaphore_mem>>) src(%arg7 : memref<32x1024xf32, #tpu.memory_space<vmem>>) dst(%dma_wait3A_222 : memref<32x1024xf32, #tpu.memory_space<hbm>>)
    } else {
    }
    %add3A_38 = arith.constant 96 : i32
    %add3A_39 = arith.addi %mul3A_2, %add3A_38 : i32
    %lt3A_40 = arith.cmpi slt, %add3A_39, %squeeze3A : i32
    %convert_element_type3A_41 = arith.extui %lt3A_40 : i1 to i32
    %cond3A_42 = arith.constant 0 : i32
    %cond3A_43 = arith.cmpi ne, %convert_element_type3A_41, %cond3A_42 : i32
    scf.if %cond3A_43 {
      %dma_start3A = arith.constant 3 : i32
      %dma_start3A_218 = arith.constant 0 : i32
      %dma_start3A_219 = tpu.memref_slice %arg6[%dma_start3A, %dma_start3A_218] : memref<12x32xi32, #tpu.memory_space<vmem>> -> memref<1x32xi32, #tpu.memory_space<vmem>>
      %dma_start3A_220 = tpu.memref_squeeze %dma_start3A_219 : memref<1x32xi32, #tpu.memory_space<vmem>> -> memref<32xi32, #tpu.memory_space<vmem>>
      %dma_start3A_221 = arith.constant 0 : i32
      %dma_start3A_222 = arith.constant 0 : i32
      %dma_start3A_223 = tpu.memref_slice %arg2[%dma_start3A_221, %dma_start3A_222] : memref<4096x1024xf32, #tpu.memory_space<hbm>> -> memref<4096x1024xf32, #tpu.memory_space<hbm>>
      tpu.enqueue_indirect_dma source(%dma_start3A_223 : memref<4096x1024xf32, #tpu.memory_space<hbm>>) target(%arg7 : memref<32x1024xf32, #tpu.memory_space<vmem>>) offsets(%dma_start3A_220 : memref<32xi32, #tpu.memory_space<vmem>>) semaphore(%arg10 : memref<!tpu.dma_semaphore, #tpu.memory_space<semaphore_mem>>)
    } else {
    }
    %add3A_44 = arith.constant 64 : i32
    %add3A_45 = arith.addi %mul3A_2, %add3A_44 : i32
    %lt3A_46 = arith.cmpi slt, %add3A_45, %squeeze3A : i32
    %convert_element_type3A_47 = arith.extui %lt3A_46 : i1 to i32
    %cond3A_48 = arith.constant 0 : i32
    %cond3A_49 = arith.cmpi ne, %convert_element_type3A_47, %cond3A_48 : i32
    scf.if %cond3A_49 {
      %dma_wait3A = arith.constant 2 : i32
      %dma_wait3A_218 = arith.constant 0 : i32
      %dma_wait3A_219 = tpu.memref_slice %arg6[%dma_wait3A, %dma_wait3A_218] : memref<12x32xi32, #tpu.memory_space<vmem>> -> memref<1x32xi32, #tpu.memory_space<vmem>>
      %dma_wait3A_220 = tpu.memref_squeeze %dma_wait3A_219 : memref<1x32xi32, #tpu.memory_space<vmem>> -> memref<32xi32, #tpu.memory_space<vmem>>
      %dma_wait3A_221 = arith.constant 0 : i32
      %dma_wait3A_222 = arith.constant 0 : i32
      %dma_wait3A_223 = tpu.memref_slice %arg2[%dma_wait3A_221, %dma_wait3A_222] : memref<4096x1024xf32, #tpu.memory_space<hbm>> -> memref<4096x1024xf32, #tpu.memory_space<hbm>>
      tpu.wait_indirect_dma semaphore(%arg12 : memref<!tpu.dma_semaphore, #tpu.memory_space<semaphore_mem>>) src(%dma_wait3A_223 : memref<4096x1024xf32, #tpu.memory_space<hbm>>) dst(%arg9 : memref<32x1024xf32, #tpu.memory_space<vmem>>)
      %add3A_224 = arith.constant 64 : i32
      %add3A_225 = arith.addi %mul3A_2, %add3A_224 : i32
      %dma_start3A = arith.constant 0 : i32
      %dma_start3A_226 = tpu.memref_slice %arg5[%add3A_225, %dma_start3A] : memref<12288x1024xf32, #tpu.memory_space<hbm>> -> memref<32x1024xf32, #tpu.memory_space<hbm>>
      %dma_start3A_227 = arith.constant 0 : i32
      %dma_start3A_228 = tpu.memref_slice %arg5[%add3A_225, %dma_start3A_227] : memref<12288x1024xf32, #tpu.memory_space<hbm>> -> memref<32x1024xf32, #tpu.memory_space<hbm>>
      tpu.enqueue_dma source(%arg9 : memref<32x1024xf32, #tpu.memory_space<vmem>>) target(%dma_start3A_228 : memref<32x1024xf32, #tpu.memory_space<hbm>>) target_semaphore(%arg15 : memref<!tpu.dma_semaphore, #tpu.memory_space<semaphore_mem>>)
    } else {
    }
    %add3A_50 = arith.constant 32 : i32
    %add3A_51 = arith.addi %mul3A_2, %add3A_50 : i32
    %lt3A_52 = arith.cmpi slt, %add3A_51, %squeeze3A : i32
    %convert_element_type3A_53 = arith.extui %lt3A_52 : i1 to i32
    %cond3A_54 = arith.constant 0 : i32
    %cond3A_55 = arith.cmpi ne, %convert_element_type3A_53, %cond3A_54 : i32
    scf.if %cond3A_55 {
      %add3A_218 = arith.constant 32 : i32
      %add3A_219 = arith.addi %mul3A_2, %add3A_218 : i32
      %dma_wait3A = arith.constant 0 : i32
      %dma_wait3A_220 = tpu.memref_slice %arg5[%add3A_219, %dma_wait3A] : memref<12288x1024xf32, #tpu.memory_space<hbm>> -> memref<32x1024xf32, #tpu.memory_space<hbm>>
      %dma_wait3A_221 = arith.constant 0 : i32
      %dma_wait3A_222 = tpu.memref_slice %arg5[%add3A_219, %dma_wait3A_221] : memref<12288x1024xf32, #tpu.memory_space<hbm>> -> memref<32x1024xf32, #tpu.memory_space<hbm>>
      tpu.wait_dma2 semaphore(%arg14 : memref<!tpu.dma_semaphore, #tpu.memory_space<semaphore_mem>>) src(%arg8 : memref<32x1024xf32, #tpu.memory_space<vmem>>) dst(%dma_wait3A_222 : memref<32x1024xf32, #tpu.memory_space<hbm>>)
    } else {
    }
    %add3A_56 = arith.constant 128 : i32
    %add3A_57 = arith.addi %mul3A_2, %add3A_56 : i32
    %lt3A_58 = arith.cmpi slt, %add3A_57, %squeeze3A : i32
    %convert_element_type3A_59 = arith.extui %lt3A_58 : i1 to i32
    %cond3A_60 = arith.constant 0 : i32
    %cond3A_61 = arith.cmpi ne, %convert_element_type3A_59, %cond3A_60 : i32
    scf.if %cond3A_61 {
      %dma_start3A = arith.constant 4 : i32
      %dma_start3A_218 = arith.constant 0 : i32
      %dma_start3A_219 = tpu.memref_slice %arg6[%dma_start3A, %dma_start3A_218] : memref<12x32xi32, #tpu.memory_space<vmem>> -> memref<1x32xi32, #tpu.memory_space<vmem>>
      %dma_start3A_220 = tpu.memref_squeeze %dma_start3A_219 : memref<1x32xi32, #tpu.memory_space<vmem>> -> memref<32xi32, #tpu.memory_space<vmem>>
      %dma_start3A_221 = arith.constant 0 : i32
      %dma_start3A_222 = arith.constant 0 : i32
      %dma_start3A_223 = tpu.memref_slice %arg2[%dma_start3A_221, %dma_start3A_222] : memref<4096x1024xf32, #tpu.memory_space<hbm>> -> memref<4096x1024xf32, #tpu.memory_space<hbm>>
      tpu.enqueue_indirect_dma source(%dma_start3A_223 : memref<4096x1024xf32, #tpu.memory_space<hbm>>) target(%arg8 : memref<32x1024xf32, #tpu.memory_space<vmem>>) offsets(%dma_start3A_220 : memref<32xi32, #tpu.memory_space<vmem>>) semaphore(%arg11 : memref<!tpu.dma_semaphore, #tpu.memory_space<semaphore_mem>>)
    } else {
    }
    %add3A_62 = arith.constant 96 : i32
    %add3A_63 = arith.addi %mul3A_2, %add3A_62 : i32
    %lt3A_64 = arith.cmpi slt, %add3A_63, %squeeze3A : i32
    %convert_element_type3A_65 = arith.extui %lt3A_64 : i1 to i32
    %cond3A_66 = arith.constant 0 : i32
    %cond3A_67 = arith.cmpi ne, %convert_element_type3A_65, %cond3A_66 : i32
    scf.if %cond3A_67 {
      %dma_wait3A = arith.constant 3 : i32
      %dma_wait3A_218 = arith.constant 0 : i32
      %dma_wait3A_219 = tpu.memref_slice %arg6[%dma_wait3A, %dma_wait3A_218] : memref<12x32xi32, #tpu.memory_space<vmem>> -> memref<1x32xi32, #tpu.memory_space<vmem>>
      %dma_wait3A_220 = tpu.memref_squeeze %dma_wait3A_219 : memref<1x32xi32, #tpu.memory_space<vmem>> -> memref<32xi32, #tpu.memory_space<vmem>>
      %dma_wait3A_221 = arith.constant 0 : i32
      %dma_wait3A_222 = arith.constant 0 : i32
      %dma_wait3A_223 = tpu.memref_slice %arg2[%dma_wait3A_221, %dma_wait3A_222] : memref<4096x1024xf32, #tpu.memory_space<hbm>> -> memref<4096x1024xf32, #tpu.memory_space<hbm>>
      tpu.wait_indirect_dma semaphore(%arg10 : memref<!tpu.dma_semaphore, #tpu.memory_space<semaphore_mem>>) src(%dma_wait3A_223 : memref<4096x1024xf32, #tpu.memory_space<hbm>>) dst(%arg7 : memref<32x1024xf32, #tpu.memory_space<vmem>>)
      %add3A_224 = arith.constant 96 : i32
      %add3A_225 = arith.addi %mul3A_2, %add3A_224 : i32
      %dma_start3A = arith.constant 0 : i32
      %dma_start3A_226 = tpu.memref_slice %arg5[%add3A_225, %dma_start3A] : memref<12288x1024xf32, #tpu.memory_space<hbm>> -> memref<32x1024xf32, #tpu.memory_space<hbm>>
      %dma_start3A_227 = arith.constant 0 : i32
      %dma_start3A_228 = tpu.memref_slice %arg5[%add3A_225, %dma_start3A_227] : memref<12288x1024xf32, #tpu.memory_space<hbm>> -> memref<32x1024xf32, #tpu.memory_space<hbm>>
      tpu.enqueue_dma source(%arg7 : memref<32x1024xf32, #tpu.memory_space<vmem>>) target(%dma_start3A_228 : memref<32x1024xf32, #tpu.memory_space<hbm>>) target_semaphore(%arg13 : memref<!tpu.dma_semaphore, #tpu.memory_space<semaphore_mem>>)
    } else {
    }
    %add3A_68 = arith.constant 64 : i32
    %add3A_69 = arith.addi %mul3A_2, %add3A_68 : i32
    %lt3A_70 = arith.cmpi slt, %add3A_69, %squeeze3A : i32
    %convert_element_type3A_71 = arith.extui %lt3A_70 : i1 to i32
    %cond3A_72 = arith.constant 0 : i32
    %cond3A_73 = arith.cmpi ne, %convert_element_type3A_71, %cond3A_72 : i32
    scf.if %cond3A_73 {
      %add3A_218 = arith.constant 64 : i32
      %add3A_219 = arith.addi %mul3A_2, %add3A_218 : i32
      %dma_wait3A = arith.constant 0 : i32
      %dma_wait3A_220 = tpu.memref_slice %arg5[%add3A_219, %dma_wait3A] : memref<12288x1024xf32, #tpu.memory_space<hbm>> -> memref<32x1024xf32, #tpu.memory_space<hbm>>
      %dma_wait3A_221 = arith.constant 0 : i32
      %dma_wait3A_222 = tpu.memref_slice %arg5[%add3A_219, %dma_wait3A_221] : memref<12288x1024xf32, #tpu.memory_space<hbm>> -> memref<32x1024xf32, #tpu.memory_space<hbm>>
      tpu.wait_dma2 semaphore(%arg15 : memref<!tpu.dma_semaphore, #tpu.memory_space<semaphore_mem>>) src(%arg9 : memref<32x1024xf32, #tpu.memory_space<vmem>>) dst(%dma_wait3A_222 : memref<32x1024xf32, #tpu.memory_space<hbm>>)
    } else {
    }
    %add3A_74 = arith.constant 160 : i32
    %add3A_75 = arith.addi %mul3A_2, %add3A_74 : i32
    %lt3A_76 = arith.cmpi slt, %add3A_75, %squeeze3A : i32
    %convert_element_type3A_77 = arith.extui %lt3A_76 : i1 to i32
    %cond3A_78 = arith.constant 0 : i32
    %cond3A_79 = arith.cmpi ne, %convert_element_type3A_77, %cond3A_78 : i32
    scf.if %cond3A_79 {
      %dma_start3A = arith.constant 5 : i32
      %dma_start3A_218 = arith.constant 0 : i32
      %dma_start3A_219 = tpu.memref_slice %arg6[%dma_start3A, %dma_start3A_218] : memref<12x32xi32, #tpu.memory_space<vmem>> -> memref<1x32xi32, #tpu.memory_space<vmem>>
      %dma_start3A_220 = tpu.memref_squeeze %dma_start3A_219 : memref<1x32xi32, #tpu.memory_space<vmem>> -> memref<32xi32, #tpu.memory_space<vmem>>
      %dma_start3A_221 = arith.constant 0 : i32
      %dma_start3A_222 = arith.constant 0 : i32
      %dma_start3A_223 = tpu.memref_slice %arg2[%dma_start3A_221, %dma_start3A_222] : memref<4096x1024xf32, #tpu.memory_space<hbm>> -> memref<4096x1024xf32, #tpu.memory_space<hbm>>
      tpu.enqueue_indirect_dma source(%dma_start3A_223 : memref<4096x1024xf32, #tpu.memory_space<hbm>>) target(%arg9 : memref<32x1024xf32, #tpu.memory_space<vmem>>) offsets(%dma_start3A_220 : memref<32xi32, #tpu.memory_space<vmem>>) semaphore(%arg12 : memref<!tpu.dma_semaphore, #tpu.memory_space<semaphore_mem>>)
    } else {
    }
    %add3A_80 = arith.constant 128 : i32
    %add3A_81 = arith.addi %mul3A_2, %add3A_80 : i32
    %lt3A_82 = arith.cmpi slt, %add3A_81, %squeeze3A : i32
    %convert_element_type3A_83 = arith.extui %lt3A_82 : i1 to i32
    %cond3A_84 = arith.constant 0 : i32
    %cond3A_85 = arith.cmpi ne, %convert_element_type3A_83, %cond3A_84 : i32
    scf.if %cond3A_85 {
      %dma_wait3A = arith.constant 4 : i32
      %dma_wait3A_218 = arith.constant 0 : i32
      %dma_wait3A_219 = tpu.memref_slice %arg6[%dma_wait3A, %dma_wait3A_218] : memref<12x32xi32, #tpu.memory_space<vmem>> -> memref<1x32xi32, #tpu.memory_space<vmem>>
      %dma_wait3A_220 = tpu.memref_squeeze %dma_wait3A_219 : memref<1x32xi32, #tpu.memory_space<vmem>> -> memref<32xi32, #tpu.memory_space<vmem>>
      %dma_wait3A_221 = arith.constant 0 : i32
      %dma_wait3A_222 = arith.constant 0 : i32
      %dma_wait3A_223 = tpu.memref_slice %arg2[%dma_wait3A_221, %dma_wait3A_222] : memref<4096x1024xf32, #tpu.memory_space<hbm>> -> memref<4096x1024xf32, #tpu.memory_space<hbm>>
      tpu.wait_indirect_dma semaphore(%arg11 : memref<!tpu.dma_semaphore, #tpu.memory_space<semaphore_mem>>) src(%dma_wait3A_223 : memref<4096x1024xf32, #tpu.memory_space<hbm>>) dst(%arg8 : memref<32x1024xf32, #tpu.memory_space<vmem>>)
      %add3A_224 = arith.constant 128 : i32
      %add3A_225 = arith.addi %mul3A_2, %add3A_224 : i32
      %dma_start3A = arith.constant 0 : i32
      %dma_start3A_226 = tpu.memref_slice %arg5[%add3A_225, %dma_start3A] : memref<12288x1024xf32, #tpu.memory_space<hbm>> -> memref<32x1024xf32, #tpu.memory_space<hbm>>
      %dma_start3A_227 = arith.constant 0 : i32
      %dma_start3A_228 = tpu.memref_slice %arg5[%add3A_225, %dma_start3A_227] : memref<12288x1024xf32, #tpu.memory_space<hbm>> -> memref<32x1024xf32, #tpu.memory_space<hbm>>
      tpu.enqueue_dma source(%arg8 : memref<32x1024xf32, #tpu.memory_space<vmem>>) target(%dma_start3A_228 : memref<32x1024xf32, #tpu.memory_space<hbm>>) target_semaphore(%arg14 : memref<!tpu.dma_semaphore, #tpu.memory_space<semaphore_mem>>)
    } else {
    }
    %add3A_86 = arith.constant 96 : i32
    %add3A_87 = arith.addi %mul3A_2, %add3A_86 : i32
    %lt3A_88 = arith.cmpi slt, %add3A_87, %squeeze3A : i32
    %convert_element_type3A_89 = arith.extui %lt3A_88 : i1 to i32
    %cond3A_90 = arith.constant 0 : i32
    %cond3A_91 = arith.cmpi ne, %convert_element_type3A_89, %cond3A_90 : i32
    scf.if %cond3A_91 {
      %add3A_218 = arith.constant 96 : i32
      %add3A_219 = arith.addi %mul3A_2, %add3A_218 : i32
      %dma_wait3A = arith.constant 0 : i32
      %dma_wait3A_220 = tpu.memref_slice %arg5[%add3A_219, %dma_wait3A] : memref<12288x1024xf32, #tpu.memory_space<hbm>> -> memref<32x1024xf32, #tpu.memory_space<hbm>>
      %dma_wait3A_221 = arith.constant 0 : i32
      %dma_wait3A_222 = tpu.memref_slice %arg5[%add3A_219, %dma_wait3A_221] : memref<12288x1024xf32, #tpu.memory_space<hbm>> -> memref<32x1024xf32, #tpu.memory_space<hbm>>
      tpu.wait_dma2 semaphore(%arg13 : memref<!tpu.dma_semaphore, #tpu.memory_space<semaphore_mem>>) src(%arg7 : memref<32x1024xf32, #tpu.memory_space<vmem>>) dst(%dma_wait3A_222 : memref<32x1024xf32, #tpu.memory_space<hbm>>)
    } else {
    }
    %add3A_92 = arith.constant 192 : i32
    %add3A_93 = arith.addi %mul3A_2, %add3A_92 : i32
    %lt3A_94 = arith.cmpi slt, %add3A_93, %squeeze3A : i32
    %convert_element_type3A_95 = arith.extui %lt3A_94 : i1 to i32
    %cond3A_96 = arith.constant 0 : i32
    %cond3A_97 = arith.cmpi ne, %convert_element_type3A_95, %cond3A_96 : i32
    scf.if %cond3A_97 {
      %dma_start3A = arith.constant 6 : i32
      %dma_start3A_218 = arith.constant 0 : i32
      %dma_start3A_219 = tpu.memref_slice %arg6[%dma_start3A, %dma_start3A_218] : memref<12x32xi32, #tpu.memory_space<vmem>> -> memref<1x32xi32, #tpu.memory_space<vmem>>
      %dma_start3A_220 = tpu.memref_squeeze %dma_start3A_219 : memref<1x32xi32, #tpu.memory_space<vmem>> -> memref<32xi32, #tpu.memory_space<vmem>>
      %dma_start3A_221 = arith.constant 0 : i32
      %dma_start3A_222 = arith.constant 0 : i32
      %dma_start3A_223 = tpu.memref_slice %arg2[%dma_start3A_221, %dma_start3A_222] : memref<4096x1024xf32, #tpu.memory_space<hbm>> -> memref<4096x1024xf32, #tpu.memory_space<hbm>>
      tpu.enqueue_indirect_dma source(%dma_start3A_223 : memref<4096x1024xf32, #tpu.memory_space<hbm>>) target(%arg7 : memref<32x1024xf32, #tpu.memory_space<vmem>>) offsets(%dma_start3A_220 : memref<32xi32, #tpu.memory_space<vmem>>) semaphore(%arg10 : memref<!tpu.dma_semaphore, #tpu.memory_space<semaphore_mem>>)
    } else {
    }
    %add3A_98 = arith.constant 160 : i32
    %add3A_99 = arith.addi %mul3A_2, %add3A_98 : i32
    %lt3A_100 = arith.cmpi slt, %add3A_99, %squeeze3A : i32
    %convert_element_type3A_101 = arith.extui %lt3A_100 : i1 to i32
    %cond3A_102 = arith.constant 0 : i32
    %cond3A_103 = arith.cmpi ne, %convert_element_type3A_101, %cond3A_102 : i32
    scf.if %cond3A_103 {
      %dma_wait3A = arith.constant 5 : i32
      %dma_wait3A_218 = arith.constant 0 : i32
      %dma_wait3A_219 = tpu.memref_slice %arg6[%dma_wait3A, %dma_wait3A_218] : memref<12x32xi32, #tpu.memory_space<vmem>> -> memref<1x32xi32, #tpu.memory_space<vmem>>
      %dma_wait3A_220 = tpu.memref_squeeze %dma_wait3A_219 : memref<1x32xi32, #tpu.memory_space<vmem>> -> memref<32xi32, #tpu.memory_space<vmem>>
      %dma_wait3A_221 = arith.constant 0 : i32
      %dma_wait3A_222 = arith.constant 0 : i32
      %dma_wait3A_223 = tpu.memref_slice %arg2[%dma_wait3A_221, %dma_wait3A_222] : memref<4096x1024xf32, #tpu.memory_space<hbm>> -> memref<4096x1024xf32, #tpu.memory_space<hbm>>
      tpu.wait_indirect_dma semaphore(%arg12 : memref<!tpu.dma_semaphore, #tpu.memory_space<semaphore_mem>>) src(%dma_wait3A_223 : memref<4096x1024xf32, #tpu.memory_space<hbm>>) dst(%arg9 : memref<32x1024xf32, #tpu.memory_space<vmem>>)
      %add3A_224 = arith.constant 160 : i32
      %add3A_225 = arith.addi %mul3A_2, %add3A_224 : i32
      %dma_start3A = arith.constant 0 : i32
      %dma_start3A_226 = tpu.memref_slice %arg5[%add3A_225, %dma_start3A] : memref<12288x1024xf32, #tpu.memory_space<hbm>> -> memref<32x1024xf32, #tpu.memory_space<hbm>>
      %dma_start3A_227 = arith.constant 0 : i32
      %dma_start3A_228 = tpu.memref_slice %arg5[%add3A_225, %dma_start3A_227] : memref<12288x1024xf32, #tpu.memory_space<hbm>> -> memref<32x1024xf32, #tpu.memory_space<hbm>>
      tpu.enqueue_dma source(%arg9 : memref<32x1024xf32, #tpu.memory_space<vmem>>) target(%dma_start3A_228 : memref<32x1024xf32, #tpu.memory_space<hbm>>) target_semaphore(%arg15 : memref<!tpu.dma_semaphore, #tpu.memory_space<semaphore_mem>>)
    } else {
    }
    %add3A_104 = arith.constant 128 : i32
    %add3A_105 = arith.addi %mul3A_2, %add3A_104 : i32
    %lt3A_106 = arith.cmpi slt, %add3A_105, %squeeze3A : i32
    %convert_element_type3A_107 = arith.extui %lt3A_106 : i1 to i32
    %cond3A_108 = arith.constant 0 : i32
    %cond3A_109 = arith.cmpi ne, %convert_element_type3A_107, %cond3A_108 : i32
    scf.if %cond3A_109 {
      %add3A_218 = arith.constant 128 : i32
      %add3A_219 = arith.addi %mul3A_2, %add3A_218 : i32
      %dma_wait3A = arith.constant 0 : i32
      %dma_wait3A_220 = tpu.memref_slice %arg5[%add3A_219, %dma_wait3A] : memref<12288x1024xf32, #tpu.memory_space<hbm>> -> memref<32x1024xf32, #tpu.memory_space<hbm>>
      %dma_wait3A_221 = arith.constant 0 : i32
      %dma_wait3A_222 = tpu.memref_slice %arg5[%add3A_219, %dma_wait3A_221] : memref<12288x1024xf32, #tpu.memory_space<hbm>> -> memref<32x1024xf32, #tpu.memory_space<hbm>>
      tpu.wait_dma2 semaphore(%arg14 : memref<!tpu.dma_semaphore, #tpu.memory_space<semaphore_mem>>) src(%arg8 : memref<32x1024xf32, #tpu.memory_space<vmem>>) dst(%dma_wait3A_222 : memref<32x1024xf32, #tpu.memory_space<hbm>>)
    } else {
    }
    %add3A_110 = arith.constant 224 : i32
    %add3A_111 = arith.addi %mul3A_2, %add3A_110 : i32
    %lt3A_112 = arith.cmpi slt, %add3A_111, %squeeze3A : i32
    %convert_element_type3A_113 = arith.extui %lt3A_112 : i1 to i32
    %cond3A_114 = arith.constant 0 : i32
    %cond3A_115 = arith.cmpi ne, %convert_element_type3A_113, %cond3A_114 : i32
    scf.if %cond3A_115 {
      %dma_start3A = arith.constant 7 : i32
      %dma_start3A_218 = arith.constant 0 : i32
      %dma_start3A_219 = tpu.memref_slice %arg6[%dma_start3A, %dma_start3A_218] : memref<12x32xi32, #tpu.memory_space<vmem>> -> memref<1x32xi32, #tpu.memory_space<vmem>>
      %dma_start3A_220 = tpu.memref_squeeze %dma_start3A_219 : memref<1x32xi32, #tpu.memory_space<vmem>> -> memref<32xi32, #tpu.memory_space<vmem>>
      %dma_start3A_221 = arith.constant 0 : i32
      %dma_start3A_222 = arith.constant 0 : i32
      %dma_start3A_223 = tpu.memref_slice %arg2[%dma_start3A_221, %dma_start3A_222] : memref<4096x1024xf32, #tpu.memory_space<hbm>> -> memref<4096x1024xf32, #tpu.memory_space<hbm>>
      tpu.enqueue_indirect_dma source(%dma_start3A_223 : memref<4096x1024xf32, #tpu.memory_space<hbm>>) target(%arg8 : memref<32x1024xf32, #tpu.memory_space<vmem>>) offsets(%dma_start3A_220 : memref<32xi32, #tpu.memory_space<vmem>>) semaphore(%arg11 : memref<!tpu.dma_semaphore, #tpu.memory_space<semaphore_mem>>)
    } else {
    }
    %add3A_116 = arith.constant 192 : i32
    %add3A_117 = arith.addi %mul3A_2, %add3A_116 : i32
    %lt3A_118 = arith.cmpi slt, %add3A_117, %squeeze3A : i32
    %convert_element_type3A_119 = arith.extui %lt3A_118 : i1 to i32
    %cond3A_120 = arith.constant 0 : i32
    %cond3A_121 = arith.cmpi ne, %convert_element_type3A_119, %cond3A_120 : i32
    scf.if %cond3A_121 {
      %dma_wait3A = arith.constant 6 : i32
      %dma_wait3A_218 = arith.constant 0 : i32
      %dma_wait3A_219 = tpu.memref_slice %arg6[%dma_wait3A, %dma_wait3A_218] : memref<12x32xi32, #tpu.memory_space<vmem>> -> memref<1x32xi32, #tpu.memory_space<vmem>>
      %dma_wait3A_220 = tpu.memref_squeeze %dma_wait3A_219 : memref<1x32xi32, #tpu.memory_space<vmem>> -> memref<32xi32, #tpu.memory_space<vmem>>
      %dma_wait3A_221 = arith.constant 0 : i32
      %dma_wait3A_222 = arith.constant 0 : i32
      %dma_wait3A_223 = tpu.memref_slice %arg2[%dma_wait3A_221, %dma_wait3A_222] : memref<4096x1024xf32, #tpu.memory_space<hbm>> -> memref<4096x1024xf32, #tpu.memory_space<hbm>>
      tpu.wait_indirect_dma semaphore(%arg10 : memref<!tpu.dma_semaphore, #tpu.memory_space<semaphore_mem>>) src(%dma_wait3A_223 : memref<4096x1024xf32, #tpu.memory_space<hbm>>) dst(%arg7 : memref<32x1024xf32, #tpu.memory_space<vmem>>)
      %add3A_224 = arith.constant 192 : i32
      %add3A_225 = arith.addi %mul3A_2, %add3A_224 : i32
      %dma_start3A = arith.constant 0 : i32
      %dma_start3A_226 = tpu.memref_slice %arg5[%add3A_225, %dma_start3A] : memref<12288x1024xf32, #tpu.memory_space<hbm>> -> memref<32x1024xf32, #tpu.memory_space<hbm>>
      %dma_start3A_227 = arith.constant 0 : i32
      %dma_start3A_228 = tpu.memref_slice %arg5[%add3A_225, %dma_start3A_227] : memref<12288x1024xf32, #tpu.memory_space<hbm>> -> memref<32x1024xf32, #tpu.memory_space<hbm>>
      tpu.enqueue_dma source(%arg7 : memref<32x1024xf32, #tpu.memory_space<vmem>>) target(%dma_start3A_228 : memref<32x1024xf32, #tpu.memory_space<hbm>>) target_semaphore(%arg13 : memref<!tpu.dma_semaphore, #tpu.memory_space<semaphore_mem>>)
    } else {
    }
    %add3A_122 = arith.constant 160 : i32
    %add3A_123 = arith.addi %mul3A_2, %add3A_122 : i32
    %lt3A_124 = arith.cmpi slt, %add3A_123, %squeeze3A : i32
    %convert_element_type3A_125 = arith.extui %lt3A_124 : i1 to i32
    %cond3A_126 = arith.constant 0 : i32
    %cond3A_127 = arith.cmpi ne, %convert_element_type3A_125, %cond3A_126 : i32
    scf.if %cond3A_127 {
      %add3A_218 = arith.constant 160 : i32
      %add3A_219 = arith.addi %mul3A_2, %add3A_218 : i32
      %dma_wait3A = arith.constant 0 : i32
      %dma_wait3A_220 = tpu.memref_slice %arg5[%add3A_219, %dma_wait3A] : memref<12288x1024xf32, #tpu.memory_space<hbm>> -> memref<32x1024xf32, #tpu.memory_space<hbm>>
      %dma_wait3A_221 = arith.constant 0 : i32
      %dma_wait3A_222 = tpu.memref_slice %arg5[%add3A_219, %dma_wait3A_221] : memref<12288x1024xf32, #tpu.memory_space<hbm>> -> memref<32x1024xf32, #tpu.memory_space<hbm>>
      tpu.wait_dma2 semaphore(%arg15 : memref<!tpu.dma_semaphore, #tpu.memory_space<semaphore_mem>>) src(%arg9 : memref<32x1024xf32, #tpu.memory_space<vmem>>) dst(%dma_wait3A_222 : memref<32x1024xf32, #tpu.memory_space<hbm>>)
    } else {
    }
    %add3A_128 = arith.constant 256 : i32
    %add3A_129 = arith.addi %mul3A_2, %add3A_128 : i32
    %lt3A_130 = arith.cmpi slt, %add3A_129, %squeeze3A : i32
    %convert_element_type3A_131 = arith.extui %lt3A_130 : i1 to i32
    %cond3A_132 = arith.constant 0 : i32
    %cond3A_133 = arith.cmpi ne, %convert_element_type3A_131, %cond3A_132 : i32
    scf.if %cond3A_133 {
      %dma_start3A = arith.constant 8 : i32
      %dma_start3A_218 = arith.constant 0 : i32
      %dma_start3A_219 = tpu.memref_slice %arg6[%dma_start3A, %dma_start3A_218] : memref<12x32xi32, #tpu.memory_space<vmem>> -> memref<1x32xi32, #tpu.memory_space<vmem>>
      %dma_start3A_220 = tpu.memref_squeeze %dma_start3A_219 : memref<1x32xi32, #tpu.memory_space<vmem>> -> memref<32xi32, #tpu.memory_space<vmem>>
      %dma_start3A_221 = arith.constant 0 : i32
      %dma_start3A_222 = arith.constant 0 : i32
      %dma_start3A_223 = tpu.memref_slice %arg2[%dma_start3A_221, %dma_start3A_222] : memref<4096x1024xf32, #tpu.memory_space<hbm>> -> memref<4096x1024xf32, #tpu.memory_space<hbm>>
      tpu.enqueue_indirect_dma source(%dma_start3A_223 : memref<4096x1024xf32, #tpu.memory_space<hbm>>) target(%arg9 : memref<32x1024xf32, #tpu.memory_space<vmem>>) offsets(%dma_start3A_220 : memref<32xi32, #tpu.memory_space<vmem>>) semaphore(%arg12 : memref<!tpu.dma_semaphore, #tpu.memory_space<semaphore_mem>>)
    } else {
    }
    %add3A_134 = arith.constant 224 : i32
    %add3A_135 = arith.addi %mul3A_2, %add3A_134 : i32
    %lt3A_136 = arith.cmpi slt, %add3A_135, %squeeze3A : i32
    %convert_element_type3A_137 = arith.extui %lt3A_136 : i1 to i32
    %cond3A_138 = arith.constant 0 : i32
    %cond3A_139 = arith.cmpi ne, %convert_element_type3A_137, %cond3A_138 : i32
    scf.if %cond3A_139 {
      %dma_wait3A = arith.constant 7 : i32
      %dma_wait3A_218 = arith.constant 0 : i32
      %dma_wait3A_219 = tpu.memref_slice %arg6[%dma_wait3A, %dma_wait3A_218] : memref<12x32xi32, #tpu.memory_space<vmem>> -> memref<1x32xi32, #tpu.memory_space<vmem>>
      %dma_wait3A_220 = tpu.memref_squeeze %dma_wait3A_219 : memref<1x32xi32, #tpu.memory_space<vmem>> -> memref<32xi32, #tpu.memory_space<vmem>>
      %dma_wait3A_221 = arith.constant 0 : i32
      %dma_wait3A_222 = arith.constant 0 : i32
      %dma_wait3A_223 = tpu.memref_slice %arg2[%dma_wait3A_221, %dma_wait3A_222] : memref<4096x1024xf32, #tpu.memory_space<hbm>> -> memref<4096x1024xf32, #tpu.memory_space<hbm>>
      tpu.wait_indirect_dma semaphore(%arg11 : memref<!tpu.dma_semaphore, #tpu.memory_space<semaphore_mem>>) src(%dma_wait3A_223 : memref<4096x1024xf32, #tpu.memory_space<hbm>>) dst(%arg8 : memref<32x1024xf32, #tpu.memory_space<vmem>>)
      %add3A_224 = arith.constant 224 : i32
      %add3A_225 = arith.addi %mul3A_2, %add3A_224 : i32
      %dma_start3A = arith.constant 0 : i32
      %dma_start3A_226 = tpu.memref_slice %arg5[%add3A_225, %dma_start3A] : memref<12288x1024xf32, #tpu.memory_space<hbm>> -> memref<32x1024xf32, #tpu.memory_space<hbm>>
      %dma_start3A_227 = arith.constant 0 : i32
      %dma_start3A_228 = tpu.memref_slice %arg5[%add3A_225, %dma_start3A_227] : memref<12288x1024xf32, #tpu.memory_space<hbm>> -> memref<32x1024xf32, #tpu.memory_space<hbm>>
      tpu.enqueue_dma source(%arg8 : memref<32x1024xf32, #tpu.memory_space<vmem>>) target(%dma_start3A_228 : memref<32x1024xf32, #tpu.memory_space<hbm>>) target_semaphore(%arg14 : memref<!tpu.dma_semaphore, #tpu.memory_space<semaphore_mem>>)
    } else {
    }
    %add3A_140 = arith.constant 192 : i32
    %add3A_141 = arith.addi %mul3A_2, %add3A_140 : i32
    %lt3A_142 = arith.cmpi slt, %add3A_141, %squeeze3A : i32
    %convert_element_type3A_143 = arith.extui %lt3A_142 : i1 to i32
    %cond3A_144 = arith.constant 0 : i32
    %cond3A_145 = arith.cmpi ne, %convert_element_type3A_143, %cond3A_144 : i32
    scf.if %cond3A_145 {
      %add3A_218 = arith.constant 192 : i32
      %add3A_219 = arith.addi %mul3A_2, %add3A_218 : i32
      %dma_wait3A = arith.constant 0 : i32
      %dma_wait3A_220 = tpu.memref_slice %arg5[%add3A_219, %dma_wait3A] : memref<12288x1024xf32, #tpu.memory_space<hbm>> -> memref<32x1024xf32, #tpu.memory_space<hbm>>
      %dma_wait3A_221 = arith.constant 0 : i32
      %dma_wait3A_222 = tpu.memref_slice %arg5[%add3A_219, %dma_wait3A_221] : memref<12288x1024xf32, #tpu.memory_space<hbm>> -> memref<32x1024xf32, #tpu.memory_space<hbm>>
      tpu.wait_dma2 semaphore(%arg13 : memref<!tpu.dma_semaphore, #tpu.memory_space<semaphore_mem>>) src(%arg7 : memref<32x1024xf32, #tpu.memory_space<vmem>>) dst(%dma_wait3A_222 : memref<32x1024xf32, #tpu.memory_space<hbm>>)
    } else {
    }
    %add3A_146 = arith.constant 288 : i32
    %add3A_147 = arith.addi %mul3A_2, %add3A_146 : i32
    %lt3A_148 = arith.cmpi slt, %add3A_147, %squeeze3A : i32
    %convert_element_type3A_149 = arith.extui %lt3A_148 : i1 to i32
    %cond3A_150 = arith.constant 0 : i32
    %cond3A_151 = arith.cmpi ne, %convert_element_type3A_149, %cond3A_150 : i32
    scf.if %cond3A_151 {
      %dma_start3A = arith.constant 9 : i32
      %dma_start3A_218 = arith.constant 0 : i32
      %dma_start3A_219 = tpu.memref_slice %arg6[%dma_start3A, %dma_start3A_218] : memref<12x32xi32, #tpu.memory_space<vmem>> -> memref<1x32xi32, #tpu.memory_space<vmem>>
      %dma_start3A_220 = tpu.memref_squeeze %dma_start3A_219 : memref<1x32xi32, #tpu.memory_space<vmem>> -> memref<32xi32, #tpu.memory_space<vmem>>
      %dma_start3A_221 = arith.constant 0 : i32
      %dma_start3A_222 = arith.constant 0 : i32
      %dma_start3A_223 = tpu.memref_slice %arg2[%dma_start3A_221, %dma_start3A_222] : memref<4096x1024xf32, #tpu.memory_space<hbm>> -> memref<4096x1024xf32, #tpu.memory_space<hbm>>
      tpu.enqueue_indirect_dma source(%dma_start3A_223 : memref<4096x1024xf32, #tpu.memory_space<hbm>>) target(%arg7 : memref<32x1024xf32, #tpu.memory_space<vmem>>) offsets(%dma_start3A_220 : memref<32xi32, #tpu.memory_space<vmem>>) semaphore(%arg10 : memref<!tpu.dma_semaphore, #tpu.memory_space<semaphore_mem>>)
    } else {
    }
    %add3A_152 = arith.constant 256 : i32
    %add3A_153 = arith.addi %mul3A_2, %add3A_152 : i32
    %lt3A_154 = arith.cmpi slt, %add3A_153, %squeeze3A : i32
    %convert_element_type3A_155 = arith.extui %lt3A_154 : i1 to i32
    %cond3A_156 = arith.constant 0 : i32
    %cond3A_157 = arith.cmpi ne, %convert_element_type3A_155, %cond3A_156 : i32
    scf.if %cond3A_157 {
      %dma_wait3A = arith.constant 8 : i32
      %dma_wait3A_218 = arith.constant 0 : i32
      %dma_wait3A_219 = tpu.memref_slice %arg6[%dma_wait3A, %dma_wait3A_218] : memref<12x32xi32, #tpu.memory_space<vmem>> -> memref<1x32xi32, #tpu.memory_space<vmem>>
      %dma_wait3A_220 = tpu.memref_squeeze %dma_wait3A_219 : memref<1x32xi32, #tpu.memory_space<vmem>> -> memref<32xi32, #tpu.memory_space<vmem>>
      %dma_wait3A_221 = arith.constant 0 : i32
      %dma_wait3A_222 = arith.constant 0 : i32
      %dma_wait3A_223 = tpu.memref_slice %arg2[%dma_wait3A_221, %dma_wait3A_222] : memref<4096x1024xf32, #tpu.memory_space<hbm>> -> memref<4096x1024xf32, #tpu.memory_space<hbm>>
      tpu.wait_indirect_dma semaphore(%arg12 : memref<!tpu.dma_semaphore, #tpu.memory_space<semaphore_mem>>) src(%dma_wait3A_223 : memref<4096x1024xf32, #tpu.memory_space<hbm>>) dst(%arg9 : memref<32x1024xf32, #tpu.memory_space<vmem>>)
      %add3A_224 = arith.constant 256 : i32
      %add3A_225 = arith.addi %mul3A_2, %add3A_224 : i32
      %dma_start3A = arith.constant 0 : i32
      %dma_start3A_226 = tpu.memref_slice %arg5[%add3A_225, %dma_start3A] : memref<12288x1024xf32, #tpu.memory_space<hbm>> -> memref<32x1024xf32, #tpu.memory_space<hbm>>
      %dma_start3A_227 = arith.constant 0 : i32
      %dma_start3A_228 = tpu.memref_slice %arg5[%add3A_225, %dma_start3A_227] : memref<12288x1024xf32, #tpu.memory_space<hbm>> -> memref<32x1024xf32, #tpu.memory_space<hbm>>
      tpu.enqueue_dma source(%arg9 : memref<32x1024xf32, #tpu.memory_space<vmem>>) target(%dma_start3A_228 : memref<32x1024xf32, #tpu.memory_space<hbm>>) target_semaphore(%arg15 : memref<!tpu.dma_semaphore, #tpu.memory_space<semaphore_mem>>)
    } else {
    }
    %add3A_158 = arith.constant 224 : i32
    %add3A_159 = arith.addi %mul3A_2, %add3A_158 : i32
    %lt3A_160 = arith.cmpi slt, %add3A_159, %squeeze3A : i32
    %convert_element_type3A_161 = arith.extui %lt3A_160 : i1 to i32
    %cond3A_162 = arith.constant 0 : i32
    %cond3A_163 = arith.cmpi ne, %convert_element_type3A_161, %cond3A_162 : i32
    scf.if %cond3A_163 {
      %add3A_218 = arith.constant 224 : i32
      %add3A_219 = arith.addi %mul3A_2, %add3A_218 : i32
      %dma_wait3A = arith.constant 0 : i32
      %dma_wait3A_220 = tpu.memref_slice %arg5[%add3A_219, %dma_wait3A] : memref<12288x1024xf32, #tpu.memory_space<hbm>> -> memref<32x1024xf32, #tpu.memory_space<hbm>>
      %dma_wait3A_221 = arith.constant 0 : i32
      %dma_wait3A_222 = tpu.memref_slice %arg5[%add3A_219, %dma_wait3A_221] : memref<12288x1024xf32, #tpu.memory_space<hbm>> -> memref<32x1024xf32, #tpu.memory_space<hbm>>
      tpu.wait_dma2 semaphore(%arg14 : memref<!tpu.dma_semaphore, #tpu.memory_space<semaphore_mem>>) src(%arg8 : memref<32x1024xf32, #tpu.memory_space<vmem>>) dst(%dma_wait3A_222 : memref<32x1024xf32, #tpu.memory_space<hbm>>)
    } else {
    }
    %add3A_164 = arith.constant 320 : i32
    %add3A_165 = arith.addi %mul3A_2, %add3A_164 : i32
    %lt3A_166 = arith.cmpi slt, %add3A_165, %squeeze3A : i32
    %convert_element_type3A_167 = arith.extui %lt3A_166 : i1 to i32
    %cond3A_168 = arith.constant 0 : i32
    %cond3A_169 = arith.cmpi ne, %convert_element_type3A_167, %cond3A_168 : i32
    scf.if %cond3A_169 {
      %dma_start3A = arith.constant 10 : i32
      %dma_start3A_218 = arith.constant 0 : i32
      %dma_start3A_219 = tpu.memref_slice %arg6[%dma_start3A, %dma_start3A_218] : memref<12x32xi32, #tpu.memory_space<vmem>> -> memref<1x32xi32, #tpu.memory_space<vmem>>
      %dma_start3A_220 = tpu.memref_squeeze %dma_start3A_219 : memref<1x32xi32, #tpu.memory_space<vmem>> -> memref<32xi32, #tpu.memory_space<vmem>>
      %dma_start3A_221 = arith.constant 0 : i32
      %dma_start3A_222 = arith.constant 0 : i32
      %dma_start3A_223 = tpu.memref_slice %arg2[%dma_start3A_221, %dma_start3A_222] : memref<4096x1024xf32, #tpu.memory_space<hbm>> -> memref<4096x1024xf32, #tpu.memory_space<hbm>>
      tpu.enqueue_indirect_dma source(%dma_start3A_223 : memref<4096x1024xf32, #tpu.memory_space<hbm>>) target(%arg8 : memref<32x1024xf32, #tpu.memory_space<vmem>>) offsets(%dma_start3A_220 : memref<32xi32, #tpu.memory_space<vmem>>) semaphore(%arg11 : memref<!tpu.dma_semaphore, #tpu.memory_space<semaphore_mem>>)
    } else {
    }
    %add3A_170 = arith.constant 288 : i32
    %add3A_171 = arith.addi %mul3A_2, %add3A_170 : i32
    %lt3A_172 = arith.cmpi slt, %add3A_171, %squeeze3A : i32
    %convert_element_type3A_173 = arith.extui %lt3A_172 : i1 to i32
    %cond3A_174 = arith.constant 0 : i32
    %cond3A_175 = arith.cmpi ne, %convert_element_type3A_173, %cond3A_174 : i32
    scf.if %cond3A_175 {
      %dma_wait3A = arith.constant 9 : i32
      %dma_wait3A_218 = arith.constant 0 : i32
      %dma_wait3A_219 = tpu.memref_slice %arg6[%dma_wait3A, %dma_wait3A_218] : memref<12x32xi32, #tpu.memory_space<vmem>> -> memref<1x32xi32, #tpu.memory_space<vmem>>
      %dma_wait3A_220 = tpu.memref_squeeze %dma_wait3A_219 : memref<1x32xi32, #tpu.memory_space<vmem>> -> memref<32xi32, #tpu.memory_space<vmem>>
      %dma_wait3A_221 = arith.constant 0 : i32
      %dma_wait3A_222 = arith.constant 0 : i32
      %dma_wait3A_223 = tpu.memref_slice %arg2[%dma_wait3A_221, %dma_wait3A_222] : memref<4096x1024xf32, #tpu.memory_space<hbm>> -> memref<4096x1024xf32, #tpu.memory_space<hbm>>
      tpu.wait_indirect_dma semaphore(%arg10 : memref<!tpu.dma_semaphore, #tpu.memory_space<semaphore_mem>>) src(%dma_wait3A_223 : memref<4096x1024xf32, #tpu.memory_space<hbm>>) dst(%arg7 : memref<32x1024xf32, #tpu.memory_space<vmem>>)
      %add3A_224 = arith.constant 288 : i32
      %add3A_225 = arith.addi %mul3A_2, %add3A_224 : i32
      %dma_start3A = arith.constant 0 : i32
      %dma_start3A_226 = tpu.memref_slice %arg5[%add3A_225, %dma_start3A] : memref<12288x1024xf32, #tpu.memory_space<hbm>> -> memref<32x1024xf32, #tpu.memory_space<hbm>>
      %dma_start3A_227 = arith.constant 0 : i32
      %dma_start3A_228 = tpu.memref_slice %arg5[%add3A_225, %dma_start3A_227] : memref<12288x1024xf32, #tpu.memory_space<hbm>> -> memref<32x1024xf32, #tpu.memory_space<hbm>>
      tpu.enqueue_dma source(%arg7 : memref<32x1024xf32, #tpu.memory_space<vmem>>) target(%dma_start3A_228 : memref<32x1024xf32, #tpu.memory_space<hbm>>) target_semaphore(%arg13 : memref<!tpu.dma_semaphore, #tpu.memory_space<semaphore_mem>>)
    } else {
    }
    %add3A_176 = arith.constant 256 : i32
    %add3A_177 = arith.addi %mul3A_2, %add3A_176 : i32
    %lt3A_178 = arith.cmpi slt, %add3A_177, %squeeze3A : i32
    %convert_element_type3A_179 = arith.extui %lt3A_178 : i1 to i32
    %cond3A_180 = arith.constant 0 : i32
    %cond3A_181 = arith.cmpi ne, %convert_element_type3A_179, %cond3A_180 : i32
    scf.if %cond3A_181 {
      %add3A_218 = arith.constant 256 : i32
      %add3A_219 = arith.addi %mul3A_2, %add3A_218 : i32
      %dma_wait3A = arith.constant 0 : i32
      %dma_wait3A_220 = tpu.memref_slice %arg5[%add3A_219, %dma_wait3A] : memref<12288x1024xf32, #tpu.memory_space<hbm>> -> memref<32x1024xf32, #tpu.memory_space<hbm>>
      %dma_wait3A_221 = arith.constant 0 : i32
      %dma_wait3A_222 = tpu.memref_slice %arg5[%add3A_219, %dma_wait3A_221] : memref<12288x1024xf32, #tpu.memory_space<hbm>> -> memref<32x1024xf32, #tpu.memory_space<hbm>>
      tpu.wait_dma2 semaphore(%arg15 : memref<!tpu.dma_semaphore, #tpu.memory_space<semaphore_mem>>) src(%arg9 : memref<32x1024xf32, #tpu.memory_space<vmem>>) dst(%dma_wait3A_222 : memref<32x1024xf32, #tpu.memory_space<hbm>>)
    } else {
    }
    %add3A_182 = arith.constant 352 : i32
    %add3A_183 = arith.addi %mul3A_2, %add3A_182 : i32
    %lt3A_184 = arith.cmpi slt, %add3A_183, %squeeze3A : i32
    %convert_element_type3A_185 = arith.extui %lt3A_184 : i1 to i32
    %cond3A_186 = arith.constant 0 : i32
    %cond3A_187 = arith.cmpi ne, %convert_element_type3A_185, %cond3A_186 : i32
    scf.if %cond3A_187 {
      %dma_start3A = arith.constant 11 : i32
      %dma_start3A_218 = arith.constant 0 : i32
      %dma_start3A_219 = tpu.memref_slice %arg6[%dma_start3A, %dma_start3A_218] : memref<12x32xi32, #tpu.memory_space<vmem>> -> memref<1x32xi32, #tpu.memory_space<vmem>>
      %dma_start3A_220 = tpu.memref_squeeze %dma_start3A_219 : memref<1x32xi32, #tpu.memory_space<vmem>> -> memref<32xi32, #tpu.memory_space<vmem>>
      %dma_start3A_221 = arith.constant 0 : i32
      %dma_start3A_222 = arith.constant 0 : i32
      %dma_start3A_223 = tpu.memref_slice %arg2[%dma_start3A_221, %dma_start3A_222] : memref<4096x1024xf32, #tpu.memory_space<hbm>> -> memref<4096x1024xf32, #tpu.memory_space<hbm>>
      tpu.enqueue_indirect_dma source(%dma_start3A_223 : memref<4096x1024xf32, #tpu.memory_space<hbm>>) target(%arg9 : memref<32x1024xf32, #tpu.memory_space<vmem>>) offsets(%dma_start3A_220 : memref<32xi32, #tpu.memory_space<vmem>>) semaphore(%arg12 : memref<!tpu.dma_semaphore, #tpu.memory_space<semaphore_mem>>)
    } else {
    }
    %add3A_188 = arith.constant 320 : i32
    %add3A_189 = arith.addi %mul3A_2, %add3A_188 : i32
    %lt3A_190 = arith.cmpi slt, %add3A_189, %squeeze3A : i32
    %convert_element_type3A_191 = arith.extui %lt3A_190 : i1 to i32
    %cond3A_192 = arith.constant 0 : i32
    %cond3A_193 = arith.cmpi ne, %convert_element_type3A_191, %cond3A_192 : i32
    scf.if %cond3A_193 {
      %dma_wait3A = arith.constant 10 : i32
      %dma_wait3A_218 = arith.constant 0 : i32
      %dma_wait3A_219 = tpu.memref_slice %arg6[%dma_wait3A, %dma_wait3A_218] : memref<12x32xi32, #tpu.memory_space<vmem>> -> memref<1x32xi32, #tpu.memory_space<vmem>>
      %dma_wait3A_220 = tpu.memref_squeeze %dma_wait3A_219 : memref<1x32xi32, #tpu.memory_space<vmem>> -> memref<32xi32, #tpu.memory_space<vmem>>
      %dma_wait3A_221 = arith.constant 0 : i32
      %dma_wait3A_222 = arith.constant 0 : i32
      %dma_wait3A_223 = tpu.memref_slice %arg2[%dma_wait3A_221, %dma_wait3A_222] : memref<4096x1024xf32, #tpu.memory_space<hbm>> -> memref<4096x1024xf32, #tpu.memory_space<hbm>>
      tpu.wait_indirect_dma semaphore(%arg11 : memref<!tpu.dma_semaphore, #tpu.memory_space<semaphore_mem>>) src(%dma_wait3A_223 : memref<4096x1024xf32, #tpu.memory_space<hbm>>) dst(%arg8 : memref<32x1024xf32, #tpu.memory_space<vmem>>)
      %add3A_224 = arith.constant 320 : i32
      %add3A_225 = arith.addi %mul3A_2, %add3A_224 : i32
      %dma_start3A = arith.constant 0 : i32
      %dma_start3A_226 = tpu.memref_slice %arg5[%add3A_225, %dma_start3A] : memref<12288x1024xf32, #tpu.memory_space<hbm>> -> memref<32x1024xf32, #tpu.memory_space<hbm>>
      %dma_start3A_227 = arith.constant 0 : i32
      %dma_start3A_228 = tpu.memref_slice %arg5[%add3A_225, %dma_start3A_227] : memref<12288x1024xf32, #tpu.memory_space<hbm>> -> memref<32x1024xf32, #tpu.memory_space<hbm>>
      tpu.enqueue_dma source(%arg8 : memref<32x1024xf32, #tpu.memory_space<vmem>>) target(%dma_start3A_228 : memref<32x1024xf32, #tpu.memory_space<hbm>>) target_semaphore(%arg14 : memref<!tpu.dma_semaphore, #tpu.memory_space<semaphore_mem>>)
    } else {
    }
    %add3A_194 = arith.constant 352 : i32
    %add3A_195 = arith.addi %mul3A_2, %add3A_194 : i32
    %lt3A_196 = arith.cmpi slt, %add3A_195, %squeeze3A : i32
    %convert_element_type3A_197 = arith.extui %lt3A_196 : i1 to i32
    %cond3A_198 = arith.constant 0 : i32
    %cond3A_199 = arith.cmpi ne, %convert_element_type3A_197, %cond3A_198 : i32
    scf.if %cond3A_199 {
      %dma_wait3A = arith.constant 11 : i32
      %dma_wait3A_218 = arith.constant 0 : i32
      %dma_wait3A_219 = tpu.memref_slice %arg6[%dma_wait3A, %dma_wait3A_218] : memref<12x32xi32, #tpu.memory_space<vmem>> -> memref<1x32xi32, #tpu.memory_space<vmem>>
      %dma_wait3A_220 = tpu.memref_squeeze %dma_wait3A_219 : memref<1x32xi32, #tpu.memory_space<vmem>> -> memref<32xi32, #tpu.memory_space<vmem>>
      %dma_wait3A_221 = arith.constant 0 : i32
      %dma_wait3A_222 = arith.constant 0 : i32
      %dma_wait3A_223 = tpu.memref_slice %arg2[%dma_wait3A_221, %dma_wait3A_222] : memref<4096x1024xf32, #tpu.memory_space<hbm>> -> memref<4096x1024xf32, #tpu.memory_space<hbm>>
      tpu.wait_indirect_dma semaphore(%arg12 : memref<!tpu.dma_semaphore, #tpu.memory_space<semaphore_mem>>) src(%dma_wait3A_223 : memref<4096x1024xf32, #tpu.memory_space<hbm>>) dst(%arg9 : memref<32x1024xf32, #tpu.memory_space<vmem>>)
      %add3A_224 = arith.constant 352 : i32
      %add3A_225 = arith.addi %mul3A_2, %add3A_224 : i32
      %dma_start3A = arith.constant 0 : i32
      %dma_start3A_226 = tpu.memref_slice %arg5[%add3A_225, %dma_start3A] : memref<12288x1024xf32, #tpu.memory_space<hbm>> -> memref<32x1024xf32, #tpu.memory_space<hbm>>
      %dma_start3A_227 = arith.constant 0 : i32
      %dma_start3A_228 = tpu.memref_slice %arg5[%add3A_225, %dma_start3A_227] : memref<12288x1024xf32, #tpu.memory_space<hbm>> -> memref<32x1024xf32, #tpu.memory_space<hbm>>
      tpu.enqueue_dma source(%arg9 : memref<32x1024xf32, #tpu.memory_space<vmem>>) target(%dma_start3A_228 : memref<32x1024xf32, #tpu.memory_space<hbm>>) target_semaphore(%arg15 : memref<!tpu.dma_semaphore, #tpu.memory_space<semaphore_mem>>)
    } else {
    }
    %add3A_200 = arith.constant 288 : i32
    %add3A_201 = arith.addi %mul3A_2, %add3A_200 : i32
    %lt3A_202 = arith.cmpi slt, %add3A_201, %squeeze3A : i32
    %convert_element_type3A_203 = arith.extui %lt3A_202 : i1 to i32
    %cond3A_204 = arith.constant 0 : i32
    %cond3A_205 = arith.cmpi ne, %convert_element_type3A_203, %cond3A_204 : i32
    scf.if %cond3A_205 {
      %add3A_218 = arith.constant 288 : i32
      %add3A_219 = arith.addi %mul3A_2, %add3A_218 : i32
      %dma_wait3A = arith.constant 0 : i32
      %dma_wait3A_220 = tpu.memref_slice %arg5[%add3A_219, %dma_wait3A] : memref<12288x1024xf32, #tpu.memory_space<hbm>> -> memref<32x1024xf32, #tpu.memory_space<hbm>>
      %dma_wait3A_221 = arith.constant 0 : i32
      %dma_wait3A_222 = tpu.memref_slice %arg5[%add3A_219, %dma_wait3A_221] : memref<12288x1024xf32, #tpu.memory_space<hbm>> -> memref<32x1024xf32, #tpu.memory_space<hbm>>
      tpu.wait_dma2 semaphore(%arg13 : memref<!tpu.dma_semaphore, #tpu.memory_space<semaphore_mem>>) src(%arg7 : memref<32x1024xf32, #tpu.memory_space<vmem>>) dst(%dma_wait3A_222 : memref<32x1024xf32, #tpu.memory_space<hbm>>)
    } else {
    }
    %add3A_206 = arith.constant 320 : i32
    %add3A_207 = arith.addi %mul3A_2, %add3A_206 : i32
    %lt3A_208 = arith.cmpi slt, %add3A_207, %squeeze3A : i32
    %convert_element_type3A_209 = arith.extui %lt3A_208 : i1 to i32
    %cond3A_210 = arith.constant 0 : i32
    %cond3A_211 = arith.cmpi ne, %convert_element_type3A_209, %cond3A_210 : i32
    scf.if %cond3A_211 {
      %add3A_218 = arith.constant 320 : i32
      %add3A_219 = arith.addi %mul3A_2, %add3A_218 : i32
      %dma_wait3A = arith.constant 0 : i32
      %dma_wait3A_220 = tpu.memref_slice %arg5[%add3A_219, %dma_wait3A] : memref<12288x1024xf32, #tpu.memory_space<hbm>> -> memref<32x1024xf32, #tpu.memory_space<hbm>>
      %dma_wait3A_221 = arith.constant 0 : i32
      %dma_wait3A_222 = tpu.memref_slice %arg5[%add3A_219, %dma_wait3A_221] : memref<12288x1024xf32, #tpu.memory_space<hbm>> -> memref<32x1024xf32, #tpu.memory_space<hbm>>
      tpu.wait_dma2 semaphore(%arg14 : memref<!tpu.dma_semaphore, #tpu.memory_space<semaphore_mem>>) src(%arg8 : memref<32x1024xf32, #tpu.memory_space<vmem>>) dst(%dma_wait3A_222 : memref<32x1024xf32, #tpu.memory_space<hbm>>)
    } else {
    }
    %add3A_212 = arith.constant 352 : i32
    %add3A_213 = arith.addi %mul3A_2, %add3A_212 : i32
    %lt3A_214 = arith.cmpi slt, %add3A_213, %squeeze3A : i32
    %convert_element_type3A_215 = arith.extui %lt3A_214 : i1 to i32
    %cond3A_216 = arith.constant 0 : i32
    %cond3A_217 = arith.cmpi ne, %convert_element_type3A_215, %cond3A_216 : i32
    scf.if %cond3A_217 {
      %add3A_218 = arith.constant 352 : i32
      %add3A_219 = arith.addi %mul3A_2, %add3A_218 : i32
      %dma_wait3A = arith.constant 0 : i32
      %dma_wait3A_220 = tpu.memref_slice %arg5[%add3A_219, %dma_wait3A] : memref<12288x1024xf32, #tpu.memory_space<hbm>> -> memref<32x1024xf32, #tpu.memory_space<hbm>>
      %dma_wait3A_221 = arith.constant 0 : i32
      %dma_wait3A_222 = tpu.memref_slice %arg5[%add3A_219, %dma_wait3A_221] : memref<12288x1024xf32, #tpu.memory_space<hbm>> -> memref<32x1024xf32, #tpu.memory_space<hbm>>
      tpu.wait_dma2 semaphore(%arg15 : memref<!tpu.dma_semaphore, #tpu.memory_space<semaphore_mem>>) src(%arg9 : memref<32x1024xf32, #tpu.memory_space<vmem>>) dst(%dma_wait3A_222 : memref<32x1024xf32, #tpu.memory_space<hbm>>)
    } else {
    }
    return
  }
}

#map = affine_map<(d0, d1) -> (0, 0)>
#map1 = affine_map<(d0, d1) -> (0, 0, 0)>
#map2 = affine_map<(d0, d1) -> (0)>
module attributes {stable_mosaic.version = 14 : i64} {
  func.func @gather_kernel(%arg0: i32, %arg1: i32, %arg2: memref<12288x1024xf32, #tpu.memory_space<hbm>>, %arg3: memref<32x4x32xi32, #tpu.memory_space<hbm>>, %arg4: memref<16xi32, #tpu.memory_space<hbm>>, %arg5: memref<4096x1024xf32, #tpu.memory_space<hbm>>, %arg6: memref<4x32xi32, #tpu.memory_space<vmem>>, %arg7: memref<32x1024xf32, #tpu.memory_space<vmem>>, %arg8: memref<32x1024xf32, #tpu.memory_space<vmem>>, %arg9: memref<32x1024xf32, #tpu.memory_space<vmem>>, %arg10: memref<!tpu.dma_semaphore, #tpu.memory_space<semaphore_mem>>, %arg11: memref<!tpu.dma_semaphore, #tpu.memory_space<semaphore_mem>>, %arg12: memref<!tpu.dma_semaphore, #tpu.memory_space<semaphore_mem>>, %arg13: memref<!tpu.dma_semaphore, #tpu.memory_space<semaphore_mem>>, %arg14: memref<!tpu.dma_semaphore, #tpu.memory_space<semaphore_mem>>, %arg15: memref<!tpu.dma_semaphore, #tpu.memory_space<semaphore_mem>>, %arg16: memref<16xi32, #tpu.memory_space<vmem>>) attributes {dimension_semantics = [#tpu.dimension_semantics<core_parallel>, #tpu.dimension_semantics<subcore_parallel>], iteration_bounds = array<i64: 2, 16>, scalar_prefetch = 0 : i64, scratch_operands = 11 : i64, tpu.core_type = #tpu.core_type<sc_vector_subcore>, window_params = [{transform_indices = #map}, {transform_indices = #map1}, {transform_indices = #map2}, {transform_indices = #map}]} {
    %mul3A = arith.constant 2 : i32
    %mul3A_0 = arith.muli %arg1, %mul3A : i32
    %add3A = arith.addi %mul3A_0, %arg0 : i32
    %mul3A_1 = arith.constant 128 : i32
    %mul3A_2 = arith.muli %add3A, %mul3A_1 : i32
    "tpu.region"() ({
      %run_scoped3A = tpu.sem_alloc : memref<!tpu.dma_semaphore, #tpu.memory_space<semaphore_mem>>
      tpu.enqueue_dma source(%arg4 : memref<16xi32, #tpu.memory_space<hbm>>) target(%arg16 : memref<16xi32, #tpu.memory_space<vmem>>) target_semaphore(%run_scoped3A : memref<!tpu.dma_semaphore, #tpu.memory_space<semaphore_mem>>)
      tpu.wait_dma2 semaphore(%run_scoped3A : memref<!tpu.dma_semaphore, #tpu.memory_space<semaphore_mem>>) src(%arg4 : memref<16xi32, #tpu.memory_space<hbm>>) dst(%arg16 : memref<16xi32, #tpu.memory_space<vmem>>)
      tpu.yield
    }) : () -> ()
    "tpu.region"() ({
      %run_scoped3A = tpu.sem_alloc : memref<!tpu.dma_semaphore, #tpu.memory_space<semaphore_mem>>
      %dma_start3A = arith.constant 0 : i32
      %dma_start3A_74 = arith.constant 0 : i32
      %dma_start3A_75 = tpu.memref_slice %arg3[%add3A, %dma_start3A, %dma_start3A_74] : memref<32x4x32xi32, #tpu.memory_space<hbm>> -> memref<1x4x32xi32, #tpu.memory_space<hbm>>
      %dma_start3A_76 = tpu.memref_squeeze %dma_start3A_75 : memref<1x4x32xi32, #tpu.memory_space<hbm>> -> memref<4x32xi32, #tpu.memory_space<hbm>>
      %dma_start3A_77 = arith.constant 0 : i32
      %dma_start3A_78 = arith.constant 0 : i32
      %dma_start3A_79 = tpu.memref_slice %arg3[%add3A, %dma_start3A_77, %dma_start3A_78] : memref<32x4x32xi32, #tpu.memory_space<hbm>> -> memref<1x4x32xi32, #tpu.memory_space<hbm>>
      %dma_start3A_80 = tpu.memref_squeeze %dma_start3A_79 : memref<1x4x32xi32, #tpu.memory_space<hbm>> -> memref<4x32xi32, #tpu.memory_space<hbm>>
      tpu.enqueue_dma source(%dma_start3A_80 : memref<4x32xi32, #tpu.memory_space<hbm>>) target(%arg6 : memref<4x32xi32, #tpu.memory_space<vmem>>) target_semaphore(%run_scoped3A : memref<!tpu.dma_semaphore, #tpu.memory_space<semaphore_mem>>)
      %dma_wait3A = arith.constant 0 : i32
      %dma_wait3A_81 = arith.constant 0 : i32
      %dma_wait3A_82 = tpu.memref_slice %arg3[%add3A, %dma_wait3A, %dma_wait3A_81] : memref<32x4x32xi32, #tpu.memory_space<hbm>> -> memref<1x4x32xi32, #tpu.memory_space<hbm>>
      %dma_wait3A_83 = tpu.memref_squeeze %dma_wait3A_82 : memref<1x4x32xi32, #tpu.memory_space<hbm>> -> memref<4x32xi32, #tpu.memory_space<hbm>>
      %dma_wait3A_84 = arith.constant 0 : i32
      %dma_wait3A_85 = arith.constant 0 : i32
      %dma_wait3A_86 = tpu.memref_slice %arg3[%add3A, %dma_wait3A_84, %dma_wait3A_85] : memref<32x4x32xi32, #tpu.memory_space<hbm>> -> memref<1x4x32xi32, #tpu.memory_space<hbm>>
      %dma_wait3A_87 = tpu.memref_squeeze %dma_wait3A_86 : memref<1x4x32xi32, #tpu.memory_space<hbm>> -> memref<4x32xi32, #tpu.memory_space<hbm>>
      tpu.wait_dma2 semaphore(%run_scoped3A : memref<!tpu.dma_semaphore, #tpu.memory_space<semaphore_mem>>) src(%dma_wait3A_87 : memref<4x32xi32, #tpu.memory_space<hbm>>) dst(%arg6 : memref<4x32xi32, #tpu.memory_space<vmem>>)
      tpu.yield
    }) : () -> ()
    %get3A = arith.constant 0 : index
    %get3A_3 = tpu.vector_load %arg16[%get3A] {strides = array<i32>} : memref<16xi32, #tpu.memory_space<vmem>>, vector<16xi32>,
    %get3A_4 = vector.shape_cast %get3A_3 : vector<16xi32> to vector<16xi32>
    %slice3A = vector.extract_strided_slice %get3A_4 {offsets = [0], sizes = [1], strides = [1]} : vector<16xi32> to vector<1xi32>
    %squeeze3A = vector.extract %slice3A[0] : i32 from vector<1xi32>
    %add3A_5 = arith.constant 0 : i32
    %add3A_6 = arith.addi %mul3A_2, %add3A_5 : i32
    %lt3A = arith.cmpi slt, %add3A_6, %squeeze3A : i32
    %convert_element_type3A = arith.extui %lt3A : i1 to i32
    %cond3A = arith.constant 0 : i32
    %cond3A_7 = arith.cmpi ne, %convert_element_type3A, %cond3A : i32
    scf.if %cond3A_7 {
      %dma_start3A = arith.constant 0 : i32
      %dma_start3A_74 = arith.constant 0 : i32
      %dma_start3A_75 = tpu.memref_slice %arg6[%dma_start3A, %dma_start3A_74] : memref<4x32xi32, #tpu.memory_space<vmem>> -> memref<1x32xi32, #tpu.memory_space<vmem>>
      %dma_start3A_76 = tpu.memref_squeeze %dma_start3A_75 : memref<1x32xi32, #tpu.memory_space<vmem>> -> memref<32xi32, #tpu.memory_space<vmem>>
      %dma_start3A_77 = arith.constant 0 : i32
      %dma_start3A_78 = arith.constant 0 : i32
      %dma_start3A_79 = tpu.memref_slice %arg2[%dma_start3A_77, %dma_start3A_78] : memref<12288x1024xf32, #tpu.memory_space<hbm>> -> memref<12288x1024xf32, #tpu.memory_space<hbm>>
      tpu.enqueue_indirect_dma source(%dma_start3A_79 : memref<12288x1024xf32, #tpu.memory_space<hbm>>) target(%arg7 : memref<32x1024xf32, #tpu.memory_space<vmem>>) offsets(%dma_start3A_76 : memref<32xi32, #tpu.memory_space<vmem>>) semaphore(%arg10 : memref<!tpu.dma_semaphore, #tpu.memory_space<semaphore_mem>>)
    } else {
    }
    %add3A_8 = arith.constant 32 : i32
    %add3A_9 = arith.addi %mul3A_2, %add3A_8 : i32
    %lt3A_10 = arith.cmpi slt, %add3A_9, %squeeze3A : i32
    %convert_element_type3A_11 = arith.extui %lt3A_10 : i1 to i32
    %cond3A_12 = arith.constant 0 : i32
    %cond3A_13 = arith.cmpi ne, %convert_element_type3A_11, %cond3A_12 : i32
    scf.if %cond3A_13 {
      %dma_start3A = arith.constant 1 : i32
      %dma_start3A_74 = arith.constant 0 : i32
      %dma_start3A_75 = tpu.memref_slice %arg6[%dma_start3A, %dma_start3A_74] : memref<4x32xi32, #tpu.memory_space<vmem>> -> memref<1x32xi32, #tpu.memory_space<vmem>>
      %dma_start3A_76 = tpu.memref_squeeze %dma_start3A_75 : memref<1x32xi32, #tpu.memory_space<vmem>> -> memref<32xi32, #tpu.memory_space<vmem>>
      %dma_start3A_77 = arith.constant 0 : i32
      %dma_start3A_78 = arith.constant 0 : i32
      %dma_start3A_79 = tpu.memref_slice %arg2[%dma_start3A_77, %dma_start3A_78] : memref<12288x1024xf32, #tpu.memory_space<hbm>> -> memref<12288x1024xf32, #tpu.memory_space<hbm>>
      tpu.enqueue_indirect_dma source(%dma_start3A_79 : memref<12288x1024xf32, #tpu.memory_space<hbm>>) target(%arg8 : memref<32x1024xf32, #tpu.memory_space<vmem>>) offsets(%dma_start3A_76 : memref<32xi32, #tpu.memory_space<vmem>>) semaphore(%arg11 : memref<!tpu.dma_semaphore, #tpu.memory_space<semaphore_mem>>)
    } else {
    }
    %add3A_14 = arith.constant 0 : i32
    %add3A_15 = arith.addi %mul3A_2, %add3A_14 : i32
    %lt3A_16 = arith.cmpi slt, %add3A_15, %squeeze3A : i32
    %convert_element_type3A_17 = arith.extui %lt3A_16 : i1 to i32
    %cond3A_18 = arith.constant 0 : i32
    %cond3A_19 = arith.cmpi ne, %convert_element_type3A_17, %cond3A_18 : i32
    scf.if %cond3A_19 {
      %dma_wait3A = arith.constant 0 : i32
      %dma_wait3A_74 = arith.constant 0 : i32
      %dma_wait3A_75 = tpu.memref_slice %arg6[%dma_wait3A, %dma_wait3A_74] : memref<4x32xi32, #tpu.memory_space<vmem>> -> memref<1x32xi32, #tpu.memory_space<vmem>>
      %dma_wait3A_76 = tpu.memref_squeeze %dma_wait3A_75 : memref<1x32xi32, #tpu.memory_space<vmem>> -> memref<32xi32, #tpu.memory_space<vmem>>
      %dma_wait3A_77 = arith.constant 0 : i32
      %dma_wait3A_78 = arith.constant 0 : i32
      %dma_wait3A_79 = tpu.memref_slice %arg2[%dma_wait3A_77, %dma_wait3A_78] : memref<12288x1024xf32, #tpu.memory_space<hbm>> -> memref<12288x1024xf32, #tpu.memory_space<hbm>>
      tpu.wait_indirect_dma semaphore(%arg10 : memref<!tpu.dma_semaphore, #tpu.memory_space<semaphore_mem>>) src(%dma_wait3A_79 : memref<12288x1024xf32, #tpu.memory_space<hbm>>) dst(%arg7 : memref<32x1024xf32, #tpu.memory_space<vmem>>)
      %add3A_80 = arith.constant 0 : i32
      %add3A_81 = arith.addi %mul3A_2, %add3A_80 : i32
      %dma_start3A = arith.constant 0 : i32
      %dma_start3A_82 = tpu.memref_slice %arg5[%add3A_81, %dma_start3A] : memref<4096x1024xf32, #tpu.memory_space<hbm>> -> memref<32x1024xf32, #tpu.memory_space<hbm>>
      %dma_start3A_83 = arith.constant 0 : i32
      %dma_start3A_84 = tpu.memref_slice %arg5[%add3A_81, %dma_start3A_83] : memref<4096x1024xf32, #tpu.memory_space<hbm>> -> memref<32x1024xf32, #tpu.memory_space<hbm>>
      tpu.enqueue_dma source(%arg7 : memref<32x1024xf32, #tpu.memory_space<vmem>>) target(%dma_start3A_84 : memref<32x1024xf32, #tpu.memory_space<hbm>>) target_semaphore(%arg13 : memref<!tpu.dma_semaphore, #tpu.memory_space<semaphore_mem>>)
    } else {
    }
    %add3A_20 = arith.constant 64 : i32
    %add3A_21 = arith.addi %mul3A_2, %add3A_20 : i32
    %lt3A_22 = arith.cmpi slt, %add3A_21, %squeeze3A : i32
    %convert_element_type3A_23 = arith.extui %lt3A_22 : i1 to i32
    %cond3A_24 = arith.constant 0 : i32
    %cond3A_25 = arith.cmpi ne, %convert_element_type3A_23, %cond3A_24 : i32
    scf.if %cond3A_25 {
      %dma_start3A = arith.constant 2 : i32
      %dma_start3A_74 = arith.constant 0 : i32
      %dma_start3A_75 = tpu.memref_slice %arg6[%dma_start3A, %dma_start3A_74] : memref<4x32xi32, #tpu.memory_space<vmem>> -> memref<1x32xi32, #tpu.memory_space<vmem>>
      %dma_start3A_76 = tpu.memref_squeeze %dma_start3A_75 : memref<1x32xi32, #tpu.memory_space<vmem>> -> memref<32xi32, #tpu.memory_space<vmem>>
      %dma_start3A_77 = arith.constant 0 : i32
      %dma_start3A_78 = arith.constant 0 : i32
      %dma_start3A_79 = tpu.memref_slice %arg2[%dma_start3A_77, %dma_start3A_78] : memref<12288x1024xf32, #tpu.memory_space<hbm>> -> memref<12288x1024xf32, #tpu.memory_space<hbm>>
      tpu.enqueue_indirect_dma source(%dma_start3A_79 : memref<12288x1024xf32, #tpu.memory_space<hbm>>) target(%arg9 : memref<32x1024xf32, #tpu.memory_space<vmem>>) offsets(%dma_start3A_76 : memref<32xi32, #tpu.memory_space<vmem>>) semaphore(%arg12 : memref<!tpu.dma_semaphore, #tpu.memory_space<semaphore_mem>>)
    } else {
    }
    %add3A_26 = arith.constant 32 : i32
    %add3A_27 = arith.addi %mul3A_2, %add3A_26 : i32
    %lt3A_28 = arith.cmpi slt, %add3A_27, %squeeze3A : i32
    %convert_element_type3A_29 = arith.extui %lt3A_28 : i1 to i32
    %cond3A_30 = arith.constant 0 : i32
    %cond3A_31 = arith.cmpi ne, %convert_element_type3A_29, %cond3A_30 : i32
    scf.if %cond3A_31 {
      %dma_wait3A = arith.constant 1 : i32
      %dma_wait3A_74 = arith.constant 0 : i32
      %dma_wait3A_75 = tpu.memref_slice %arg6[%dma_wait3A, %dma_wait3A_74] : memref<4x32xi32, #tpu.memory_space<vmem>> -> memref<1x32xi32, #tpu.memory_space<vmem>>
      %dma_wait3A_76 = tpu.memref_squeeze %dma_wait3A_75 : memref<1x32xi32, #tpu.memory_space<vmem>> -> memref<32xi32, #tpu.memory_space<vmem>>
      %dma_wait3A_77 = arith.constant 0 : i32
      %dma_wait3A_78 = arith.constant 0 : i32
      %dma_wait3A_79 = tpu.memref_slice %arg2[%dma_wait3A_77, %dma_wait3A_78] : memref<12288x1024xf32, #tpu.memory_space<hbm>> -> memref<12288x1024xf32, #tpu.memory_space<hbm>>
      tpu.wait_indirect_dma semaphore(%arg11 : memref<!tpu.dma_semaphore, #tpu.memory_space<semaphore_mem>>) src(%dma_wait3A_79 : memref<12288x1024xf32, #tpu.memory_space<hbm>>) dst(%arg8 : memref<32x1024xf32, #tpu.memory_space<vmem>>)
      %add3A_80 = arith.constant 32 : i32
      %add3A_81 = arith.addi %mul3A_2, %add3A_80 : i32
      %dma_start3A = arith.constant 0 : i32
      %dma_start3A_82 = tpu.memref_slice %arg5[%add3A_81, %dma_start3A] : memref<4096x1024xf32, #tpu.memory_space<hbm>> -> memref<32x1024xf32, #tpu.memory_space<hbm>>
      %dma_start3A_83 = arith.constant 0 : i32
      %dma_start3A_84 = tpu.memref_slice %arg5[%add3A_81, %dma_start3A_83] : memref<4096x1024xf32, #tpu.memory_space<hbm>> -> memref<32x1024xf32, #tpu.memory_space<hbm>>
      tpu.enqueue_dma source(%arg8 : memref<32x1024xf32, #tpu.memory_space<vmem>>) target(%dma_start3A_84 : memref<32x1024xf32, #tpu.memory_space<hbm>>) target_semaphore(%arg14 : memref<!tpu.dma_semaphore, #tpu.memory_space<semaphore_mem>>)
    } else {
    }
    %add3A_32 = arith.constant 0 : i32
    %add3A_33 = arith.addi %mul3A_2, %add3A_32 : i32
    %lt3A_34 = arith.cmpi slt, %add3A_33, %squeeze3A : i32
    %convert_element_type3A_35 = arith.extui %lt3A_34 : i1 to i32
    %cond3A_36 = arith.constant 0 : i32
    %cond3A_37 = arith.cmpi ne, %convert_element_type3A_35, %cond3A_36 : i32
    scf.if %cond3A_37 {
      %add3A_74 = arith.constant 0 : i32
      %add3A_75 = arith.addi %mul3A_2, %add3A_74 : i32
      %dma_wait3A = arith.constant 0 : i32
      %dma_wait3A_76 = tpu.memref_slice %arg5[%add3A_75, %dma_wait3A] : memref<4096x1024xf32, #tpu.memory_space<hbm>> -> memref<32x1024xf32, #tpu.memory_space<hbm>>
      %dma_wait3A_77 = arith.constant 0 : i32
      %dma_wait3A_78 = tpu.memref_slice %arg5[%add3A_75, %dma_wait3A_77] : memref<4096x1024xf32, #tpu.memory_space<hbm>> -> memref<32x1024xf32, #tpu.memory_space<hbm>>
      tpu.wait_dma2 semaphore(%arg13 : memref<!tpu.dma_semaphore, #tpu.memory_space<semaphore_mem>>) src(%arg7 : memref<32x1024xf32, #tpu.memory_space<vmem>>) dst(%dma_wait3A_78 : memref<32x1024xf32, #tpu.memory_space<hbm>>)
    } else {
    }
    %add3A_38 = arith.constant 96 : i32
    %add3A_39 = arith.addi %mul3A_2, %add3A_38 : i32
    %lt3A_40 = arith.cmpi slt, %add3A_39, %squeeze3A : i32
    %convert_element_type3A_41 = arith.extui %lt3A_40 : i1 to i32
    %cond3A_42 = arith.constant 0 : i32
    %cond3A_43 = arith.cmpi ne, %convert_element_type3A_41, %cond3A_42 : i32
    scf.if %cond3A_43 {
      %dma_start3A = arith.constant 3 : i32
      %dma_start3A_74 = arith.constant 0 : i32
      %dma_start3A_75 = tpu.memref_slice %arg6[%dma_start3A, %dma_start3A_74] : memref<4x32xi32, #tpu.memory_space<vmem>> -> memref<1x32xi32, #tpu.memory_space<vmem>>
      %dma_start3A_76 = tpu.memref_squeeze %dma_start3A_75 : memref<1x32xi32, #tpu.memory_space<vmem>> -> memref<32xi32, #tpu.memory_space<vmem>>
      %dma_start3A_77 = arith.constant 0 : i32
      %dma_start3A_78 = arith.constant 0 : i32
      %dma_start3A_79 = tpu.memref_slice %arg2[%dma_start3A_77, %dma_start3A_78] : memref<12288x1024xf32, #tpu.memory_space<hbm>> -> memref<12288x1024xf32, #tpu.memory_space<hbm>>
      tpu.enqueue_indirect_dma source(%dma_start3A_79 : memref<12288x1024xf32, #tpu.memory_space<hbm>>) target(%arg7 : memref<32x1024xf32, #tpu.memory_space<vmem>>) offsets(%dma_start3A_76 : memref<32xi32, #tpu.memory_space<vmem>>) semaphore(%arg10 : memref<!tpu.dma_semaphore, #tpu.memory_space<semaphore_mem>>)
    } else {
    }
    %add3A_44 = arith.constant 64 : i32
    %add3A_45 = arith.addi %mul3A_2, %add3A_44 : i32
    %lt3A_46 = arith.cmpi slt, %add3A_45, %squeeze3A : i32
    %convert_element_type3A_47 = arith.extui %lt3A_46 : i1 to i32
    %cond3A_48 = arith.constant 0 : i32
    %cond3A_49 = arith.cmpi ne, %convert_element_type3A_47, %cond3A_48 : i32
    scf.if %cond3A_49 {
      %dma_wait3A = arith.constant 2 : i32
      %dma_wait3A_74 = arith.constant 0 : i32
      %dma_wait3A_75 = tpu.memref_slice %arg6[%dma_wait3A, %dma_wait3A_74] : memref<4x32xi32, #tpu.memory_space<vmem>> -> memref<1x32xi32, #tpu.memory_space<vmem>>
      %dma_wait3A_76 = tpu.memref_squeeze %dma_wait3A_75 : memref<1x32xi32, #tpu.memory_space<vmem>> -> memref<32xi32, #tpu.memory_space<vmem>>
      %dma_wait3A_77 = arith.constant 0 : i32
      %dma_wait3A_78 = arith.constant 0 : i32
      %dma_wait3A_79 = tpu.memref_slice %arg2[%dma_wait3A_77, %dma_wait3A_78] : memref<12288x1024xf32, #tpu.memory_space<hbm>> -> memref<12288x1024xf32, #tpu.memory_space<hbm>>
      tpu.wait_indirect_dma semaphore(%arg12 : memref<!tpu.dma_semaphore, #tpu.memory_space<semaphore_mem>>) src(%dma_wait3A_79 : memref<12288x1024xf32, #tpu.memory_space<hbm>>) dst(%arg9 : memref<32x1024xf32, #tpu.memory_space<vmem>>)
      %add3A_80 = arith.constant 64 : i32
      %add3A_81 = arith.addi %mul3A_2, %add3A_80 : i32
      %dma_start3A = arith.constant 0 : i32
      %dma_start3A_82 = tpu.memref_slice %arg5[%add3A_81, %dma_start3A] : memref<4096x1024xf32, #tpu.memory_space<hbm>> -> memref<32x1024xf32, #tpu.memory_space<hbm>>
      %dma_start3A_83 = arith.constant 0 : i32
      %dma_start3A_84 = tpu.memref_slice %arg5[%add3A_81, %dma_start3A_83] : memref<4096x1024xf32, #tpu.memory_space<hbm>> -> memref<32x1024xf32, #tpu.memory_space<hbm>>
      tpu.enqueue_dma source(%arg9 : memref<32x1024xf32, #tpu.memory_space<vmem>>) target(%dma_start3A_84 : memref<32x1024xf32, #tpu.memory_space<hbm>>) target_semaphore(%arg15 : memref<!tpu.dma_semaphore, #tpu.memory_space<semaphore_mem>>)
    } else {
    }
    %add3A_50 = arith.constant 96 : i32
    %add3A_51 = arith.addi %mul3A_2, %add3A_50 : i32
    %lt3A_52 = arith.cmpi slt, %add3A_51, %squeeze3A : i32
    %convert_element_type3A_53 = arith.extui %lt3A_52 : i1 to i32
    %cond3A_54 = arith.constant 0 : i32
    %cond3A_55 = arith.cmpi ne, %convert_element_type3A_53, %cond3A_54 : i32
    scf.if %cond3A_55 {
      %dma_wait3A = arith.constant 3 : i32
      %dma_wait3A_74 = arith.constant 0 : i32
      %dma_wait3A_75 = tpu.memref_slice %arg6[%dma_wait3A, %dma_wait3A_74] : memref<4x32xi32, #tpu.memory_space<vmem>> -> memref<1x32xi32, #tpu.memory_space<vmem>>
      %dma_wait3A_76 = tpu.memref_squeeze %dma_wait3A_75 : memref<1x32xi32, #tpu.memory_space<vmem>> -> memref<32xi32, #tpu.memory_space<vmem>>
      %dma_wait3A_77 = arith.constant 0 : i32
      %dma_wait3A_78 = arith.constant 0 : i32
      %dma_wait3A_79 = tpu.memref_slice %arg2[%dma_wait3A_77, %dma_wait3A_78] : memref<12288x1024xf32, #tpu.memory_space<hbm>> -> memref<12288x1024xf32, #tpu.memory_space<hbm>>
      tpu.wait_indirect_dma semaphore(%arg10 : memref<!tpu.dma_semaphore, #tpu.memory_space<semaphore_mem>>) src(%dma_wait3A_79 : memref<12288x1024xf32, #tpu.memory_space<hbm>>) dst(%arg7 : memref<32x1024xf32, #tpu.memory_space<vmem>>)
      %add3A_80 = arith.constant 96 : i32
      %add3A_81 = arith.addi %mul3A_2, %add3A_80 : i32
      %dma_start3A = arith.constant 0 : i32
      %dma_start3A_82 = tpu.memref_slice %arg5[%add3A_81, %dma_start3A] : memref<4096x1024xf32, #tpu.memory_space<hbm>> -> memref<32x1024xf32, #tpu.memory_space<hbm>>
      %dma_start3A_83 = arith.constant 0 : i32
      %dma_start3A_84 = tpu.memref_slice %arg5[%add3A_81, %dma_start3A_83] : memref<4096x1024xf32, #tpu.memory_space<hbm>> -> memref<32x1024xf32, #tpu.memory_space<hbm>>
      tpu.enqueue_dma source(%arg7 : memref<32x1024xf32, #tpu.memory_space<vmem>>) target(%dma_start3A_84 : memref<32x1024xf32, #tpu.memory_space<hbm>>) target_semaphore(%arg13 : memref<!tpu.dma_semaphore, #tpu.memory_space<semaphore_mem>>)
    } else {
    }
    %add3A_56 = arith.constant 32 : i32
    %add3A_57 = arith.addi %mul3A_2, %add3A_56 : i32
    %lt3A_58 = arith.cmpi slt, %add3A_57, %squeeze3A : i32
    %convert_element_type3A_59 = arith.extui %lt3A_58 : i1 to i32
    %cond3A_60 = arith.constant 0 : i32
    %cond3A_61 = arith.cmpi ne, %convert_element_type3A_59, %cond3A_60 : i32
    scf.if %cond3A_61 {
      %add3A_74 = arith.constant 32 : i32
      %add3A_75 = arith.addi %mul3A_2, %add3A_74 : i32
      %dma_wait3A = arith.constant 0 : i32
      %dma_wait3A_76 = tpu.memref_slice %arg5[%add3A_75, %dma_wait3A] : memref<4096x1024xf32, #tpu.memory_space<hbm>> -> memref<32x1024xf32, #tpu.memory_space<hbm>>
      %dma_wait3A_77 = arith.constant 0 : i32
      %dma_wait3A_78 = tpu.memref_slice %arg5[%add3A_75, %dma_wait3A_77] : memref<4096x1024xf32, #tpu.memory_space<hbm>> -> memref<32x1024xf32, #tpu.memory_space<hbm>>
      tpu.wait_dma2 semaphore(%arg14 : memref<!tpu.dma_semaphore, #tpu.memory_space<semaphore_mem>>) src(%arg8 : memref<32x1024xf32, #tpu.memory_space<vmem>>) dst(%dma_wait3A_78 : memref<32x1024xf32, #tpu.memory_space<hbm>>)
    } else {
    }
    %add3A_62 = arith.constant 64 : i32
    %add3A_63 = arith.addi %mul3A_2, %add3A_62 : i32
    %lt3A_64 = arith.cmpi slt, %add3A_63, %squeeze3A : i32
    %convert_element_type3A_65 = arith.extui %lt3A_64 : i1 to i32
    %cond3A_66 = arith.constant 0 : i32
    %cond3A_67 = arith.cmpi ne, %convert_element_type3A_65, %cond3A_66 : i32
    scf.if %cond3A_67 {
      %add3A_74 = arith.constant 64 : i32
      %add3A_75 = arith.addi %mul3A_2, %add3A_74 : i32
      %dma_wait3A = arith.constant 0 : i32
      %dma_wait3A_76 = tpu.memref_slice %arg5[%add3A_75, %dma_wait3A] : memref<4096x1024xf32, #tpu.memory_space<hbm>> -> memref<32x1024xf32, #tpu.memory_space<hbm>>
      %dma_wait3A_77 = arith.constant 0 : i32
      %dma_wait3A_78 = tpu.memref_slice %arg5[%add3A_75, %dma_wait3A_77] : memref<4096x1024xf32, #tpu.memory_space<hbm>> -> memref<32x1024xf32, #tpu.memory_space<hbm>>
      tpu.wait_dma2 semaphore(%arg15 : memref<!tpu.dma_semaphore, #tpu.memory_space<semaphore_mem>>) src(%arg9 : memref<32x1024xf32, #tpu.memory_space<vmem>>) dst(%dma_wait3A_78 : memref<32x1024xf32, #tpu.memory_space<hbm>>)
    } else {
    }
    %add3A_68 = arith.constant 96 : i32
    %add3A_69 = arith.addi %mul3A_2, %add3A_68 : i32
    %lt3A_70 = arith.cmpi slt, %add3A_69, %squeeze3A : i32
    %convert_element_type3A_71 = arith.extui %lt3A_70 : i1 to i32
    %cond3A_72 = arith.constant 0 : i32
    %cond3A_73 = arith.cmpi ne, %convert_element_type3A_71, %cond3A_72 : i32
    scf.if %cond3A_73 {
      %add3A_74 = arith.constant 96 : i32
      %add3A_75 = arith.addi %mul3A_2, %add3A_74 : i32
      %dma_wait3A = arith.constant 0 : i32
      %dma_wait3A_76 = tpu.memref_slice %arg5[%add3A_75, %dma_wait3A] : memref<4096x1024xf32, #tpu.memory_space<hbm>> -> memref<32x1024xf32, #tpu.memory_space<hbm>>
      %dma_wait3A_77 = arith.constant 0 : i32
      %dma_wait3A_78 = tpu.memref_slice %arg5[%add3A_75, %dma_wait3A_77] : memref<4096x1024xf32, #tpu.memory_space<hbm>> -> memref<32x1024xf32, #tpu.memory_space<hbm>>
      tpu.wait_dma2 semaphore(%arg13 : memref<!tpu.dma_semaphore, #tpu.memory_space<semaphore_mem>>) src(%arg7 : memref<32x1024xf32, #tpu.memory_space<vmem>>) dst(%dma_wait3A_78 : memref<32x1024xf32, #tpu.memory_space<hbm>>)
    } else {
    }
    return
  }
}

module attributes {stable_mosaic.version = 14 : i64} {
  func.func @_ffn_body(%arg0: i32, %arg1: memref<97xi32, #tpu.memory_space<smem>>, %arg2: memref<128x1024xf32, #tpu.memory_space<vmem>>, %arg3: memref<1x1024x512xf32, #tpu.memory_space<vmem>>, %arg4: memref<1x1x512xf32, #tpu.memory_space<vmem>>, %arg5: memref<1x512x1024xf32, #tpu.memory_space<vmem>>, %arg6: memref<1x1x1024xf32, #tpu.memory_space<vmem>>, %arg7: memref<128x1024xf32, #tpu.memory_space<vmem>>) attributes {dimension_semantics = [#tpu.dimension_semantics<arbitrary>], iteration_bounds = array<i64: 96>, scalar_prefetch = 1 : i64, scratch_operands = 0 : i64, tpu.core_type = #tpu.core_type<tc>, window_params = [{transform_indices = @transform_0, window_bounds = array<i64: 128, 1024>}, {transform_indices = @transform_1, window_bounds = array<i64: 1, 1024, 512>}, {transform_indices = @transform_2, window_bounds = array<i64: 1, 1, 512>}, {transform_indices = @transform_3, window_bounds = array<i64: 1, 512, 1024>}, {transform_indices = @transform_4, window_bounds = array<i64: 1, 1, 1024>}, {transform_indices = @transform_5, window_bounds = array<i64: 128, 1024>}]} {
    %get3A = arith.constant 96 : index
    %get3A_0 = memref.load %arg1[%get3A] : memref<97xi32, #tpu.memory_space<smem>>
    %lt3A = arith.cmpi slt, %arg0, %get3A_0 : i32
    %convert_element_type3A = arith.extui %lt3A : i1 to i32
    %cond3A = arith.constant 0 : i32
    %cond3A_1 = arith.cmpi ne, %convert_element_type3A, %cond3A : i32
    scf.if %cond3A_1 {
      %get3A_2 = arith.constant 0 : index
      %get3A_3 = arith.constant 0 : index
      %get3A_4 = vector.load %arg2[%get3A_2, %get3A_3] : memref<128x1024xf32, #tpu.memory_space<vmem>>, vector<128x1024xf32>
      %get3A_5 = arith.constant 0 : index
      %get3A_6 = arith.constant 0 : index
      %get3A_7 = arith.constant 0 : index
      %get3A_8 = vector.load %arg3[%get3A_5, %get3A_6, %get3A_7] : memref<1x1024x512xf32, #tpu.memory_space<vmem>>, vector<1x1024x512xf32>
      %get3A_9 = vector.shape_cast %get3A_8 : vector<1x1024x512xf32> to vector<1024x512xf32>
      %dot_general3A = arith.constant dense<0.000000e+00> : vector<128x512xf32>
      %dot_general3A_10 = tpu.matmul %get3A_4, %get3A_9, %dot_general3A {dimension_numbers = #tpu.dot_dimension_numbers<[1], [0], [0], [1], [0, 0, 1, 1], [], []>, transpose_lhs_hint = false} : vector<128x1024xf32>, vector<1024x512xf32>, vector<128x512xf32> -> vector<128x512xf32>
      %get3A_11 = arith.constant 0 : index
      %get3A_12 = arith.constant 0 : index
      %get3A_13 = arith.constant 0 : index
      %get3A_14 = vector.load %arg4[%get3A_11, %get3A_12, %get3A_13] : memref<1x1x512xf32, #tpu.memory_space<vmem>>, vector<1x1x512xf32>
      %get3A_15 = vector.shape_cast %get3A_14 : vector<1x1x512xf32> to vector<512xf32>
      %broadcast_in_dim3A = vector.shape_cast %get3A_15 : vector<512xf32> to vector<1x512xf32>
      %add3A = vector.broadcast %broadcast_in_dim3A : vector<1x512xf32> to vector<128x512xf32>
      %add3A_16 = arith.addf %dot_general3A_10, %add3A : vector<128x512xf32>
      %max3A = arith.constant 0.000000e+00 : f32
      %max3A_17 = vector.broadcast %max3A : f32 to vector<128x512xf32>
      %max3A_18 = arith.maximumf %add3A_16, %max3A_17 : vector<128x512xf32>
      %get3A_19 = arith.constant 0 : index
      %get3A_20 = arith.constant 0 : index
      %get3A_21 = arith.constant 0 : index
      %get3A_22 = vector.load %arg5[%get3A_19, %get3A_20, %get3A_21] : memref<1x512x1024xf32, #tpu.memory_space<vmem>>, vector<1x512x1024xf32>
      %get3A_23 = vector.shape_cast %get3A_22 : vector<1x512x1024xf32> to vector<512x1024xf32>
      %dot_general3A_24 = arith.constant dense<0.000000e+00> : vector<128x1024xf32>
      %dot_general3A_25 = tpu.matmul %max3A_18, %get3A_23, %dot_general3A_24 {dimension_numbers = #tpu.dot_dimension_numbers<[1], [0], [0], [1], [0, 0, 1, 1], [], []>, transpose_lhs_hint = false} : vector<128x512xf32>, vector<512x1024xf32>, vector<128x1024xf32> -> vector<128x1024xf32>
      %get3A_26 = arith.constant 0 : index
      %get3A_27 = arith.constant 0 : index
      %get3A_28 = arith.constant 0 : index
      %get3A_29 = vector.load %arg6[%get3A_26, %get3A_27, %get3A_28] : memref<1x1x1024xf32, #tpu.memory_space<vmem>>, vector<1x1x1024xf32>
      %get3A_30 = vector.shape_cast %get3A_29 : vector<1x1x1024xf32> to vector<1024xf32>
      %broadcast_in_dim3A_31 = vector.shape_cast %get3A_30 : vector<1024xf32> to vector<1x1024xf32>
      %add3A_32 = vector.broadcast %broadcast_in_dim3A_31 : vector<1x1024xf32> to vector<128x1024xf32>
      %add3A_33 = arith.addf %dot_general3A_25, %add3A_32 : vector<128x1024xf32>
      %swap3A = arith.constant 0 : index
      %swap3A_34 = arith.constant 0 : index
      %swap3A_35 = vector.load %arg7[%swap3A, %swap3A_34] : memref<128x1024xf32, #tpu.memory_space<vmem>>, vector<128x1024xf32>
      tpu.vector_store %arg7[%swap3A, %swap3A_34], %add3A_33 {strides = array<i32>} : memref<128x1024xf32, #tpu.memory_space<vmem>>, vector<128x1024xf32>,
    } else {
    }
    return
  }
  func.func @transform_0(%arg0: i32, %arg1: memref<97xi32, #tpu.memory_space<smem>>) -> (i32, i32) {
    %get3A = arith.constant 96 : index
    %get3A_0 = memref.load %arg1[%get3A] : memref<97xi32, #tpu.memory_space<smem>>
    %min3A = arith.minsi %arg0, %get3A_0 : i32
    %c0_i32 = arith.constant 0 : i32
    %c0_i32_1 = arith.constant 0 : i32
    return %min3A, %c0_i32 : i32, i32
  }
  func.func @transform_1(%arg0: i32, %arg1: memref<97xi32, #tpu.memory_space<smem>>) -> (i32, i32, i32) {
    %get3A = arith.index_cast %arg0 : i32 to index
    %get3A_0 = memref.load %arg1[%get3A] : memref<97xi32, #tpu.memory_space<smem>>
    %c0_i32 = arith.constant 0 : i32
    %c0_i32_1 = arith.constant 0 : i32
    %c0_i32_2 = arith.constant 0 : i32
    return %get3A_0, %c0_i32, %c0_i32_1 : i32, i32, i32
  }
  func.func @transform_2(%arg0: i32, %arg1: memref<97xi32, #tpu.memory_space<smem>>) -> (i32, i32, i32) {
    %get3A = arith.index_cast %arg0 : i32 to index
    %get3A_0 = memref.load %arg1[%get3A] : memref<97xi32, #tpu.memory_space<smem>>
    %c0_i32 = arith.constant 0 : i32
    %c0_i32_1 = arith.constant 0 : i32
    %c0_i32_2 = arith.constant 0 : i32
    return %get3A_0, %c0_i32, %c0_i32_1 : i32, i32, i32
  }
  func.func @transform_3(%arg0: i32, %arg1: memref<97xi32, #tpu.memory_space<smem>>) -> (i32, i32, i32) {
    %get3A = arith.index_cast %arg0 : i32 to index
    %get3A_0 = memref.load %arg1[%get3A] : memref<97xi32, #tpu.memory_space<smem>>
    %c0_i32 = arith.constant 0 : i32
    %c0_i32_1 = arith.constant 0 : i32
    %c0_i32_2 = arith.constant 0 : i32
    return %get3A_0, %c0_i32, %c0_i32_1 : i32, i32, i32
  }
  func.func @transform_4(%arg0: i32, %arg1: memref<97xi32, #tpu.memory_space<smem>>) -> (i32, i32, i32) {
    %get3A = arith.index_cast %arg0 : i32 to index
    %get3A_0 = memref.load %arg1[%get3A] : memref<97xi32, #tpu.memory_space<smem>>
    %c0_i32 = arith.constant 0 : i32
    %c0_i32_1 = arith.constant 0 : i32
    %c0_i32_2 = arith.constant 0 : i32
    return %get3A_0, %c0_i32, %c0_i32_1 : i32, i32, i32
  }
  func.func @transform_5(%arg0: i32, %arg1: memref<97xi32, #tpu.memory_space<smem>>) -> (i32, i32) {
    %get3A = arith.constant 96 : index
    %get3A_0 = memref.load %arg1[%get3A] : memref<97xi32, #tpu.memory_space<smem>>
    %min3A = arith.minsi %arg0, %get3A_0 : i32
    %c0_i32 = arith.constant 0 : i32
    %c0_i32_1 = arith.constant 0 : i32
    return %min3A, %c0_i32 : i32, i32
  }
}

</mosaic_0001>

<sc_bundles>
// kernel: kernel.5.cloned.1.call-start
scs
__scs_entry_jumppad:
0x0: {  	(pc) =	sbr.rel $0x88, $3  }
0x1: {  	(tag) =	ssettag $0x0;
	lr =	simm.s32 $0x1  }
0x2: {  	[smem:$0x3F9B] =	sst lr;
	_ =	strace $0xD0000000  }
0x3: {  	_ = 	snop  }
0x4: {  	_ = 	snop  }
0x5: {  	_ = 	snop  }
0x6: {  	_ = 	snop  }
0x7: {  	_ = 	snop  }
__scs_overlays_trampoline_lowered:
0x8: {  	[smem:$0x3FAA] =	sst s0  }
0x9: {  	[smem:$0x3FAB] =	sst s1  }
0xa: {  	[smem:$0x3FAC] =	sst s2  }
0xb: {  	[smem:$0x3FAD] =	sst s3  }
0xc: {  	[smem:$0x3FAE] =	sst s4  }
0xd: {  	[smem:$0x3FAF] =	sst s5  }
0xe: {  	[smem:$0x3FB0] =	sst s6  }
0xf: {  	[smem:$0x3FB1] =	sst s7  }
0x10: {  	[smem:$0x3FB2] =	sst s8  }
0x11: {  	[smem:$0x3FB3] =	sst s9;
	s0 =	simm.s32 @!p0 $0x0  }
0x12: {  	s1 =	sld [smem:$0x3F99];
	s0 =	simm.s32 @p0 $0x1  }
0x13: {  	[smem:$0x3FB4] =	sst s0;
	s0 =	simm.s32 @!p1 $0x0  }
0x14: {  	s2 =	sld [smem:$0x3F98];
	s0 =	simm.s32 @p1 $0x1  }
0x15: {  	[smem:$0x3FB5] =	sst s0;
	s0 =	simm.s32 @!p2 $0x0  }
0x16: {  	s3 =	sld [smem:$0x3FDB];
	s0 =	simm.s32 @p2 $0x1  }
0x17: {  	s4 =	simm.s32 $0x1BF5;
	[smem:$0x3FB7] =	sst s0  }
0x18: {  	s0 =	sld [smem:$0x3F9A];
	_ =	swait.ge [sflag:s4], $0x0  }
0x19: {  	s7 =	sld [smem:$0x3F9B]  }
0x1a: {  	s8 =	sadd.s32 $0xFFFFE003, lr  }
0x1b: {  	s9 =	sadd.s32 $0xFFFFFEF7, lr;
	s5 =	simm.s32 $0xFFFFFFFF;
	p2 =	slt.u32 s8, $0xFFFFF086  }
0x1c: {  	p1 =	slt.u32 s9, $0xF7A;
	s5 =	simm.s32 @!p2 $0x0  }
0x1d: {  	s5 =	simm.s32 @p1 $0x1;
	p0 =	seq.s32 s7, s2  }
0x1e: {  	s7 =	smul.u32 @!p0 $0xF7A, s2;
	p2 =	seq.s32 @!p0 s5, $0x0  }
0x1f: {  	s9 =	smul.u32 $0xF7A, s1;
	s8 =	simm.s32 @!p0 $0x1BF5;
	p2 =	por !p2, p0  }
0x20: {  	[sflag:s8] =	ssyncset.s32 @!p0 $0xFFFFF086;
	s6 =	sadd.s32 @!p0 s3, s7;
	s7 =	simm.s32 @!p0 $0x108  }
0x21: {  	s3 =	sadd.s32 s3, s9;
	s6 =	sadd.s32 @!p0 $0x88, s6;
	s7 =	simm.s32 @p2 $0x1082  }
0x22: {  	[simem:s7], [sflag:s8] =	dma.local @!p0 [hbm:s6], $0xF7A  }
0x23: {  	s9 =	sor.u32 $0xD0000000, s2;
	s6 =	simm.s32 $0x108;
	_ =	swait.ge @!p0 [sflag:s8], $0x0  }
0x24: {  	s3 =	sadd.s32 $0x88, s3;
	s6 =	simm.s32 @!p1 $0x1082;
	[sflag:s4] =	ssyncset.s32 $0xFFFFF086  }
0x25: {  	[simem:s6], [sflag:s4] =	dma.local [hbm:s3], $0xF7A  }
0x26: {  	[smem:$0x3F9B] =	sst s1;
	(tag) =	ssettag s2;
	_ =	strace s9  }
0x27: {  	s1 =	sld [smem:$0x3FAB]  }
0x28: {  	s2 =	sld [smem:$0x3FAC]  }
0x29: {  	s4 =	sld [smem:$0x3FAE]  }
0x2a: {  	p0 =	seq.s32 s5, $0x0;
	s5 =	sld [smem:$0x3FAF]  }
0x2b: {  	s6 =	sld [smem:$0x3FB0]  }
0x2c: {  	s7 =	sld [smem:$0x3FB1]  }
0x2d: {  	s3 =	simm.s32 $0x108;
	s8 =	sld [smem:$0x3FB2]  }
0x2e: {  	s3 =	simm.s32 @!p0 $0x1082;
	s9 =	sld [smem:$0x3FB3]  }
0x2f: {  	lr =	sadd.s32 s0, s3;
	s0 =	sld [smem:$0x3FAA]  }
0x30: {  	s3 =	sld [smem:$0x3FAD]  }
0x31: {  	[smem:$0x3FB6] =	sst s10  }
0x32: {  	s10 =	sld [smem:$0x3FB4];
	_ =	sdelay $0x3  }
0x33: {  	p0 =	seq.s32 s10, $0x1;
	s10 =	sld [smem:$0x3FB6];
	_ =	sdelay $0x3  }
0x34: {  	[smem:$0x3FB6] =	sst s10  }
0x35: {  	s10 =	sld [smem:$0x3FB5];
	_ =	sdelay $0x3  }
0x36: {  	p1 =	seq.s32 s10, $0x1;
	s10 =	sld [smem:$0x3FB6];
	_ =	sdelay $0x3  }
0x37: {  	[smem:$0x3FB6] =	sst s10  }
0x38: {  	s10 =	sld [smem:$0x3FB7]  }
0x39: {  	_ = 	snop;
	(pc) =	sbr.ind lr, $3  }
0x3a: {  	_ = 	snop  }
0x3b: {  	_ = 	snop  }
0x3c: {  	p2 =	seq.s32 s10, $0x1;
	s10 =	sld [smem:$0x3FB6]  }
0x3d: {  	_ =	shalt  }
0x3e: {  	_ =	shalt  }
0x3f: {  	_ =	shalt  }
0x40: {  	_ =	shalt  }
0x41: {  	_ =	shalt  }
0x42: {  	_ =	shalt  }
0x43: {  	_ =	shalt  }
0x44: {  	_ =	shalt  }
0x45: {  	_ =	shalt  }
0x46: {  	_ =	shalt  }
0x47: {  	_ =	shalt  }
0x48: {  	_ =	shalt  }
0x49: {  	_ =	shalt  }
0x4a: {  	_ =	shalt  }
0x4b: {  	_ =	shalt  }
0x4c: {  	_ =	shalt  }
0x4d: {  	_ =	shalt  }
0x4e: {  	_ =	shalt  }
0x4f: {  	_ =	shalt  }
0x50: {  	_ =	shalt  }
0x51: {  	_ =	shalt  }
0x52: {  	_ =	shalt  }
0x53: {  	_ =	shalt  }
0x54: {  	_ =	shalt  }
0x55: {  	_ =	shalt  }
0x56: {  	_ =	shalt  }
0x57: {  	_ =	shalt  }
0x58: {  	_ =	shalt  }
0x59: {  	_ =	shalt  }
0x5a: {  	_ =	shalt  }
0x5b: {  	_ =	shalt  }
0x5c: {  	_ =	shalt  }
0x5d: {  	_ =	shalt  }
0x5e: {  	_ =	shalt  }
0x5f: {  	_ =	shalt  }
0x60: {  	_ =	shalt  }
0x61: {  	_ =	shalt  }
0x62: {  	_ =	shalt  }
0x63: {  	_ =	shalt  }
0x64: {  	_ =	shalt  }
0x65: {  	_ =	shalt  }
0x66: {  	_ =	shalt  }
0x67: {  	_ =	shalt  }
0x68: {  	_ =	shalt  }
0x69: {  	_ =	shalt  }
0x6a: {  	_ =	shalt  }
0x6b: {  	_ =	shalt  }
0x6c: {  	_ =	shalt  }
0x6d: {  	_ =	shalt  }
0x6e: {  	_ =	shalt  }
0x6f: {  	_ =	shalt  }
0x70: {  	_ =	shalt  }
0x71: {  	_ =	shalt  }
0x72: {  	_ =	shalt  }
0x73: {  	_ =	shalt  }
0x74: {  	_ =	shalt  }
0x75: {  	_ =	shalt  }
0x76: {  	_ =	shalt  }
0x77: {  	_ =	shalt  }
0x78: {  	_ =	shalt  }
0x79: {  	_ =	shalt  }
0x7a: {  	_ =	shalt  }
0x7b: {  	_ =	shalt  }
0x7c: {  	_ =	shalt  }
0x7d: {  	_ =	shalt  }
0x7e: {  	_ =	shalt  }
0x7f: {  	_ =	shalt  }
0x80: {  	_ =	shalt  }
0x81: {  	_ =	shalt  }
0x82: {  	_ =	shalt  }
0x83: {  	_ =	shalt  }
0x84: {  	_ =	shalt  }
0x85: {  	_ =	shalt  }
0x86: {  	_ =	shalt  }
0x87: {  	_ =	shalt  }
.Lfunc_end0:
.L_simem_size_0:
called_computation_lowered:
.L_overlay_start_0:
0x88: {  	s2 =	sld [smem:$0x3FD9]  }
0x89: {  	s3 =	sld [smem:$0x3FFE];
	_ =	sdelay $0x1  }
0x8a: {  	s1 =	srdreg.scid  }
0x8b: {  	s0 =	sand.u32 $0x1, s1  }
0x8c: {  	s17 =	sshll.u32 s0, $0xA;
	s2 =	sadd.s32 s3, s2  }
0x8d: {  	s2 =	sadd.s32 s2, s17  }
0x8e: {  	[smem:$0x3FC2] =	sst s2  }
0x8f: {  	_ = 	snop  }
0x90: {  	s2 =	sld [smem:$0x3FC9]  }
0x91: {  	s18 =	sld [smem:$0x3FD0];
	(tm) =	ssettm $0x1  }
0x92: {  	s4 =	sld [smem:$0x3FFB];
	_ =	sdelay $0x3  }
0x93: {  	_ =	strace s4  }
0x94: {  	s4 =	sld [smem:$0x3FFC];
	_ =	sdelay $0x3  }
0x95: {  	_ =	strace s4  }
0x96: {  	s4 =	sld [smem:$0x3FFD];
	_ =	sdelay $0x3  }
0x97: {  	_ =	strace s4  }
0x98: {  	_ =	strace $0x8FFFFFFF  }
0x99: {  	s19 =	sld [smem:$0x3FDB];
	_ =	sdelay $0x1  }
0x9a: {  	s5 =	simm.s32 $_scs_section_size  }
0x9b: {  	s6 =	simm.s32 $_size__tile_overlayer_lowered;
	s7 =	simm.s32 $_tile_overlayer_lowered  }
0x9c: {  	s22 =	simm.s32 $0x1BFF;
	s21 =	sshll.u32 s7, $0x1;
	s4 =	sadd.s32 s5, s19  }
0x9d: {  	s8 =	simm.s32 $0x0;
	s20 =	sshll.u32 s6, $0x1;
	s6 =	sadd.s32 s21, s4  }
0x9e: {  	[timem:s8], [sflag:s22] =	dma.local [hbm:s6], s20  }
0x9f: {  	_ =	swait.ge [sflag:s22], s20  }
0xa0: {  	s5 =	ssub.s32 $0x0, s20;
	[sflag:s22] =	ssyncset.done $0x0  }
0xa1: {  	[sflag:s22] =	ssyncadd.s32 s5;
	_ =	sdelay $0x1  }
0xa2: {  	s23 =	simm.s32 $0x1B8B  }
0xa3: {  	_ =	swait.ge [sflag:s23], $0x1  }
0xa4: {  	[sflag:s23] =	ssyncset.done $0x0  }
0xa5: {  	s25 =	simm.s32 $0x1B8E;
	s24 =	sld [smem:$0x3FFE];
	[sflag:s23] =	ssyncadd.s32 $0xFFFFFFFF  }
0xa6: {  	s26 =	simm.s32 $execute0_lowered;
	[smem:$0x3FD2] =	sst s25  }
0xa7: {  	s6 =	sshll.u32 s26, $0x1;
	_ =	strace $0x80000046;
	[dreg:$0x1] =	wrdreg $0xFFFFFFFF  }
0xa8: {  	s28 =	simm.s32 $_size_execute0_lowered;
	s4 =	sadd.s32 s4, s6;
	[dreg:$0x0] =	wrdreg $0x0  }
0xa9: {  	s6 =	sshll.u32 s28, $0x1;
	[dreg:$0x2] =	wrdreg s4  }
0xaa: {  	[dreg:$0x3] =	wrdreg s6  }
0xab: {  	[dreg:$0x4] =	wrdreg $0xC0  }
0xac: {  	_ =	task [dreg:s8], $0x5FFFF  }
0xad: {  	[dreg:$0x1] =	wrdreg $0xFFFFFFFF  }
0xae: {  	[dreg:$0x0] =	wrdreg $0x60  }
0xaf: {  	[dreg:$0x2] =	wrdreg s2  }
0xb0: {  	[dreg:$0x3] =	wrdreg s18  }
0xb1: {  	[dreg:$0x4] =	wrdreg s24  }
0xb2: {  	[dreg:$0x5] =	wrdreg $0x9  }
0xb3: {  	_ =	task.clear_ibuf [dreg:s8], $0x6FFFF;
	_ =	strace $0x90000046  }
0xb4: {  	s29 =	simm.s32 $0x9;
	_ =	strace $0x80000048  }
0xb5: {  	_ =	swait.ge [sflag:s29], $0x1  }
0xb6: {  	[sflag:s29] =	ssyncadd.s32 $0xFFFFFFFF  }
0xb7: {  	_ =	strace $0x90000048  }
0xb8: {  	_ =	sfence  }
0xb9: {  	s30 =	sld [smem:$0x0];
	_ =	sdelay $0x2  }
0xba: {  	s31 =	sshll.u32 s1, $0xD;
	s1 =	sshrl.u32 s1, $0x2  }
0xbb: {  	s3 =	sand.u32 $0x4000, s31;
	s1 =	sadd.s32 s1, s30  }
0xbc: {  	s0 =	sor.u32 s3, s0;
	s1 =	sshll.u32 s1, $0x11  }
0xbd: {  	s0 =	sor.u32 s1, s0  }
0xbe: {  	s0 =	sadd.s32 $0x8F2B, s0  }
0xbf: {  	[sflag:s0] =	ssyncadd.remote.s32 $0x1  }
0xc0: {  	_ =	sfence.sel $0xFFFF  }
0xc1: {  	[dreg:$0x0] =	wrdreg $0xFFFFFFFF;
	(pc) =	sbr.abs _section_cstart, $3  }
0xc2: {  	[dreg:$0x1] =	wrdreg $0xFFFFFFFF  }
0xc3: {  	_ =	task.clear_ibuf [dreg:s8], $0x2FFFF;
	_ =	strace $0x9FFFFFFF  }
0xc4: {  	(tm) =	ssettm $0x7FFFFFFF  }
0xc5: {  	_ =	shalt  }
tec
execute0_lowered:
.L_overlay_start_1:
0x0: {  	(tag) =	ssettag $0x1  }
0x1: {  	s1 =	rddreg [dreg:$0x0]  }
0x2: {  	s5 =	rddreg [dreg:$0x1]  }
0x3: {  	s4 =	rddreg [dreg:$0x2]  }
0x4: {  	s0 =	rddreg [dreg:$0x3];
	s2 =	simm.s32 $0x0  }
0x5: {  	s7 =	srdreg.scid;
	s3 =	stileid.u32;
	s31 =	simm.s32 $0x18800  }
0x6: {  	[smem:$0x7FF] =	sst s2;
	s6 =	sadd.s32 $0x200, s4;
	s16 =	sand.u32 $0x1, s7  }
0x7: {  	s17 =	sshll.u32 s3, $0x1;
	s18 =	sadd.s32 $0x400, s4;
	_ =	strace $0x80000047  }
0x8: {  	[dreg:$0x4] =	wrdreg s6;
	s8 =	ssub.s32 $0x2, s16;
	s6 =	sor.u32 s16, s17  }
0x9: {  	[dreg:$0x12] =	wrdreg s31;
	s4 =	smul.u32 $0x180, s6;
	s9 =	sshll.u32 s6, $0x8  }
0xa: {  	s19 =	sshrl.u32 s8, $0x1;
	s20 =	smul.u32 $0xC000, s6;
	s5 =	sadd.s32 s5, s9  }
0xb: {  	s19 =	ssub.s32 s8, s19;
	[dreg:$0x5] =	wrdreg s5  }
0xc: {  	s5 =	sadd.s32 $0x100, s1;
	s6 =	sor.u32 $0x20, s4;
	s21 =	sadd.s32 s18, s20  }
0xd: {  	s7 =	sor.u32 $0x40, s4;
	s8 =	sor.u32 $0x60, s4;
	s22 =	sshll.u32 s6, $0x7  }
0xe: {  	[dreg:$0x6] =	wrdreg s21;
	s24 =	sshll.u32 s7, $0x7;
	s23 =	sadd.s32 s18, s22  }
0xf: {  	s10 =	sshll.u32 s8, $0x7;
	s9 =	sadd.s32 s18, s24;
	[dreg:$0x7] =	wrdreg s23  }
0x10: {  	s11 =	sadd.s32 s18, s10;
	[dreg:$0x8] =	wrdreg s9;
	s9 =	sadd.s32 $0x80, s4  }
0x11: {  	s10 =	sadd.s32 $0xA0, s4;
	[dreg:$0x9] =	wrdreg s11;
	s12 =	sshll.u32 s9, $0x7  }
0x12: {  	s26 =	sshll.u32 s10, $0x7;
	s11 =	sadd.s32 $0xC0, s4;
	s25 =	sadd.s32 s18, s12  }
0x13: {  	s13 =	sshll.u32 s11, $0x7;
	s12 =	sadd.s32 s18, s26;
	[dreg:$0xa] =	wrdreg s25  }
0x14: {  	s19 =	smax.u32 s19, $0x1;
	s14 =	sadd.s32 s18, s13;
	[dreg:$0xb] =	wrdreg s12  }
0x15: {  	s13 =	sadd.s32 $0x100, s4;
	s12 =	sadd.s32 $0xE0, s4;
	[dreg:$0xc] =	wrdreg s14  }
0x16: {  	s29 =	sshll.u32 s13, $0x7;
	s14 =	sadd.s32 $0x120, s4;
	s15 =	sshll.u32 s12, $0x7  }
0x17: {  	s16 =	sshll.u32 s14, $0x7;
	s28 =	sadd.s32 s18, s15;
	s15 =	sadd.s32 s18, s29  }
0x18: {  	s17 =	sadd.s32 s18, s16;
	s16 =	sadd.s32 $0x160, s4;
	[dreg:$0xd] =	wrdreg s28  }
0x19: {  	[dreg:$0xe] =	wrdreg s15;
	s15 =	sadd.s32 $0x140, s4;
	s21 =	sshll.u32 s16, $0x7  }
0x1a: {  	[dreg:$0xf] =	wrdreg s17;
	s20 =	sshll.u32 s15, $0x7;
	s30 =	sadd.s32 s18, s21  }
0x1b: {  	s17 =	sadd.s32 $0x200, s1;
	s20 =	sadd.s32 s18, s20;
	[dreg:$0x11] =	wrdreg s30  }
0x1c: {  	s18 =	sadd.s32 $0x300, s1;
	[dreg:$0x10] =	wrdreg s20;
	s20 =	simm.s32 $0x7  }
.LBB2_1:
0x1d: {  	s21 =	rddreg [dreg:$0x4]  }
0x1e: {  	s22 =	rddreg [dreg:$0x12]  }
0x1f: {  	[tilespmem:s22], [sflag:$0x7] =	stream.linear.gather [hbm4b:s21+s2], $0x80, $0x38;
	[tilespmem:$0x18880] =	vst v63  }
0x20: {  	_ =	swait.ge [sflag:s20], $0x80  }
0x21: {  	[sflag:s20] =	ssyncset.done $0x0  }
0x22: {  	s30 =	rddreg [dreg:$0x5];
	[sflag:s20] =	ssyncadd.s32 $0xFFFFFF80  }
0x23: {  	[tilespmem:s2], [sflag:$0x7] =	stream.linear.gather [hbm4b:s30+s2], $0x600, $0x38;
	[tilespmem:$0x18880] =	vst v63  }
0x24: {  	_ =	swait.ge [sflag:s20], $0x600  }
0x25: {  	[sflag:s20] =	ssyncset.done $0x0  }
0x26: {  	[sflag:s20] =	ssyncadd.s32 $0xFFFFFA00  }
0x27: {  	v0 =	vld [tilespmem:$0x18800];
	_ =	sdelay $0x4  }
0x28: {  	(v2sf) =	vpush v0, $0x0;
	_ =	sdelay $0xe  }
0x29: {  	s31 =	spop (v2sf)  }
0x2a: {  	p1 =	sge.s32 s4, s31  }
0x2b: {  	v0 =	vld @!p1 [tilespmem:$0x0];
	_ =	sdelay $0x4  }
0x2c: {  	v1 =	vshll.u32 @!p1 v0, $0x3  }
0x2d: {  	v2 =	vlaneseq.u32 @!p1;
	v0 =	vand.u32 @!p1 $0x7, v0;
	v1 =	vand.u32 @!p1 $0xFFFFFFC0, v1  }
0x2e: {  	v3 =	vshrl.u32 @!p1 v2, $0x3;
	v0 =	vor.u32 @!p1 v0, v1;
	v1 =	vand.u32 @!p1 $0x7, v2  }
0x2f: {  	v3 =	vmul.u32 @!p1 $0x8, v3;
	v4 =	vperm.xlane @!p1 v0, v1;
	_ =	sdelay $0x1  }
0x30: {  	v4 =	vadd.s32 @!p1 v3, v4;
	_ =	sdelay $0x3  }
0x31: {  	vm0 =	vmmov @!p1 $0xffff;
	s22 =	simm.s32 @!p1 $0x0;
	s24 =	simm.s32 @!p1 $0x800  }
0x32: {  	v2 =	vor.u32 @!p1 $0x8, v2;
	[tilespmem:s24], [sflag:$0x1] =	stream.indirect_vreg.gather @!p1 [hbm4b:s1+s22], $0x80, v4, vm0, $0xb8;
	[tilespmem:$0x18880] =	vst v63  }
0x33: {  	s23 =	simm.s32 @!p1 $0x1000;
	v0 =	vperm.xlane @!p1 v0, v2  }
0x34: {  	[tilespmem:s23], [sflag:$0x1] =	stream.indirect_vreg.gather @!p1 [hbm4b:s5+s22], $0x80, v4, vm0, $0xb8;
	[tilespmem:$0x18880] =	vst v63  }
0x35: {  	v0 =	vadd.s32 @!p1 v3, v0;
	s23 =	simm.s32 @!p1 $0x1800  }
0x36: {  	[tilespmem:s23], [sflag:$0x1] =	stream.indirect_vreg.gather @!p1 [hbm4b:s17+s22], $0x80, v4, vm0, $0xb8;
	[tilespmem:$0x18880] =	vst v63  }
0x37: {  	s23 =	simm.s32 @!p1 $0x2000  }
0x38: {  	[tilespmem:s23], [sflag:$0x1] =	stream.indirect_vreg.gather @!p1 [hbm4b:s18+s22], $0x80, v4, vm0, $0xb8;
	[tilespmem:$0x18880] =	vst v63  }
0x39: {  	s23 =	simm.s32 @!p1 $0x2800  }
0x3a: {  	[tilespmem:s23], [sflag:$0x1] =	stream.indirect_vreg.gather @!p1 [hbm4b:s1+s22], $0x80, v0, vm0, $0xb8;
	[tilespmem:$0x18880] =	vst v63  }
0x3b: {  	s23 =	simm.s32 @!p1 $0x3000  }
0x3c: {  	[tilespmem:s23], [sflag:$0x1] =	stream.indirect_vreg.gather @!p1 [hbm4b:s5+s22], $0x80, v0, vm0, $0xb8;
	[tilespmem:$0x18880] =	vst v63  }
0x3d: {  	s23 =	simm.s32 @!p1 $0x3800  }
0x3e: {  	[tilespmem:s23], [sflag:$0x1] =	stream.indirect_vreg.gather @!p1 [hbm4b:s17+s22], $0x80, v0, vm0, $0xb8;
	[tilespmem:$0x18880] =	vst v63  }
0x3f: {  	s23 =	simm.s32 @!p1 $0x4000  }
0x40: {  	[tilespmem:s23], [sflag:$0x1] =	stream.indirect_vreg.gather @!p1 [hbm4b:s18+s22], $0x80, v0, vm0, $0xb8;
	[tilespmem:$0x18880] =	vst v63  }
0x41: {  	v0 =	vld @!p1 [tilespmem:$0x10];
	_ =	sdelay $0x4  }
0x42: {  	v4 =	vshll.u32 @!p1 v0, $0x3  }
0x43: {  	v0 =	vand.u32 @!p1 $0x7, v0;
	v4 =	vand.u32 @!p1 $0xFFFFFFC0, v4  }
0x44: {  	v0 =	vor.u32 @!p1 v0, v4  }
0x45: {  	v1 =	vperm.xlane @!p1 v0, v1;
	_ =	sdelay $0x1  }
0x46: {  	v1 =	vadd.s32 @!p1 v3, v1;
	_ =	sdelay $0x3  }
0x47: {  	s23 =	simm.s32 @!p1 $0x4800  }
0x48: {  	[tilespmem:s23], [sflag:$0x1] =	stream.indirect_vreg.gather @!p1 [hbm4b:s1+s22], $0x80, v1, vm0, $0xb8;
	[tilespmem:$0x18880] =	vst v63  }
0x49: {  	v0 =	vperm.xlane @!p1 v0, v2;
	s23 =	simm.s32 @!p1 $0x5000  }
0x4a: {  	[tilespmem:s23], [sflag:$0x1] =	stream.indirect_vreg.gather @!p1 [hbm4b:s5+s22], $0x80, v1, vm0, $0xb8;
	[tilespmem:$0x18880] =	vst v63  }
0x4b: {  	v0 =	vadd.s32 @!p1 v3, v0;
	s23 =	simm.s32 @!p1 $0x5800  }
0x4c: {  	[tilespmem:s23], [sflag:$0x1] =	stream.indirect_vreg.gather @!p1 [hbm4b:s17+s22], $0x80, v1, vm0, $0xb8;
	[tilespmem:$0x18880] =	vst v63  }
0x4d: {  	s23 =	simm.s32 @!p1 $0x6000  }
0x4e: {  	[tilespmem:s23], [sflag:$0x1] =	stream.indirect_vreg.gather @!p1 [hbm4b:s18+s22], $0x80, v1, vm0, $0xb8;
	[tilespmem:$0x18880] =	vst v63  }
0x4f: {  	s23 =	simm.s32 @!p1 $0x6800  }
0x50: {  	[tilespmem:s23], [sflag:$0x1] =	stream.indirect_vreg.gather @!p1 [hbm4b:s1+s22], $0x80, v0, vm0, $0xb8;
	[tilespmem:$0x18880] =	vst v63  }
0x51: {  	s23 =	simm.s32 @!p1 $0x7000  }
0x52: {  	[tilespmem:s23], [sflag:$0x1] =	stream.indirect_vreg.gather @!p1 [hbm4b:s5+s22], $0x80, v0, vm0, $0xb8;
	[tilespmem:$0x18880] =	vst v63  }
0x53: {  	s23 =	simm.s32 @!p1 $0x7800  }
0x54: {  	[tilespmem:s23], [sflag:$0x1] =	stream.indirect_vreg.gather @!p1 [hbm4b:s17+s22], $0x80, v0, vm0, $0xb8;
	[tilespmem:$0x18880] =	vst v63  }
0x55: {  	p2 =	sge.s32 s6, s31;
	s23 =	simm.s32 @!p1 $0x8000  }
0x56: {  	[tilespmem:s23], [sflag:$0x1] =	stream.indirect_vreg.gather @!p1 [hbm4b:s18+s22], $0x80, v0, vm0, $0xb8;
	[tilespmem:$0x18880] =	vst v63  }
0x57: {  	v0 =	vld @!p2 [tilespmem:$0x80];
	_ =	sdelay $0x4  }
0x58: {  	v1 =	vshll.u32 @!p2 v0, $0x3  }
0x59: {  	v2 =	vlaneseq.u32 @!p2;
	v0 =	vand.u32 @!p2 $0x7, v0;
	v1 =	vand.u32 @!p2 $0xFFFFFFC0, v1  }
0x5a: {  	v3 =	vshrl.u32 @!p2 v2, $0x3;
	v0 =	vor.u32 @!p2 v0, v1;
	v1 =	vand.u32 @!p2 $0x7, v2  }
0x5b: {  	v3 =	vmul.u32 @!p2 $0x8, v3;
	v4 =	vperm.xlane @!p2 v0, v1;
	_ =	sdelay $0x1  }
0x5c: {  	v4 =	vadd.s32 @!p2 v3, v4;
	_ =	sdelay $0x3  }
0x5d: {  	s25 =	simm.s32 @!p2 $0x8800;
	vm0 =	vmmov @!p2 $0xffff;
	s23 =	simm.s32 @!p2 $0x0  }
0x5e: {  	v2 =	vor.u32 @!p2 $0x8, v2;
	[tilespmem:s25], [sflag:$0x2] =	stream.indirect_vreg.gather @!p2 [hbm4b:s1+s23], $0x80, v4, vm0, $0xb8;
	[tilespmem:$0x18880] =	vst v63  }
0x5f: {  	s26 =	simm.s32 @!p2 $0x9000;
	v0 =	vperm.xlane @!p2 v0, v2  }
0x60: {  	[tilespmem:s26], [sflag:$0x2] =	stream.indirect_vreg.gather @!p2 [hbm4b:s5+s23], $0x80, v4, vm0, $0xb8;
	[tilespmem:$0x18880] =	vst v63  }
0x61: {  	v0 =	vadd.s32 @!p2 v3, v0;
	s26 =	simm.s32 @!p2 $0x9800  }
0x62: {  	[tilespmem:s26], [sflag:$0x2] =	stream.indirect_vreg.gather @!p2 [hbm4b:s17+s23], $0x80, v4, vm0, $0xb8;
	[tilespmem:$0x18880] =	vst v63  }
0x63: {  	s26 =	simm.s32 @!p2 $0xA000  }
0x64: {  	[tilespmem:s26], [sflag:$0x2] =	stream.indirect_vreg.gather @!p2 [hbm4b:s18+s23], $0x80, v4, vm0, $0xb8;
	[tilespmem:$0x18880] =	vst v63  }
0x65: {  	s26 =	simm.s32 @!p2 $0xA800  }
0x66: {  	[tilespmem:s26], [sflag:$0x2] =	stream.indirect_vreg.gather @!p2 [hbm4b:s1+s23], $0x80, v0, vm0, $0xb8;
	[tilespmem:$0x18880] =	vst v63  }
0x67: {  	s26 =	simm.s32 @!p2 $0xB000  }
0x68: {  	[tilespmem:s26], [sflag:$0x2] =	stream.indirect_vreg.gather @!p2 [hbm4b:s5+s23], $0x80, v0, vm0, $0xb8;
	[tilespmem:$0x18880] =	vst v63  }
0x69: {  	s26 =	simm.s32 @!p2 $0xB800  }
0x6a: {  	[tilespmem:s26], [sflag:$0x2] =	stream.indirect_vreg.gather @!p2 [hbm4b:s17+s23], $0x80, v0, vm0, $0xb8;
	[tilespmem:$0x18880] =	vst v63  }
0x6b: {  	s26 =	simm.s32 @!p2 $0xC000  }
0x6c: {  	[tilespmem:s26], [sflag:$0x2] =	stream.indirect_vreg.gather @!p2 [hbm4b:s18+s23], $0x80, v0, vm0, $0xb8;
	[tilespmem:$0x18880] =	vst v63  }
0x6d: {  	v0 =	vld @!p2 [tilespmem:$0x90];
	_ =	sdelay $0x4  }
0x6e: {  	v4 =	vshll.u32 @!p2 v0, $0x3  }
0x6f: {  	v0 =	vand.u32 @!p2 $0x7, v0;
	v4 =	vand.u32 @!p2 $0xFFFFFFC0, v4  }
0x70: {  	v0 =	vor.u32 @!p2 v0, v4  }
0x71: {  	v1 =	vperm.xlane @!p2 v0, v1;
	_ =	sdelay $0x1  }
0x72: {  	v1 =	vadd.s32 @!p2 v3, v1;
	_ =	sdelay $0x3  }
0x73: {  	s26 =	simm.s32 @!p2 $0xC800  }
0x74: {  	[tilespmem:s26], [sflag:$0x2] =	stream.indirect_vreg.gather @!p2 [hbm4b:s1+s23], $0x80, v1, vm0, $0xb8;
	[tilespmem:$0x18880] =	vst v63  }
0x75: {  	v0 =	vperm.xlane @!p2 v0, v2;
	s26 =	simm.s32 @!p2 $0xD000  }
0x76: {  	[tilespmem:s26], [sflag:$0x2] =	stream.indirect_vreg.gather @!p2 [hbm4b:s5+s23], $0x80, v1, vm0, $0xb8;
	[tilespmem:$0x18880] =	vst v63  }
0x77: {  	v0 =	vadd.s32 @!p2 v3, v0;
	s26 =	simm.s32 @!p2 $0xD800  }
0x78: {  	[tilespmem:s26], [sflag:$0x2] =	stream.indirect_vreg.gather @!p2 [hbm4b:s17+s23], $0x80, v1, vm0, $0xb8;
	[tilespmem:$0x18880] =	vst v63  }
0x79: {  	s26 =	simm.s32 @!p2 $0xE000  }
0x7a: {  	[tilespmem:s26], [sflag:$0x2] =	stream.indirect_vreg.gather @!p2 [hbm4b:s18+s23], $0x80, v1, vm0, $0xb8;
	[tilespmem:$0x18880] =	vst v63  }
0x7b: {  	s26 =	simm.s32 @!p2 $0xE800  }
0x7c: {  	[tilespmem:s26], [sflag:$0x2] =	stream.indirect_vreg.gather @!p2 [hbm4b:s1+s23], $0x80, v0, vm0, $0xb8;
	[tilespmem:$0x18880] =	vst v63  }
0x7d: {  	s26 =	simm.s32 @!p2 $0xF000  }
0x7e: {  	[tilespmem:s26], [sflag:$0x2] =	stream.indirect_vreg.gather @!p2 [hbm4b:s5+s23], $0x80, v0, vm0, $0xb8;
	[tilespmem:$0x18880] =	vst v63  }
0x7f: {  	s26 =	simm.s32 @!p2 $0xF800  }
0x80: {  	[tilespmem:s26], [sflag:$0x2] =	stream.indirect_vreg.gather @!p2 [hbm4b:s17+s23], $0x80, v0, vm0, $0xb8;
	[tilespmem:$0x18880] =	vst v63  }
0x81: {  	s26 =	simm.s32 @!p2 $0x10000  }
0x82: {  	[tilespmem:s26], [sflag:$0x2] =	stream.indirect_vreg.gather @!p2 [hbm4b:s18+s23], $0x80, v0, vm0, $0xb8;
	[tilespmem:$0x18880] =	vst v63  }
0x83: {  	s26 =	simm.s32 @!p1 $0x1  }
0x84: {  	_ =	swait.ge @!p1 [sflag:s26], $0x8000  }
0x85: {  	[sflag:s26] =	ssyncset.done @!p1 $0x0  }
0x86: {  	p0 =	sge.s32 s7, s31;
	s28 =	rddreg [dreg:$0x6];
	[sflag:s26] =	ssyncadd.s32 @!p1 $0xFFFF8000  }
0x87: {  	[hbm4b:s28+s22] =	stream.linear.scatter @!p1 [tilespmem:s24], [sflag:$0x4], $0x8000, $0x38;
	[tilespmem:$0x18880] =	vst v63  }
0x88: {  	v0 =	vld @!p0 [tilespmem:$0x100];
	_ =	sdelay $0x4  }
0x89: {  	v1 =	vshll.u32 @!p0 v0, $0x3  }
0x8a: {  	v2 =	vlaneseq.u32 @!p0;
	v0 =	vand.u32 @!p0 $0x7, v0;
	v1 =	vand.u32 @!p0 $0xFFFFFFC0, v1  }
0x8b: {  	v3 =	vshrl.u32 @!p0 v2, $0x3;
	v0 =	vor.u32 @!p0 v0, v1;
	v1 =	vand.u32 @!p0 $0x7, v2  }
0x8c: {  	v3 =	vmul.u32 @!p0 $0x8, v3;
	v4 =	vperm.xlane @!p0 v0, v1;
	_ =	sdelay $0x1  }
0x8d: {  	v4 =	vadd.s32 @!p0 v3, v4;
	_ =	sdelay $0x3  }
0x8e: {  	vm0 =	vmmov @!p0 $0xffff;
	s22 =	simm.s32 @!p0 $0x0;
	s24 =	simm.s32 @!p0 $0x10800  }
0x8f: {  	v2 =	vor.u32 @!p0 $0x8, v2;
	[tilespmem:s24], [sflag:$0x3] =	stream.indirect_vreg.gather @!p0 [hbm4b:s1+s22], $0x80, v4, vm0, $0xb8;
	[tilespmem:$0x18880] =	vst v63  }
0x90: {  	s26 =	simm.s32 @!p0 $0x11000;
	v0 =	vperm.xlane @!p0 v0, v2  }
0x91: {  	[tilespmem:s26], [sflag:$0x3] =	stream.indirect_vreg.gather @!p0 [hbm4b:s5+s22], $0x80, v4, vm0, $0xb8;
	[tilespmem:$0x18880] =	vst v63  }
0x92: {  	v0 =	vadd.s32 @!p0 v3, v0;
	s26 =	simm.s32 @!p0 $0x11800  }
0x93: {  	[tilespmem:s26], [sflag:$0x3] =	stream.indirect_vreg.gather @!p0 [hbm4b:s17+s22], $0x80, v4, vm0, $0xb8;
	[tilespmem:$0x18880] =	vst v63  }
0x94: {  	s26 =	simm.s32 @!p0 $0x12000  }
0x95: {  	[tilespmem:s26], [sflag:$0x3] =	stream.indirect_vreg.gather @!p0 [hbm4b:s18+s22], $0x80, v4, vm0, $0xb8;
	[tilespmem:$0x18880] =	vst v63  }
0x96: {  	s26 =	simm.s32 @!p0 $0x12800  }
0x97: {  	[tilespmem:s26], [sflag:$0x3] =	stream.indirect_vreg.gather @!p0 [hbm4b:s1+s22], $0x80, v0, vm0, $0xb8;
	[tilespmem:$0x18880] =	vst v63  }
0x98: {  	s26 =	simm.s32 @!p0 $0x13000  }
0x99: {  	[tilespmem:s26], [sflag:$0x3] =	stream.indirect_vreg.gather @!p0 [hbm4b:s5+s22], $0x80, v0, vm0, $0xb8;
	[tilespmem:$0x18880] =	vst v63  }
0x9a: {  	s26 =	simm.s32 @!p0 $0x13800  }
0x9b: {  	[tilespmem:s26], [sflag:$0x3] =	stream.indirect_vreg.gather @!p0 [hbm4b:s17+s22], $0x80, v0, vm0, $0xb8;
	[tilespmem:$0x18880] =	vst v63  }
0x9c: {  	s26 =	simm.s32 @!p0 $0x14000  }
0x9d: {  	[tilespmem:s26], [sflag:$0x3] =	stream.indirect_vreg.gather @!p0 [hbm4b:s18+s22], $0x80, v0, vm0, $0xb8;
	[tilespmem:$0x18880] =	vst v63  }
0x9e: {  	v0 =	vld @!p0 [tilespmem:$0x110];
	_ =	sdelay $0x4  }
0x9f: {  	v4 =	vshll.u32 @!p0 v0, $0x3  }
0xa0: {  	v0 =	vand.u32 @!p0 $0x7, v0;
	v4 =	vand.u32 @!p0 $0xFFFFFFC0, v4  }
0xa1: {  	v0 =	vor.u32 @!p0 v0, v4  }
0xa2: {  	v1 =	vperm.xlane @!p0 v0, v1;
	_ =	sdelay $0x1  }
0xa3: {  	v1 =	vadd.s32 @!p0 v3, v1;
	_ =	sdelay $0x3  }
0xa4: {  	s26 =	simm.s32 @!p0 $0x14800  }
0xa5: {  	[tilespmem:s26], [sflag:$0x3] =	stream.indirect_vreg.gather @!p0 [hbm4b:s1+s22], $0x80, v1, vm0, $0xb8;
	[tilespmem:$0x18880] =	vst v63  }
0xa6: {  	v0 =	vperm.xlane @!p0 v0, v2;
	s26 =	simm.s32 @!p0 $0x15000  }
0xa7: {  	[tilespmem:s26], [sflag:$0x3] =	stream.indirect_vreg.gather @!p0 [hbm4b:s5+s22], $0x80, v1, vm0, $0xb8;
	[tilespmem:$0x18880] =	vst v63  }
0xa8: {  	v0 =	vadd.s32 @!p0 v3, v0;
	s26 =	simm.s32 @!p0 $0x15800  }
0xa9: {  	[tilespmem:s26], [sflag:$0x3] =	stream.indirect_vreg.gather @!p0 [hbm4b:s17+s22], $0x80, v1, vm0, $0xb8;
	[tilespmem:$0x18880] =	vst v63  }
0xaa: {  	s26 =	simm.s32 @!p0 $0x16000  }
0xab: {  	[tilespmem:s26], [sflag:$0x3] =	stream.indirect_vreg.gather @!p0 [hbm4b:s18+s22], $0x80, v1, vm0, $0xb8;
	[tilespmem:$0x18880] =	vst v63  }
0xac: {  	s26 =	simm.s32 @!p0 $0x16800  }
0xad: {  	[tilespmem:s26], [sflag:$0x3] =	stream.indirect_vreg.gather @!p0 [hbm4b:s1+s22], $0x80, v0, vm0, $0xb8;
	[tilespmem:$0x18880] =	vst v63  }
0xae: {  	s26 =	simm.s32 @!p0 $0x17000  }
0xaf: {  	[tilespmem:s26], [sflag:$0x3] =	stream.indirect_vreg.gather @!p0 [hbm4b:s5+s22], $0x80, v0, vm0, $0xb8;
	[tilespmem:$0x18880] =	vst v63  }
0xb0: {  	s26 =	simm.s32 @!p0 $0x17800  }
0xb1: {  	[tilespmem:s26], [sflag:$0x3] =	stream.indirect_vreg.gather @!p0 [hbm4b:s17+s22], $0x80, v0, vm0, $0xb8;
	[tilespmem:$0x18880] =	vst v63  }
0xb2: {  	s26 =	simm.s32 @!p0 $0x18000  }
0xb3: {  	[tilespmem:s26], [sflag:$0x3] =	stream.indirect_vreg.gather @!p0 [hbm4b:s18+s22], $0x80, v0, vm0, $0xb8;
	[tilespmem:$0x18880] =	vst v63  }
0xb4: {  	s26 =	simm.s32 @!p2 $0x2  }
0xb5: {  	_ =	swait.ge @!p2 [sflag:s26], $0x8000  }
0xb6: {  	[sflag:s26] =	ssyncset.done @!p2 $0x0  }
0xb7: {  	s28 =	rddreg [dreg:$0x7];
	[sflag:s26] =	ssyncadd.s32 @!p2 $0xFFFF8000  }
0xb8: {  	[hbm4b:s28+s23] =	stream.linear.scatter @!p2 [tilespmem:s25], [sflag:$0x5], $0x8000, $0x38;
	[tilespmem:$0x18880] =	vst v63  }
0xb9: {  	s23 =	simm.s32 @!p1 $0x4  }
0xba: {  	_ =	swait.ge @!p1 [sflag:s23], $0x8000  }
0xbb: {  	[sflag:s23] =	ssyncset.done @!p1 $0x0  }
0xbc: {  	[sflag:s23] =	ssyncadd.s32 @!p1 $0xFFFF8000;
	p1 =	sge.s32 s8, s31  }
0xbd: {  	v0 =	vld @!p1 [tilespmem:$0x180];
	_ =	sdelay $0x4  }
0xbe: {  	v1 =	vshll.u32 @!p1 v0, $0x3  }
0xbf: {  	v2 =	vlaneseq.u32 @!p1;
	v0 =	vand.u32 @!p1 $0x7, v0;
	v1 =	vand.u32 @!p1 $0xFFFFFFC0, v1  }
0xc0: {  	v3 =	vshrl.u32 @!p1 v2, $0x3;
	v0 =	vor.u32 @!p1 v0, v1;
	v1 =	vand.u32 @!p1 $0x7, v2  }
0xc1: {  	v3 =	vmul.u32 @!p1 $0x8, v3;
	v4 =	vperm.xlane @!p1 v0, v1;
	_ =	sdelay $0x1  }
0xc2: {  	v4 =	vadd.s32 @!p1 v3, v4;
	_ =	sdelay $0x3  }
0xc3: {  	vm0 =	vmmov @!p1 $0xffff;
	s23 =	simm.s32 @!p1 $0x0;
	s25 =	simm.s32 @!p1 $0x800  }
0xc4: {  	v2 =	vor.u32 @!p1 $0x8, v2;
	[tilespmem:s25], [sflag:$0x1] =	stream.indirect_vreg.gather @!p1 [hbm4b:s1+s23], $0x80, v4, vm0, $0xb8;
	[tilespmem:$0x18880] =	vst v63  }
0xc5: {  	s26 =	simm.s32 @!p1 $0x1000;
	v0 =	vperm.xlane @!p1 v0, v2  }
0xc6: {  	[tilespmem:s26], [sflag:$0x1] =	stream.indirect_vreg.gather @!p1 [hbm4b:s5+s23], $0x80, v4, vm0, $0xb8;
	[tilespmem:$0x18880] =	vst v63  }
0xc7: {  	v0 =	vadd.s32 @!p1 v3, v0;
	s26 =	simm.s32 @!p1 $0x1800  }
0xc8: {  	[tilespmem:s26], [sflag:$0x1] =	stream.indirect_vreg.gather @!p1 [hbm4b:s17+s23], $0x80, v4, vm0, $0xb8;
	[tilespmem:$0x18880] =	vst v63  }
0xc9: {  	s26 =	simm.s32 @!p1 $0x2000  }
0xca: {  	[tilespmem:s26], [sflag:$0x1] =	stream.indirect_vreg.gather @!p1 [hbm4b:s18+s23], $0x80, v4, vm0, $0xb8;
	[tilespmem:$0x18880] =	vst v63  }
0xcb: {  	s26 =	simm.s32 @!p1 $0x2800  }
0xcc: {  	[tilespmem:s26], [sflag:$0x1] =	stream.indirect_vreg.gather @!p1 [hbm4b:s1+s23], $0x80, v0, vm0, $0xb8;
	[tilespmem:$0x18880] =	vst v63  }
0xcd: {  	s26 =	simm.s32 @!p1 $0x3000  }
0xce: {  	[tilespmem:s26], [sflag:$0x1] =	stream.indirect_vreg.gather @!p1 [hbm4b:s5+s23], $0x80, v0, vm0, $0xb8;
	[tilespmem:$0x18880] =	vst v63  }
0xcf: {  	s26 =	simm.s32 @!p1 $0x3800  }
0xd0: {  	[tilespmem:s26], [sflag:$0x1] =	stream.indirect_vreg.gather @!p1 [hbm4b:s17+s23], $0x80, v0, vm0, $0xb8;
	[tilespmem:$0x18880] =	vst v63  }
0xd1: {  	s26 =	simm.s32 @!p1 $0x4000  }
0xd2: {  	[tilespmem:s26], [sflag:$0x1] =	stream.indirect_vreg.gather @!p1 [hbm4b:s18+s23], $0x80, v0, vm0, $0xb8;
	[tilespmem:$0x18880] =	vst v63  }
0xd3: {  	v0 =	vld @!p1 [tilespmem:$0x190];
	_ =	sdelay $0x4  }
0xd4: {  	v4 =	vshll.u32 @!p1 v0, $0x3  }
0xd5: {  	v0 =	vand.u32 @!p1 $0x7, v0;
	v4 =	vand.u32 @!p1 $0xFFFFFFC0, v4  }
0xd6: {  	v0 =	vor.u32 @!p1 v0, v4  }
0xd7: {  	v1 =	vperm.xlane @!p1 v0, v1;
	_ =	sdelay $0x1  }
0xd8: {  	v1 =	vadd.s32 @!p1 v3, v1;
	_ =	sdelay $0x3  }
0xd9: {  	s26 =	simm.s32 @!p1 $0x4800  }
0xda: {  	[tilespmem:s26], [sflag:$0x1] =	stream.indirect_vreg.gather @!p1 [hbm4b:s1+s23], $0x80, v1, vm0, $0xb8;
	[tilespmem:$0x18880] =	vst v63  }
0xdb: {  	v0 =	vperm.xlane @!p1 v0, v2;
	s26 =	simm.s32 @!p1 $0x5000  }
0xdc: {  	[tilespmem:s26], [sflag:$0x1] =	stream.indirect_vreg.gather @!p1 [hbm4b:s5+s23], $0x80, v1, vm0, $0xb8;
	[tilespmem:$0x18880] =	vst v63  }
0xdd: {  	v0 =	vadd.s32 @!p1 v3, v0;
	s26 =	simm.s32 @!p1 $0x5800  }
0xde: {  	[tilespmem:s26], [sflag:$0x1] =	stream.indirect_vreg.gather @!p1 [hbm4b:s17+s23], $0x80, v1, vm0, $0xb8;
	[tilespmem:$0x18880] =	vst v63  }
0xdf: {  	s26 =	simm.s32 @!p1 $0x6000  }
0xe0: {  	[tilespmem:s26], [sflag:$0x1] =	stream.indirect_vreg.gather @!p1 [hbm4b:s18+s23], $0x80, v1, vm0, $0xb8;
	[tilespmem:$0x18880] =	vst v63  }
0xe1: {  	s26 =	simm.s32 @!p1 $0x6800  }
0xe2: {  	[tilespmem:s26], [sflag:$0x1] =	stream.indirect_vreg.gather @!p1 [hbm4b:s1+s23], $0x80, v0, vm0, $0xb8;
	[tilespmem:$0x18880] =	vst v63  }
0xe3: {  	s26 =	simm.s32 @!p1 $0x7000  }
0xe4: {  	[tilespmem:s26], [sflag:$0x1] =	stream.indirect_vreg.gather @!p1 [hbm4b:s5+s23], $0x80, v0, vm0, $0xb8;
	[tilespmem:$0x18880] =	vst v63  }
0xe5: {  	s26 =	simm.s32 @!p1 $0x7800  }
0xe6: {  	[tilespmem:s26], [sflag:$0x1] =	stream.indirect_vreg.gather @!p1 [hbm4b:s17+s23], $0x80, v0, vm0, $0xb8;
	[tilespmem:$0x18880] =	vst v63  }
0xe7: {  	s26 =	simm.s32 @!p1 $0x8000  }
0xe8: {  	[tilespmem:s26], [sflag:$0x1] =	stream.indirect_vreg.gather @!p1 [hbm4b:s18+s23], $0x80, v0, vm0, $0xb8;
	[tilespmem:$0x18880] =	vst v63  }
0xe9: {  	s26 =	simm.s32 @!p0 $0x3  }
0xea: {  	_ =	swait.ge @!p0 [sflag:s26], $0x8000  }
0xeb: {  	[sflag:s26] =	ssyncset.done @!p0 $0x0  }
0xec: {  	s28 =	rddreg [dreg:$0x8];
	[sflag:s26] =	ssyncadd.s32 @!p0 $0xFFFF8000  }
0xed: {  	[hbm4b:s28+s22] =	stream.linear.scatter @!p0 [tilespmem:s24], [sflag:$0x6], $0x8000, $0x38;
	[tilespmem:$0x18880] =	vst v63  }
0xee: {  	s22 =	simm.s32 @!p2 $0x5  }
0xef: {  	_ =	swait.ge @!p2 [sflag:s22], $0x8000  }
0xf0: {  	[sflag:s22] =	ssyncset.done @!p2 $0x0  }
0xf1: {  	[sflag:s22] =	ssyncadd.s32 @!p2 $0xFFFF8000;
	p2 =	sge.s32 s9, s31  }
0xf2: {  	v0 =	vld @!p2 [tilespmem:$0x200];
	_ =	sdelay $0x4  }
0xf3: {  	v1 =	vshll.u32 @!p2 v0, $0x3  }
0xf4: {  	v2 =	vlaneseq.u32 @!p2;
	v0 =	vand.u32 @!p2 $0x7, v0;
	v1 =	vand.u32 @!p2 $0xFFFFFFC0, v1  }
0xf5: {  	v3 =	vshrl.u32 @!p2 v2, $0x3;
	v0 =	vor.u32 @!p2 v0, v1;
	v1 =	vand.u32 @!p2 $0x7, v2  }
0xf6: {  	v3 =	vmul.u32 @!p2 $0x8, v3;
	v4 =	vperm.xlane @!p2 v0, v1;
	_ =	sdelay $0x1  }
0xf7: {  	v4 =	vadd.s32 @!p2 v3, v4;
	_ =	sdelay $0x3  }
0xf8: {  	vm0 =	vmmov @!p2 $0xffff;
	s22 =	simm.s32 @!p2 $0x0;
	s24 =	simm.s32 @!p2 $0x8800  }
0xf9: {  	v2 =	vor.u32 @!p2 $0x8, v2;
	[tilespmem:s24], [sflag:$0x2] =	stream.indirect_vreg.gather @!p2 [hbm4b:s1+s22], $0x80, v4, vm0, $0xb8;
	[tilespmem:$0x18880] =	vst v63  }
0xfa: {  	s26 =	simm.s32 @!p2 $0x9000;
	v0 =	vperm.xlane @!p2 v0, v2  }
0xfb: {  	[tilespmem:s26], [sflag:$0x2] =	stream.indirect_vreg.gather @!p2 [hbm4b:s5+s22], $0x80, v4, vm0, $0xb8;
	[tilespmem:$0x18880] =	vst v63  }
0xfc: {  	v0 =	vadd.s32 @!p2 v3, v0;
	s26 =	simm.s32 @!p2 $0x9800  }
0xfd: {  	[tilespmem:s26], [sflag:$0x2] =	stream.indirect_vreg.gather @!p2 [hbm4b:s17+s22], $0x80, v4, vm0, $0xb8;
	[tilespmem:$0x18880] =	vst v63  }
0xfe: {  	s26 =	simm.s32 @!p2 $0xA000  }
0xff: {  	[tilespmem:s26], [sflag:$0x2] =	stream.indirect_vreg.gather @!p2 [hbm4b:s18+s22], $0x80, v4, vm0, $0xb8;
	[tilespmem:$0x18880] =	vst v63  }
0x100: {  	s26 =	simm.s32 @!p2 $0xA800  }
0x101: {  	[tilespmem:s26], [sflag:$0x2] =	stream.indirect_vreg.gather @!p2 [hbm4b:s1+s22], $0x80, v0, vm0, $0xb8;
	[tilespmem:$0x18880] =	vst v63  }
0x102: {  	s26 =	simm.s32 @!p2 $0xB000  }
0x103: {  	[tilespmem:s26], [sflag:$0x2] =	stream.indirect_vreg.gather @!p2 [hbm4b:s5+s22], $0x80, v0, vm0, $0xb8;
	[tilespmem:$0x18880] =	vst v63  }
0x104: {  	s26 =	simm.s32 @!p2 $0xB800  }
0x105: {  	[tilespmem:s26], [sflag:$0x2] =	stream.indirect_vreg.gather @!p2 [hbm4b:s17+s22], $0x80, v0, vm0, $0xb8;
	[tilespmem:$0x18880] =	vst v63  }
0x106: {  	s26 =	simm.s32 @!p2 $0xC000  }
0x107: {  	[tilespmem:s26], [sflag:$0x2] =	stream.indirect_vreg.gather @!p2 [hbm4b:s18+s22], $0x80, v0, vm0, $0xb8;
	[tilespmem:$0x18880] =	vst v63  }
0x108: {  	v0 =	vld @!p2 [tilespmem:$0x210];
	_ =	sdelay $0x4  }
0x109: {  	v4 =	vshll.u32 @!p2 v0, $0x3  }
0x10a: {  	v0 =	vand.u32 @!p2 $0x7, v0;
	v4 =	vand.u32 @!p2 $0xFFFFFFC0, v4  }
0x10b: {  	v0 =	vor.u32 @!p2 v0, v4  }
0x10c: {  	v1 =	vperm.xlane @!p2 v0, v1;
	_ =	sdelay $0x1  }
0x10d: {  	v1 =	vadd.s32 @!p2 v3, v1;
	_ =	sdelay $0x3  }
0x10e: {  	s26 =	simm.s32 @!p2 $0xC800  }
0x10f: {  	[tilespmem:s26], [sflag:$0x2] =	stream.indirect_vreg.gather @!p2 [hbm4b:s1+s22], $0x80, v1, vm0, $0xb8;
	[tilespmem:$0x18880] =	vst v63  }
0x110: {  	v0 =	vperm.xlane @!p2 v0, v2;
	s26 =	simm.s32 @!p2 $0xD000  }
0x111: {  	[tilespmem:s26], [sflag:$0x2] =	stream.indirect_vreg.gather @!p2 [hbm4b:s5+s22], $0x80, v1, vm0, $0xb8;
	[tilespmem:$0x18880] =	vst v63  }
0x112: {  	v0 =	vadd.s32 @!p2 v3, v0;
	s26 =	simm.s32 @!p2 $0xD800  }
0x113: {  	[tilespmem:s26], [sflag:$0x2] =	stream.indirect_vreg.gather @!p2 [hbm4b:s17+s22], $0x80, v1, vm0, $0xb8;
	[tilespmem:$0x18880] =	vst v63  }
0x114: {  	s26 =	simm.s32 @!p2 $0xE000  }
0x115: {  	[tilespmem:s26], [sflag:$0x2] =	stream.indirect_vreg.gather @!p2 [hbm4b:s18+s22], $0x80, v1, vm0, $0xb8;
	[tilespmem:$0x18880] =	vst v63  }
0x116: {  	s26 =	simm.s32 @!p2 $0xE800  }
0x117: {  	[tilespmem:s26], [sflag:$0x2] =	stream.indirect_vreg.gather @!p2 [hbm4b:s1+s22], $0x80, v0, vm0, $0xb8;
	[tilespmem:$0x18880] =	vst v63  }
0x118: {  	s26 =	simm.s32 @!p2 $0xF000  }
0x119: {  	[tilespmem:s26], [sflag:$0x2] =	stream.indirect_vreg.gather @!p2 [hbm4b:s5+s22], $0x80, v0, vm0, $0xb8;
	[tilespmem:$0x18880] =	vst v63  }
0x11a: {  	s26 =	simm.s32 @!p2 $0xF800  }
0x11b: {  	[tilespmem:s26], [sflag:$0x2] =	stream.indirect_vreg.gather @!p2 [hbm4b:s17+s22], $0x80, v0, vm0, $0xb8;
	[tilespmem:$0x18880] =	vst v63  }
0x11c: {  	s26 =	simm.s32 @!p2 $0x10000  }
0x11d: {  	[tilespmem:s26], [sflag:$0x2] =	stream.indirect_vreg.gather @!p2 [hbm4b:s18+s22], $0x80, v0, vm0, $0xb8;
	[tilespmem:$0x18880] =	vst v63  }
0x11e: {  	s26 =	simm.s32 @!p1 $0x1  }
0x11f: {  	_ =	swait.ge @!p1 [sflag:s26], $0x8000  }
0x120: {  	[sflag:s26] =	ssyncset.done @!p1 $0x0  }
0x121: {  	s28 =	rddreg [dreg:$0x9];
	[sflag:s26] =	ssyncadd.s32 @!p1 $0xFFFF8000  }
0x122: {  	[hbm4b:s28+s23] =	stream.linear.scatter @!p1 [tilespmem:s25], [sflag:$0x4], $0x8000, $0x38;
	[tilespmem:$0x18880] =	vst v63  }
0x123: {  	s23 =	simm.s32 @!p0 $0x6  }
0x124: {  	_ =	swait.ge @!p0 [sflag:s23], $0x8000  }
0x125: {  	[sflag:s23] =	ssyncset.done @!p0 $0x0  }
0x126: {  	[sflag:s23] =	ssyncadd.s32 @!p0 $0xFFFF8000;
	p0 =	sge.s32 s10, s31  }
0x127: {  	v0 =	vld @!p0 [tilespmem:$0x280];
	_ =	sdelay $0x4  }
0x128: {  	v1 =	vshll.u32 @!p0 v0, $0x3  }
0x129: {  	v2 =	vlaneseq.u32 @!p0;
	v0 =	vand.u32 @!p0 $0x7, v0;
	v1 =	vand.u32 @!p0 $0xFFFFFFC0, v1  }
0x12a: {  	v3 =	vshrl.u32 @!p0 v2, $0x3;
	v0 =	vor.u32 @!p0 v0, v1;
	v1 =	vand.u32 @!p0 $0x7, v2  }
0x12b: {  	v3 =	vmul.u32 @!p0 $0x8, v3;
	v4 =	vperm.xlane @!p0 v0, v1;
	_ =	sdelay $0x1  }
0x12c: {  	v4 =	vadd.s32 @!p0 v3, v4;
	_ =	sdelay $0x3  }
0x12d: {  	vm0 =	vmmov @!p0 $0xffff;
	s23 =	simm.s32 @!p0 $0x0;
	s25 =	simm.s32 @!p0 $0x10800  }
0x12e: {  	v2 =	vor.u32 @!p0 $0x8, v2;
	[tilespmem:s25], [sflag:$0x3] =	stream.indirect_vreg.gather @!p0 [hbm4b:s1+s23], $0x80, v4, vm0, $0xb8;
	[tilespmem:$0x18880] =	vst v63  }
0x12f: {  	s26 =	simm.s32 @!p0 $0x11000;
	v0 =	vperm.xlane @!p0 v0, v2  }
0x130: {  	[tilespmem:s26], [sflag:$0x3] =	stream.indirect_vreg.gather @!p0 [hbm4b:s5+s23], $0x80, v4, vm0, $0xb8;
	[tilespmem:$0x18880] =	vst v63  }
0x131: {  	v0 =	vadd.s32 @!p0 v3, v0;
	s26 =	simm.s32 @!p0 $0x11800  }
0x132: {  	[tilespmem:s26], [sflag:$0x3] =	stream.indirect_vreg.gather @!p0 [hbm4b:s17+s23], $0x80, v4, vm0, $0xb8;
	[tilespmem:$0x18880] =	vst v63  }
0x133: {  	s26 =	simm.s32 @!p0 $0x12000  }
0x134: {  	[tilespmem:s26], [sflag:$0x3] =	stream.indirect_vreg.gather @!p0 [hbm4b:s18+s23], $0x80, v4, vm0, $0xb8;
	[tilespmem:$0x18880] =	vst v63  }
0x135: {  	s26 =	simm.s32 @!p0 $0x12800  }
0x136: {  	[tilespmem:s26], [sflag:$0x3] =	stream.indirect_vreg.gather @!p0 [hbm4b:s1+s23], $0x80, v0, vm0, $0xb8;
	[tilespmem:$0x18880] =	vst v63  }
0x137: {  	s26 =	simm.s32 @!p0 $0x13000  }
0x138: {  	[tilespmem:s26], [sflag:$0x3] =	stream.indirect_vreg.gather @!p0 [hbm4b:s5+s23], $0x80, v0, vm0, $0xb8;
	[tilespmem:$0x18880] =	vst v63  }
0x139: {  	s26 =	simm.s32 @!p0 $0x13800  }
0x13a: {  	[tilespmem:s26], [sflag:$0x3] =	stream.indirect_vreg.gather @!p0 [hbm4b:s17+s23], $0x80, v0, vm0, $0xb8;
	[tilespmem:$0x18880] =	vst v63  }
0x13b: {  	s26 =	simm.s32 @!p0 $0x14000  }
0x13c: {  	[tilespmem:s26], [sflag:$0x3] =	stream.indirect_vreg.gather @!p0 [hbm4b:s18+s23], $0x80, v0, vm0, $0xb8;
	[tilespmem:$0x18880] =	vst v63  }
0x13d: {  	v0 =	vld @!p0 [tilespmem:$0x290];
	_ =	sdelay $0x4  }
0x13e: {  	v4 =	vshll.u32 @!p0 v0, $0x3  }
0x13f: {  	v0 =	vand.u32 @!p0 $0x7, v0;
	v4 =	vand.u32 @!p0 $0xFFFFFFC0, v4  }
0x140: {  	v0 =	vor.u32 @!p0 v0, v4  }
0x141: {  	v1 =	vperm.xlane @!p0 v0, v1;
	_ =	sdelay $0x1  }
0x142: {  	v1 =	vadd.s32 @!p0 v3, v1;
	_ =	sdelay $0x3  }
0x143: {  	s26 =	simm.s32 @!p0 $0x14800  }
0x144: {  	[tilespmem:s26], [sflag:$0x3] =	stream.indirect_vreg.gather @!p0 [hbm4b:s1+s23], $0x80, v1, vm0, $0xb8;
	[tilespmem:$0x18880] =	vst v63  }
0x145: {  	v0 =	vperm.xlane @!p0 v0, v2;
	s26 =	simm.s32 @!p0 $0x15000  }
0x146: {  	[tilespmem:s26], [sflag:$0x3] =	stream.indirect_vreg.gather @!p0 [hbm4b:s5+s23], $0x80, v1, vm0, $0xb8;
	[tilespmem:$0x18880] =	vst v63  }
0x147: {  	v0 =	vadd.s32 @!p0 v3, v0;
	s26 =	simm.s32 @!p0 $0x15800  }
0x148: {  	[tilespmem:s26], [sflag:$0x3] =	stream.indirect_vreg.gather @!p0 [hbm4b:s17+s23], $0x80, v1, vm0, $0xb8;
	[tilespmem:$0x18880] =	vst v63  }
0x149: {  	s26 =	simm.s32 @!p0 $0x16000  }
0x14a: {  	[tilespmem:s26], [sflag:$0x3] =	stream.indirect_vreg.gather @!p0 [hbm4b:s18+s23], $0x80, v1, vm0, $0xb8;
	[tilespmem:$0x18880] =	vst v63  }
0x14b: {  	s26 =	simm.s32 @!p0 $0x16800  }
0x14c: {  	[tilespmem:s26], [sflag:$0x3] =	stream.indirect_vreg.gather @!p0 [hbm4b:s1+s23], $0x80, v0, vm0, $0xb8;
	[tilespmem:$0x18880] =	vst v63  }
0x14d: {  	s26 =	simm.s32 @!p0 $0x17000  }
0x14e: {  	[tilespmem:s26], [sflag:$0x3] =	stream.indirect_vreg.gather @!p0 [hbm4b:s5+s23], $0x80, v0, vm0, $0xb8;
	[tilespmem:$0x18880] =	vst v63  }
0x14f: {  	s26 =	simm.s32 @!p0 $0x17800  }
0x150: {  	[tilespmem:s26], [sflag:$0x3] =	stream.indirect_vreg.gather @!p0 [hbm4b:s17+s23], $0x80, v0, vm0, $0xb8;
	[tilespmem:$0x18880] =	vst v63  }
0x151: {  	s26 =	simm.s32 @!p0 $0x18000  }
0x152: {  	[tilespmem:s26], [sflag:$0x3] =	stream.indirect_vreg.gather @!p0 [hbm4b:s18+s23], $0x80, v0, vm0, $0xb8;
	[tilespmem:$0x18880] =	vst v63  }
0x153: {  	s26 =	simm.s32 @!p2 $0x2  }
0x154: {  	_ =	swait.ge @!p2 [sflag:s26], $0x8000  }
0x155: {  	[sflag:s26] =	ssyncset.done @!p2 $0x0  }
0x156: {  	s28 =	rddreg [dreg:$0xa];
	[sflag:s26] =	ssyncadd.s32 @!p2 $0xFFFF8000  }
0x157: {  	[hbm4b:s28+s22] =	stream.linear.scatter @!p2 [tilespmem:s24], [sflag:$0x5], $0x8000, $0x38;
	[tilespmem:$0x18880] =	vst v63  }
0x158: {  	s22 =	simm.s32 @!p1 $0x4  }
0x159: {  	_ =	swait.ge @!p1 [sflag:s22], $0x8000  }
0x15a: {  	[sflag:s22] =	ssyncset.done @!p1 $0x0  }
0x15b: {  	[sflag:s22] =	ssyncadd.s32 @!p1 $0xFFFF8000;
	p1 =	sge.s32 s11, s31  }
0x15c: {  	v0 =	vld @!p1 [tilespmem:$0x300];
	_ =	sdelay $0x4  }
0x15d: {  	v1 =	vshll.u32 @!p1 v0, $0x3  }
0x15e: {  	v2 =	vlaneseq.u32 @!p1;
	v0 =	vand.u32 @!p1 $0x7, v0;
	v1 =	vand.u32 @!p1 $0xFFFFFFC0, v1  }
0x15f: {  	v3 =	vshrl.u32 @!p1 v2, $0x3;
	v0 =	vor.u32 @!p1 v0, v1;
	v1 =	vand.u32 @!p1 $0x7, v2  }
0x160: {  	v3 =	vmul.u32 @!p1 $0x8, v3;
	v4 =	vperm.xlane @!p1 v0, v1;
	_ =	sdelay $0x1  }
0x161: {  	v4 =	vadd.s32 @!p1 v3, v4;
	_ =	sdelay $0x3  }
0x162: {  	vm0 =	vmmov @!p1 $0xffff;
	s22 =	simm.s32 @!p1 $0x0;
	s24 =	simm.s32 @!p1 $0x800  }
0x163: {  	v2 =	vor.u32 @!p1 $0x8, v2;
	[tilespmem:s24], [sflag:$0x1] =	stream.indirect_vreg.gather @!p1 [hbm4b:s1+s22], $0x80, v4, vm0, $0xb8;
	[tilespmem:$0x18880] =	vst v63  }
0x164: {  	s26 =	simm.s32 @!p1 $0x1000;
	v0 =	vperm.xlane @!p1 v0, v2  }
0x165: {  	[tilespmem:s26], [sflag:$0x1] =	stream.indirect_vreg.gather @!p1 [hbm4b:s5+s22], $0x80, v4, vm0, $0xb8;
	[tilespmem:$0x18880] =	vst v63  }
0x166: {  	v0 =	vadd.s32 @!p1 v3, v0;
	s26 =	simm.s32 @!p1 $0x1800  }
0x167: {  	[tilespmem:s26], [sflag:$0x1] =	stream.indirect_vreg.gather @!p1 [hbm4b:s17+s22], $0x80, v4, vm0, $0xb8;
	[tilespmem:$0x18880] =	vst v63  }
0x168: {  	s26 =	simm.s32 @!p1 $0x2000  }
0x169: {  	[tilespmem:s26], [sflag:$0x1] =	stream.indirect_vreg.gather @!p1 [hbm4b:s18+s22], $0x80, v4, vm0, $0xb8;
	[tilespmem:$0x18880] =	vst v63  }
0x16a: {  	s26 =	simm.s32 @!p1 $0x2800  }
0x16b: {  	[tilespmem:s26], [sflag:$0x1] =	stream.indirect_vreg.gather @!p1 [hbm4b:s1+s22], $0x80, v0, vm0, $0xb8;
	[tilespmem:$0x18880] =	vst v63  }
0x16c: {  	s26 =	simm.s32 @!p1 $0x3000  }
0x16d: {  	[tilespmem:s26], [sflag:$0x1] =	stream.indirect_vreg.gather @!p1 [hbm4b:s5+s22], $0x80, v0, vm0, $0xb8;
	[tilespmem:$0x18880] =	vst v63  }
0x16e: {  	s26 =	simm.s32 @!p1 $0x3800  }
0x16f: {  	[tilespmem:s26], [sflag:$0x1] =	stream.indirect_vreg.gather @!p1 [hbm4b:s17+s22], $0x80, v0, vm0, $0xb8;
	[tilespmem:$0x18880] =	vst v63  }
0x170: {  	s26 =	simm.s32 @!p1 $0x4000  }
0x171: {  	[tilespmem:s26], [sflag:$0x1] =	stream.indirect_vreg.gather @!p1 [hbm4b:s18+s22], $0x80, v0, vm0, $0xb8;
	[tilespmem:$0x18880] =	vst v63  }
0x172: {  	v0 =	vld @!p1 [tilespmem:$0x310];
	_ =	sdelay $0x4  }
0x173: {  	v4 =	vshll.u32 @!p1 v0, $0x3  }
0x174: {  	v0 =	vand.u32 @!p1 $0x7, v0;
	v4 =	vand.u32 @!p1 $0xFFFFFFC0, v4  }
0x175: {  	v0 =	vor.u32 @!p1 v0, v4  }
0x176: {  	v1 =	vperm.xlane @!p1 v0, v1;
	_ =	sdelay $0x1  }
0x177: {  	v1 =	vadd.s32 @!p1 v3, v1;
	_ =	sdelay $0x3  }
0x178: {  	s26 =	simm.s32 @!p1 $0x4800  }
0x179: {  	[tilespmem:s26], [sflag:$0x1] =	stream.indirect_vreg.gather @!p1 [hbm4b:s1+s22], $0x80, v1, vm0, $0xb8;
	[tilespmem:$0x18880] =	vst v63  }
0x17a: {  	v0 =	vperm.xlane @!p1 v0, v2;
	s26 =	simm.s32 @!p1 $0x5000  }
0x17b: {  	[tilespmem:s26], [sflag:$0x1] =	stream.indirect_vreg.gather @!p1 [hbm4b:s5+s22], $0x80, v1, vm0, $0xb8;
	[tilespmem:$0x18880] =	vst v63  }
0x17c: {  	v0 =	vadd.s32 @!p1 v3, v0;
	s26 =	simm.s32 @!p1 $0x5800  }
0x17d: {  	[tilespmem:s26], [sflag:$0x1] =	stream.indirect_vreg.gather @!p1 [hbm4b:s17+s22], $0x80, v1, vm0, $0xb8;
	[tilespmem:$0x18880] =	vst v63  }
0x17e: {  	s26 =	simm.s32 @!p1 $0x6000  }
0x17f: {  	[tilespmem:s26], [sflag:$0x1] =	stream.indirect_vreg.gather @!p1 [hbm4b:s18+s22], $0x80, v1, vm0, $0xb8;
	[tilespmem:$0x18880] =	vst v63  }
0x180: {  	s26 =	simm.s32 @!p1 $0x6800  }
0x181: {  	[tilespmem:s26], [sflag:$0x1] =	stream.indirect_vreg.gather @!p1 [hbm4b:s1+s22], $0x80, v0, vm0, $0xb8;
	[tilespmem:$0x18880] =	vst v63  }
0x182: {  	s26 =	simm.s32 @!p1 $0x7000  }
0x183: {  	[tilespmem:s26], [sflag:$0x1] =	stream.indirect_vreg.gather @!p1 [hbm4b:s5+s22], $0x80, v0, vm0, $0xb8;
	[tilespmem:$0x18880] =	vst v63  }
0x184: {  	s26 =	simm.s32 @!p1 $0x7800  }
0x185: {  	[tilespmem:s26], [sflag:$0x1] =	stream.indirect_vreg.gather @!p1 [hbm4b:s17+s22], $0x80, v0, vm0, $0xb8;
	[tilespmem:$0x18880] =	vst v63  }
0x186: {  	s26 =	simm.s32 @!p1 $0x8000  }
0x187: {  	[tilespmem:s26], [sflag:$0x1] =	stream.indirect_vreg.gather @!p1 [hbm4b:s18+s22], $0x80, v0, vm0, $0xb8;
	[tilespmem:$0x18880] =	vst v63  }
0x188: {  	s26 =	simm.s32 @!p0 $0x3  }
0x189: {  	_ =	swait.ge @!p0 [sflag:s26], $0x8000  }
0x18a: {  	[sflag:s26] =	ssyncset.done @!p0 $0x0  }
0x18b: {  	s28 =	rddreg [dreg:$0xb];
	[sflag:s26] =	ssyncadd.s32 @!p0 $0xFFFF8000  }
0x18c: {  	[hbm4b:s28+s23] =	stream.linear.scatter @!p0 [tilespmem:s25], [sflag:$0x6], $0x8000, $0x38;
	[tilespmem:$0x18880] =	vst v63  }
0x18d: {  	s23 =	simm.s32 @!p2 $0x5  }
0x18e: {  	_ =	swait.ge @!p2 [sflag:s23], $0x8000  }
0x18f: {  	[sflag:s23] =	ssyncset.done @!p2 $0x0  }
0x190: {  	[sflag:s23] =	ssyncadd.s32 @!p2 $0xFFFF8000;
	p2 =	sge.s32 s12, s31  }
0x191: {  	v0 =	vld @!p2 [tilespmem:$0x380];
	_ =	sdelay $0x4  }
0x192: {  	v1 =	vshll.u32 @!p2 v0, $0x3  }
0x193: {  	v2 =	vlaneseq.u32 @!p2;
	v0 =	vand.u32 @!p2 $0x7, v0;
	v1 =	vand.u32 @!p2 $0xFFFFFFC0, v1  }
0x194: {  	v3 =	vshrl.u32 @!p2 v2, $0x3;
	v0 =	vor.u32 @!p2 v0, v1;
	v1 =	vand.u32 @!p2 $0x7, v2  }
0x195: {  	v3 =	vmul.u32 @!p2 $0x8, v3;
	v4 =	vperm.xlane @!p2 v0, v1;
	_ =	sdelay $0x1  }
0x196: {  	v4 =	vadd.s32 @!p2 v3, v4;
	_ =	sdelay $0x3  }
0x197: {  	vm0 =	vmmov @!p2 $0xffff;
	s23 =	simm.s32 @!p2 $0x0;
	s25 =	simm.s32 @!p2 $0x8800  }
0x198: {  	v2 =	vor.u32 @!p2 $0x8, v2;
	[tilespmem:s25], [sflag:$0x2] =	stream.indirect_vreg.gather @!p2 [hbm4b:s1+s23], $0x80, v4, vm0, $0xb8;
	[tilespmem:$0x18880] =	vst v63  }
0x199: {  	s26 =	simm.s32 @!p2 $0x9000;
	v0 =	vperm.xlane @!p2 v0, v2  }
0x19a: {  	[tilespmem:s26], [sflag:$0x2] =	stream.indirect_vreg.gather @!p2 [hbm4b:s5+s23], $0x80, v4, vm0, $0xb8;
	[tilespmem:$0x18880] =	vst v63  }
0x19b: {  	v0 =	vadd.s32 @!p2 v3, v0;
	s26 =	simm.s32 @!p2 $0x9800  }
0x19c: {  	[tilespmem:s26], [sflag:$0x2] =	stream.indirect_vreg.gather @!p2 [hbm4b:s17+s23], $0x80, v4, vm0, $0xb8;
	[tilespmem:$0x18880] =	vst v63  }
0x19d: {  	s26 =	simm.s32 @!p2 $0xA000  }
0x19e: {  	[tilespmem:s26], [sflag:$0x2] =	stream.indirect_vreg.gather @!p2 [hbm4b:s18+s23], $0x80, v4, vm0, $0xb8;
	[tilespmem:$0x18880] =	vst v63  }
0x19f: {  	s26 =	simm.s32 @!p2 $0xA800  }
0x1a0: {  	[tilespmem:s26], [sflag:$0x2] =	stream.indirect_vreg.gather @!p2 [hbm4b:s1+s23], $0x80, v0, vm0, $0xb8;
	[tilespmem:$0x18880] =	vst v63  }
0x1a1: {  	s26 =	simm.s32 @!p2 $0xB000  }
0x1a2: {  	[tilespmem:s26], [sflag:$0x2] =	stream.indirect_vreg.gather @!p2 [hbm4b:s5+s23], $0x80, v0, vm0, $0xb8;
	[tilespmem:$0x18880] =	vst v63  }
0x1a3: {  	s26 =	simm.s32 @!p2 $0xB800  }
0x1a4: {  	[tilespmem:s26], [sflag:$0x2] =	stream.indirect_vreg.gather @!p2 [hbm4b:s17+s23], $0x80, v0, vm0, $0xb8;
	[tilespmem:$0x18880] =	vst v63  }
0x1a5: {  	s26 =	simm.s32 @!p2 $0xC000  }
0x1a6: {  	[tilespmem:s26], [sflag:$0x2] =	stream.indirect_vreg.gather @!p2 [hbm4b:s18+s23], $0x80, v0, vm0, $0xb8;
	[tilespmem:$0x18880] =	vst v63  }
0x1a7: {  	v0 =	vld @!p2 [tilespmem:$0x390];
	_ =	sdelay $0x4  }
0x1a8: {  	v4 =	vshll.u32 @!p2 v0, $0x3  }
0x1a9: {  	v0 =	vand.u32 @!p2 $0x7, v0;
	v4 =	vand.u32 @!p2 $0xFFFFFFC0, v4  }
0x1aa: {  	v0 =	vor.u32 @!p2 v0, v4  }
0x1ab: {  	v1 =	vperm.xlane @!p2 v0, v1;
	_ =	sdelay $0x1  }
0x1ac: {  	v1 =	vadd.s32 @!p2 v3, v1;
	_ =	sdelay $0x3  }
0x1ad: {  	s26 =	simm.s32 @!p2 $0xC800  }
0x1ae: {  	[tilespmem:s26], [sflag:$0x2] =	stream.indirect_vreg.gather @!p2 [hbm4b:s1+s23], $0x80, v1, vm0, $0xb8;
	[tilespmem:$0x18880] =	vst v63  }
0x1af: {  	v0 =	vperm.xlane @!p2 v0, v2;
	s26 =	simm.s32 @!p2 $0xD000  }
0x1b0: {  	[tilespmem:s26], [sflag:$0x2] =	stream.indirect_vreg.gather @!p2 [hbm4b:s5+s23], $0x80, v1, vm0, $0xb8;
	[tilespmem:$0x18880] =	vst v63  }
0x1b1: {  	v0 =	vadd.s32 @!p2 v3, v0;
	s26 =	simm.s32 @!p2 $0xD800  }
0x1b2: {  	[tilespmem:s26], [sflag:$0x2] =	stream.indirect_vreg.gather @!p2 [hbm4b:s17+s23], $0x80, v1, vm0, $0xb8;
	[tilespmem:$0x18880] =	vst v63  }
0x1b3: {  	s26 =	simm.s32 @!p2 $0xE000  }
0x1b4: {  	[tilespmem:s26], [sflag:$0x2] =	stream.indirect_vreg.gather @!p2 [hbm4b:s18+s23], $0x80, v1, vm0, $0xb8;
	[tilespmem:$0x18880] =	vst v63  }
0x1b5: {  	s26 =	simm.s32 @!p2 $0xE800  }
0x1b6: {  	[tilespmem:s26], [sflag:$0x2] =	stream.indirect_vreg.gather @!p2 [hbm4b:s1+s23], $0x80, v0, vm0, $0xb8;
	[tilespmem:$0x18880] =	vst v63  }
0x1b7: {  	s26 =	simm.s32 @!p2 $0xF000  }
0x1b8: {  	[tilespmem:s26], [sflag:$0x2] =	stream.indirect_vreg.gather @!p2 [hbm4b:s5+s23], $0x80, v0, vm0, $0xb8;
	[tilespmem:$0x18880] =	vst v63  }
0x1b9: {  	s26 =	simm.s32 @!p2 $0xF800  }
0x1ba: {  	[tilespmem:s26], [sflag:$0x2] =	stream.indirect_vreg.gather @!p2 [hbm4b:s17+s23], $0x80, v0, vm0, $0xb8;
	[tilespmem:$0x18880] =	vst v63  }
0x1bb: {  	s26 =	simm.s32 @!p2 $0x10000  }
0x1bc: {  	[tilespmem:s26], [sflag:$0x2] =	stream.indirect_vreg.gather @!p2 [hbm4b:s18+s23], $0x80, v0, vm0, $0xb8;
	[tilespmem:$0x18880] =	vst v63  }
0x1bd: {  	s26 =	simm.s32 @!p1 $0x1  }
0x1be: {  	_ =	swait.ge @!p1 [sflag:s26], $0x8000  }
0x1bf: {  	[sflag:s26] =	ssyncset.done @!p1 $0x0  }
0x1c0: {  	s28 =	rddreg [dreg:$0xc];
	[sflag:s26] =	ssyncadd.s32 @!p1 $0xFFFF8000  }
0x1c1: {  	[hbm4b:s28+s22] =	stream.linear.scatter @!p1 [tilespmem:s24], [sflag:$0x4], $0x8000, $0x38;
	[tilespmem:$0x18880] =	vst v63  }
0x1c2: {  	s22 =	simm.s32 @!p0 $0x6  }
0x1c3: {  	_ =	swait.ge @!p0 [sflag:s22], $0x8000  }
0x1c4: {  	[sflag:s22] =	ssyncset.done @!p0 $0x0  }
0x1c5: {  	p3 =	sge.s32 s13, s31;
	[sflag:s22] =	ssyncadd.s32 @!p0 $0xFFFF8000  }
0x1c6: {  	v0 =	vld @!p3 [tilespmem:$0x400];
	_ =	sdelay $0x4  }
0x1c7: {  	v1 =	vshll.u32 @!p3 v0, $0x3  }
0x1c8: {  	v2 =	vlaneseq.u32 @!p3;
	v0 =	vand.u32 @!p3 $0x7, v0;
	v1 =	vand.u32 @!p3 $0xFFFFFFC0, v1  }
0x1c9: {  	v3 =	vshrl.u32 @!p3 v2, $0x3;
	v0 =	vor.u32 @!p3 v0, v1;
	v1 =	vand.u32 @!p3 $0x7, v2  }
0x1ca: {  	v3 =	vmul.u32 @!p3 $0x8, v3;
	v4 =	vperm.xlane @!p3 v0, v1;
	_ =	sdelay $0x1  }
0x1cb: {  	v4 =	vadd.s32 @!p3 v3, v4;
	_ =	sdelay $0x3  }
0x1cc: {  	vm0 =	vmmov @!p3 $0xffff;
	s24 =	simm.s32 @!p3 $0x10800;
	s22 =	simm.s32 @!p3 $0x0  }
0x1cd: {  	v2 =	vor.u32 @!p3 $0x8, v2;
	[tilespmem:s24], [sflag:$0x3] =	stream.indirect_vreg.gather @!p3 [hbm4b:s1+s22], $0x80, v4, vm0, $0xb8;
	[tilespmem:$0x18880] =	vst v63  }
0x1ce: {  	s26 =	simm.s32 @!p3 $0x11000;
	v0 =	vperm.xlane @!p3 v0, v2  }
0x1cf: {  	[tilespmem:s26], [sflag:$0x3] =	stream.indirect_vreg.gather @!p3 [hbm4b:s5+s22], $0x80, v4, vm0, $0xb8;
	[tilespmem:$0x18880] =	vst v63  }
0x1d0: {  	v0 =	vadd.s32 @!p3 v3, v0;
	s26 =	simm.s32 @!p3 $0x11800  }
0x1d1: {  	[tilespmem:s26], [sflag:$0x3] =	stream.indirect_vreg.gather @!p3 [hbm4b:s17+s22], $0x80, v4, vm0, $0xb8;
	[tilespmem:$0x18880] =	vst v63  }
0x1d2: {  	s26 =	simm.s32 @!p3 $0x12000  }
0x1d3: {  	[tilespmem:s26], [sflag:$0x3] =	stream.indirect_vreg.gather @!p3 [hbm4b:s18+s22], $0x80, v4, vm0, $0xb8;
	[tilespmem:$0x18880] =	vst v63  }
0x1d4: {  	s26 =	simm.s32 @!p3 $0x12800  }
0x1d5: {  	[tilespmem:s26], [sflag:$0x3] =	stream.indirect_vreg.gather @!p3 [hbm4b:s1+s22], $0x80, v0, vm0, $0xb8;
	[tilespmem:$0x18880] =	vst v63  }
0x1d6: {  	s26 =	simm.s32 @!p3 $0x13000  }
0x1d7: {  	[tilespmem:s26], [sflag:$0x3] =	stream.indirect_vreg.gather @!p3 [hbm4b:s5+s22], $0x80, v0, vm0, $0xb8;
	[tilespmem:$0x18880] =	vst v63  }
0x1d8: {  	s26 =	simm.s32 @!p3 $0x13800  }
0x1d9: {  	[tilespmem:s26], [sflag:$0x3] =	stream.indirect_vreg.gather @!p3 [hbm4b:s17+s22], $0x80, v0, vm0, $0xb8;
	[tilespmem:$0x18880] =	vst v63  }
0x1da: {  	s26 =	simm.s32 @!p3 $0x14000  }
0x1db: {  	[tilespmem:s26], [sflag:$0x3] =	stream.indirect_vreg.gather @!p3 [hbm4b:s18+s22], $0x80, v0, vm0, $0xb8;
	[tilespmem:$0x18880] =	vst v63  }
0x1dc: {  	v0 =	vld @!p3 [tilespmem:$0x410];
	_ =	sdelay $0x4  }
0x1dd: {  	v4 =	vshll.u32 @!p3 v0, $0x3  }
0x1de: {  	v0 =	vand.u32 @!p3 $0x7, v0;
	v4 =	vand.u32 @!p3 $0xFFFFFFC0, v4  }
0x1df: {  	v0 =	vor.u32 @!p3 v0, v4  }
0x1e0: {  	v1 =	vperm.xlane @!p3 v0, v1;
	_ =	sdelay $0x1  }
0x1e1: {  	v1 =	vadd.s32 @!p3 v3, v1;
	_ =	sdelay $0x3  }
0x1e2: {  	s26 =	simm.s32 @!p3 $0x14800  }
0x1e3: {  	[tilespmem:s26], [sflag:$0x3] =	stream.indirect_vreg.gather @!p3 [hbm4b:s1+s22], $0x80, v1, vm0, $0xb8;
	[tilespmem:$0x18880] =	vst v63  }
0x1e4: {  	v0 =	vperm.xlane @!p3 v0, v2;
	s26 =	simm.s32 @!p3 $0x15000  }
0x1e5: {  	[tilespmem:s26], [sflag:$0x3] =	stream.indirect_vreg.gather @!p3 [hbm4b:s5+s22], $0x80, v1, vm0, $0xb8;
	[tilespmem:$0x18880] =	vst v63  }
0x1e6: {  	v0 =	vadd.s32 @!p3 v3, v0;
	s26 =	simm.s32 @!p3 $0x15800  }
0x1e7: {  	[tilespmem:s26], [sflag:$0x3] =	stream.indirect_vreg.gather @!p3 [hbm4b:s17+s22], $0x80, v1, vm0, $0xb8;
	[tilespmem:$0x18880] =	vst v63  }
0x1e8: {  	s26 =	simm.s32 @!p3 $0x16000  }
0x1e9: {  	[tilespmem:s26], [sflag:$0x3] =	stream.indirect_vreg.gather @!p3 [hbm4b:s18+s22], $0x80, v1, vm0, $0xb8;
	[tilespmem:$0x18880] =	vst v63  }
0x1ea: {  	s26 =	simm.s32 @!p3 $0x16800  }
0x1eb: {  	[tilespmem:s26], [sflag:$0x3] =	stream.indirect_vreg.gather @!p3 [hbm4b:s1+s22], $0x80, v0, vm0, $0xb8;
	[tilespmem:$0x18880] =	vst v63  }
0x1ec: {  	s26 =	simm.s32 @!p3 $0x17000  }
0x1ed: {  	[tilespmem:s26], [sflag:$0x3] =	stream.indirect_vreg.gather @!p3 [hbm4b:s5+s22], $0x80, v0, vm0, $0xb8;
	[tilespmem:$0x18880] =	vst v63  }
0x1ee: {  	s26 =	simm.s32 @!p3 $0x17800  }
0x1ef: {  	[tilespmem:s26], [sflag:$0x3] =	stream.indirect_vreg.gather @!p3 [hbm4b:s17+s22], $0x80, v0, vm0, $0xb8;
	[tilespmem:$0x18880] =	vst v63  }
0x1f0: {  	s26 =	simm.s32 @!p3 $0x18000  }
0x1f1: {  	[tilespmem:s26], [sflag:$0x3] =	stream.indirect_vreg.gather @!p3 [hbm4b:s18+s22], $0x80, v0, vm0, $0xb8;
	[tilespmem:$0x18880] =	vst v63  }
0x1f2: {  	s26 =	simm.s32 @!p2 $0x2  }
0x1f3: {  	_ =	swait.ge @!p2 [sflag:s26], $0x8000  }
0x1f4: {  	[sflag:s26] =	ssyncset.done @!p2 $0x0  }
0x1f5: {  	s28 =	rddreg [dreg:$0xd];
	[sflag:s26] =	ssyncadd.s32 @!p2 $0xFFFF8000  }
0x1f6: {  	[hbm4b:s28+s23] =	stream.linear.scatter @!p2 [tilespmem:s25], [sflag:$0x5], $0x8000, $0x38;
	[tilespmem:$0x18880] =	vst v63  }
0x1f7: {  	s23 =	simm.s32 @!p1 $0x4  }
0x1f8: {  	_ =	swait.ge @!p1 [sflag:s23], $0x8000  }
0x1f9: {  	[sflag:s23] =	ssyncset.done @!p1 $0x0  }
0x1fa: {  	p0 =	sge.s32 s14, s31;
	[sflag:s23] =	ssyncadd.s32 @!p1 $0xFFFF8000  }
0x1fb: {  	v0 =	vld @!p0 [tilespmem:$0x480];
	_ =	sdelay $0x4  }
0x1fc: {  	v1 =	vshll.u32 @!p0 v0, $0x3  }
0x1fd: {  	v2 =	vlaneseq.u32 @!p0;
	v0 =	vand.u32 @!p0 $0x7, v0;
	v1 =	vand.u32 @!p0 $0xFFFFFFC0, v1  }
0x1fe: {  	v3 =	vshrl.u32 @!p0 v2, $0x3;
	v0 =	vor.u32 @!p0 v0, v1;
	v1 =	vand.u32 @!p0 $0x7, v2  }
0x1ff: {  	v3 =	vmul.u32 @!p0 $0x8, v3;
	v4 =	vperm.xlane @!p0 v0, v1;
	_ =	sdelay $0x1  }
0x200: {  	v4 =	vadd.s32 @!p0 v3, v4;
	_ =	sdelay $0x3  }
0x201: {  	vm0 =	vmmov @!p0 $0xffff;
	s25 =	simm.s32 @!p0 $0x800;
	s23 =	simm.s32 @!p0 $0x0  }
0x202: {  	v2 =	vor.u32 @!p0 $0x8, v2;
	[tilespmem:s25], [sflag:$0x1] =	stream.indirect_vreg.gather @!p0 [hbm4b:s1+s23], $0x80, v4, vm0, $0xb8;
	[tilespmem:$0x18880] =	vst v63  }
0x203: {  	s26 =	simm.s32 @!p0 $0x1000;
	v0 =	vperm.xlane @!p0 v0, v2  }
0x204: {  	[tilespmem:s26], [sflag:$0x1] =	stream.indirect_vreg.gather @!p0 [hbm4b:s5+s23], $0x80, v4, vm0, $0xb8;
	[tilespmem:$0x18880] =	vst v63  }
0x205: {  	v0 =	vadd.s32 @!p0 v3, v0;
	s26 =	simm.s32 @!p0 $0x1800  }
0x206: {  	[tilespmem:s26], [sflag:$0x1] =	stream.indirect_vreg.gather @!p0 [hbm4b:s17+s23], $0x80, v4, vm0, $0xb8;
	[tilespmem:$0x18880] =	vst v63  }
0x207: {  	s26 =	simm.s32 @!p0 $0x2000  }
0x208: {  	[tilespmem:s26], [sflag:$0x1] =	stream.indirect_vreg.gather @!p0 [hbm4b:s18+s23], $0x80, v4, vm0, $0xb8;
	[tilespmem:$0x18880] =	vst v63  }
0x209: {  	s26 =	simm.s32 @!p0 $0x2800  }
0x20a: {  	[tilespmem:s26], [sflag:$0x1] =	stream.indirect_vreg.gather @!p0 [hbm4b:s1+s23], $0x80, v0, vm0, $0xb8;
	[tilespmem:$0x18880] =	vst v63  }
0x20b: {  	s26 =	simm.s32 @!p0 $0x3000  }
0x20c: {  	[tilespmem:s26], [sflag:$0x1] =	stream.indirect_vreg.gather @!p0 [hbm4b:s5+s23], $0x80, v0, vm0, $0xb8;
	[tilespmem:$0x18880] =	vst v63  }
0x20d: {  	s26 =	simm.s32 @!p0 $0x3800  }
0x20e: {  	[tilespmem:s26], [sflag:$0x1] =	stream.indirect_vreg.gather @!p0 [hbm4b:s17+s23], $0x80, v0, vm0, $0xb8;
	[tilespmem:$0x18880] =	vst v63  }
0x20f: {  	s26 =	simm.s32 @!p0 $0x4000  }
0x210: {  	[tilespmem:s26], [sflag:$0x1] =	stream.indirect_vreg.gather @!p0 [hbm4b:s18+s23], $0x80, v0, vm0, $0xb8;
	[tilespmem:$0x18880] =	vst v63  }
0x211: {  	v0 =	vld @!p0 [tilespmem:$0x490];
	_ =	sdelay $0x4  }
0x212: {  	v4 =	vshll.u32 @!p0 v0, $0x3  }
0x213: {  	v0 =	vand.u32 @!p0 $0x7, v0;
	v4 =	vand.u32 @!p0 $0xFFFFFFC0, v4  }
0x214: {  	v0 =	vor.u32 @!p0 v0, v4  }
0x215: {  	v1 =	vperm.xlane @!p0 v0, v1;
	_ =	sdelay $0x1  }
0x216: {  	v1 =	vadd.s32 @!p0 v3, v1;
	_ =	sdelay $0x3  }
0x217: {  	s26 =	simm.s32 @!p0 $0x4800  }
0x218: {  	[tilespmem:s26], [sflag:$0x1] =	stream.indirect_vreg.gather @!p0 [hbm4b:s1+s23], $0x80, v1, vm0, $0xb8;
	[tilespmem:$0x18880] =	vst v63  }
0x219: {  	v0 =	vperm.xlane @!p0 v0, v2;
	s26 =	simm.s32 @!p0 $0x5000  }
0x21a: {  	[tilespmem:s26], [sflag:$0x1] =	stream.indirect_vreg.gather @!p0 [hbm4b:s5+s23], $0x80, v1, vm0, $0xb8;
	[tilespmem:$0x18880] =	vst v63  }
0x21b: {  	v0 =	vadd.s32 @!p0 v3, v0;
	s26 =	simm.s32 @!p0 $0x5800  }
0x21c: {  	[tilespmem:s26], [sflag:$0x1] =	stream.indirect_vreg.gather @!p0 [hbm4b:s17+s23], $0x80, v1, vm0, $0xb8;
	[tilespmem:$0x18880] =	vst v63  }
0x21d: {  	s26 =	simm.s32 @!p0 $0x6000  }
0x21e: {  	[tilespmem:s26], [sflag:$0x1] =	stream.indirect_vreg.gather @!p0 [hbm4b:s18+s23], $0x80, v1, vm0, $0xb8;
	[tilespmem:$0x18880] =	vst v63  }
0x21f: {  	s26 =	simm.s32 @!p0 $0x6800  }
0x220: {  	[tilespmem:s26], [sflag:$0x1] =	stream.indirect_vreg.gather @!p0 [hbm4b:s1+s23], $0x80, v0, vm0, $0xb8;
	[tilespmem:$0x18880] =	vst v63  }
0x221: {  	s26 =	simm.s32 @!p0 $0x7000  }
0x222: {  	[tilespmem:s26], [sflag:$0x1] =	stream.indirect_vreg.gather @!p0 [hbm4b:s5+s23], $0x80, v0, vm0, $0xb8;
	[tilespmem:$0x18880] =	vst v63  }
0x223: {  	s26 =	simm.s32 @!p0 $0x7800  }
0x224: {  	[tilespmem:s26], [sflag:$0x1] =	stream.indirect_vreg.gather @!p0 [hbm4b:s17+s23], $0x80, v0, vm0, $0xb8;
	[tilespmem:$0x18880] =	vst v63  }
0x225: {  	s26 =	simm.s32 @!p0 $0x8000  }
0x226: {  	[tilespmem:s26], [sflag:$0x1] =	stream.indirect_vreg.gather @!p0 [hbm4b:s18+s23], $0x80, v0, vm0, $0xb8;
	[tilespmem:$0x18880] =	vst v63  }
0x227: {  	s26 =	simm.s32 @!p3 $0x3  }
0x228: {  	_ =	swait.ge @!p3 [sflag:s26], $0x8000  }
0x229: {  	[sflag:s26] =	ssyncset.done @!p3 $0x0  }
0x22a: {  	s28 =	rddreg [dreg:$0xe];
	[sflag:s26] =	ssyncadd.s32 @!p3 $0xFFFF8000  }
0x22b: {  	[hbm4b:s28+s22] =	stream.linear.scatter @!p3 [tilespmem:s24], [sflag:$0x6], $0x8000, $0x38;
	[tilespmem:$0x18880] =	vst v63  }
0x22c: {  	s22 =	simm.s32 @!p2 $0x5  }
0x22d: {  	_ =	swait.ge @!p2 [sflag:s22], $0x8000  }
0x22e: {  	[sflag:s22] =	ssyncset.done @!p2 $0x0  }
0x22f: {  	p1 =	sge.s32 s15, s31;
	[sflag:s22] =	ssyncadd.s32 @!p2 $0xFFFF8000  }
0x230: {  	v0 =	vld @!p1 [tilespmem:$0x500];
	_ =	sdelay $0x4  }
0x231: {  	v1 =	vshll.u32 @!p1 v0, $0x3  }
0x232: {  	v2 =	vlaneseq.u32 @!p1;
	v0 =	vand.u32 @!p1 $0x7, v0;
	v1 =	vand.u32 @!p1 $0xFFFFFFC0, v1  }
0x233: {  	v3 =	vshrl.u32 @!p1 v2, $0x3;
	v0 =	vor.u32 @!p1 v0, v1;
	v1 =	vand.u32 @!p1 $0x7, v2  }
0x234: {  	v3 =	vmul.u32 @!p1 $0x8, v3;
	v4 =	vperm.xlane @!p1 v0, v1;
	_ =	sdelay $0x1  }
0x235: {  	v4 =	vadd.s32 @!p1 v3, v4;
	_ =	sdelay $0x3  }
0x236: {  	vm0 =	vmmov @!p1 $0xffff;
	s24 =	simm.s32 @!p1 $0x8800;
	s22 =	simm.s32 @!p1 $0x0  }
0x237: {  	v2 =	vor.u32 @!p1 $0x8, v2;
	[tilespmem:s24], [sflag:$0x2] =	stream.indirect_vreg.gather @!p1 [hbm4b:s1+s22], $0x80, v4, vm0, $0xb8;
	[tilespmem:$0x18880] =	vst v63  }
0x238: {  	s26 =	simm.s32 @!p1 $0x9000;
	v0 =	vperm.xlane @!p1 v0, v2  }
0x239: {  	[tilespmem:s26], [sflag:$0x2] =	stream.indirect_vreg.gather @!p1 [hbm4b:s5+s22], $0x80, v4, vm0, $0xb8;
	[tilespmem:$0x18880] =	vst v63  }
0x23a: {  	v0 =	vadd.s32 @!p1 v3, v0;
	s26 =	simm.s32 @!p1 $0x9800  }
0x23b: {  	[tilespmem:s26], [sflag:$0x2] =	stream.indirect_vreg.gather @!p1 [hbm4b:s17+s22], $0x80, v4, vm0, $0xb8;
	[tilespmem:$0x18880] =	vst v63  }
0x23c: {  	s26 =	simm.s32 @!p1 $0xA000  }
0x23d: {  	[tilespmem:s26], [sflag:$0x2] =	stream.indirect_vreg.gather @!p1 [hbm4b:s18+s22], $0x80, v4, vm0, $0xb8;
	[tilespmem:$0x18880] =	vst v63  }
0x23e: {  	s26 =	simm.s32 @!p1 $0xA800  }
0x23f: {  	[tilespmem:s26], [sflag:$0x2] =	stream.indirect_vreg.gather @!p1 [hbm4b:s1+s22], $0x80, v0, vm0, $0xb8;
	[tilespmem:$0x18880] =	vst v63  }
0x240: {  	s26 =	simm.s32 @!p1 $0xB000  }
0x241: {  	[tilespmem:s26], [sflag:$0x2] =	stream.indirect_vreg.gather @!p1 [hbm4b:s5+s22], $0x80, v0, vm0, $0xb8;
	[tilespmem:$0x18880] =	vst v63  }
0x242: {  	s26 =	simm.s32 @!p1 $0xB800  }
0x243: {  	[tilespmem:s26], [sflag:$0x2] =	stream.indirect_vreg.gather @!p1 [hbm4b:s17+s22], $0x80, v0, vm0, $0xb8;
	[tilespmem:$0x18880] =	vst v63  }
0x244: {  	s26 =	simm.s32 @!p1 $0xC000  }
0x245: {  	[tilespmem:s26], [sflag:$0x2] =	stream.indirect_vreg.gather @!p1 [hbm4b:s18+s22], $0x80, v0, vm0, $0xb8;
	[tilespmem:$0x18880] =	vst v63  }
0x246: {  	v0 =	vld @!p1 [tilespmem:$0x510];
	_ =	sdelay $0x4  }
0x247: {  	v4 =	vshll.u32 @!p1 v0, $0x3  }
0x248: {  	v0 =	vand.u32 @!p1 $0x7, v0;
	v4 =	vand.u32 @!p1 $0xFFFFFFC0, v4  }
0x249: {  	v0 =	vor.u32 @!p1 v0, v4  }
0x24a: {  	v1 =	vperm.xlane @!p1 v0, v1;
	_ =	sdelay $0x1  }
0x24b: {  	v1 =	vadd.s32 @!p1 v3, v1;
	_ =	sdelay $0x3  }
0x24c: {  	s26 =	simm.s32 @!p1 $0xC800  }
0x24d: {  	[tilespmem:s26], [sflag:$0x2] =	stream.indirect_vreg.gather @!p1 [hbm4b:s1+s22], $0x80, v1, vm0, $0xb8;
	[tilespmem:$0x18880] =	vst v63  }
0x24e: {  	v0 =	vperm.xlane @!p1 v0, v2;
	s26 =	simm.s32 @!p1 $0xD000  }
0x24f: {  	[tilespmem:s26], [sflag:$0x2] =	stream.indirect_vreg.gather @!p1 [hbm4b:s5+s22], $0x80, v1, vm0, $0xb8;
	[tilespmem:$0x18880] =	vst v63  }
0x250: {  	v0 =	vadd.s32 @!p1 v3, v0;
	s26 =	simm.s32 @!p1 $0xD800  }
0x251: {  	[tilespmem:s26], [sflag:$0x2] =	stream.indirect_vreg.gather @!p1 [hbm4b:s17+s22], $0x80, v1, vm0, $0xb8;
	[tilespmem:$0x18880] =	vst v63  }
0x252: {  	s26 =	simm.s32 @!p1 $0xE000  }
0x253: {  	[tilespmem:s26], [sflag:$0x2] =	stream.indirect_vreg.gather @!p1 [hbm4b:s18+s22], $0x80, v1, vm0, $0xb8;
	[tilespmem:$0x18880] =	vst v63  }
0x254: {  	s26 =	simm.s32 @!p1 $0xE800  }
0x255: {  	[tilespmem:s26], [sflag:$0x2] =	stream.indirect_vreg.gather @!p1 [hbm4b:s1+s22], $0x80, v0, vm0, $0xb8;
	[tilespmem:$0x18880] =	vst v63  }
0x256: {  	s26 =	simm.s32 @!p1 $0xF000  }
0x257: {  	[tilespmem:s26], [sflag:$0x2] =	stream.indirect_vreg.gather @!p1 [hbm4b:s5+s22], $0x80, v0, vm0, $0xb8;
	[tilespmem:$0x18880] =	vst v63  }
0x258: {  	s26 =	simm.s32 @!p1 $0xF800  }
0x259: {  	[tilespmem:s26], [sflag:$0x2] =	stream.indirect_vreg.gather @!p1 [hbm4b:s17+s22], $0x80, v0, vm0, $0xb8;
	[tilespmem:$0x18880] =	vst v63  }
0x25a: {  	s26 =	simm.s32 @!p1 $0x10000  }
0x25b: {  	[tilespmem:s26], [sflag:$0x2] =	stream.indirect_vreg.gather @!p1 [hbm4b:s18+s22], $0x80, v0, vm0, $0xb8;
	[tilespmem:$0x18880] =	vst v63  }
0x25c: {  	s26 =	simm.s32 @!p0 $0x1  }
0x25d: {  	_ =	swait.ge @!p0 [sflag:s26], $0x8000  }
0x25e: {  	[sflag:s26] =	ssyncset.done @!p0 $0x0  }
0x25f: {  	s28 =	rddreg [dreg:$0xf];
	[sflag:s26] =	ssyncadd.s32 @!p0 $0xFFFF8000  }
0x260: {  	[hbm4b:s28+s23] =	stream.linear.scatter @!p0 [tilespmem:s25], [sflag:$0x4], $0x8000, $0x38;
	[tilespmem:$0x18880] =	vst v63  }
0x261: {  	s23 =	simm.s32 @!p3 $0x6  }
0x262: {  	_ =	swait.ge @!p3 [sflag:s23], $0x8000  }
0x263: {  	[sflag:s23] =	ssyncset.done @!p3 $0x0  }
0x264: {  	p2 =	sge.s32 s16, s31;
	[sflag:s23] =	ssyncadd.s32 @!p3 $0xFFFF8000  }
0x265: {  	v0 =	vld @!p2 [tilespmem:$0x580];
	_ =	sdelay $0x4  }
0x266: {  	v1 =	vshll.u32 @!p2 v0, $0x3  }
0x267: {  	v2 =	vlaneseq.u32 @!p2;
	v0 =	vand.u32 @!p2 $0x7, v0;
	v1 =	vand.u32 @!p2 $0xFFFFFFC0, v1  }
0x268: {  	v3 =	vshrl.u32 @!p2 v2, $0x3;
	v0 =	vor.u32 @!p2 v0, v1;
	v1 =	vand.u32 @!p2 $0x7, v2  }
0x269: {  	v3 =	vmul.u32 @!p2 $0x8, v3;
	v4 =	vperm.xlane @!p2 v0, v1;
	_ =	sdelay $0x1  }
0x26a: {  	v4 =	vadd.s32 @!p2 v3, v4;
	_ =	sdelay $0x3  }
0x26b: {  	s21 =	simm.s32 @!p2 $0x0;
	vm0 =	vmmov @!p2 $0xffff;
	s23 =	simm.s32 @!p2 $0x10800  }
0x26c: {  	v2 =	vor.u32 @!p2 $0x8, v2;
	[tilespmem:s23], [sflag:$0x3] =	stream.indirect_vreg.gather @!p2 [hbm4b:s1+s21], $0x80, v4, vm0, $0xb8;
	[tilespmem:$0x18880] =	vst v63  }
0x26d: {  	s25 =	simm.s32 @!p2 $0x11000;
	v0 =	vperm.xlane @!p2 v0, v2  }
0x26e: {  	[tilespmem:s25], [sflag:$0x3] =	stream.indirect_vreg.gather @!p2 [hbm4b:s5+s21], $0x80, v4, vm0, $0xb8;
	[tilespmem:$0x18880] =	vst v63  }
0x26f: {  	v0 =	vadd.s32 @!p2 v3, v0;
	s25 =	simm.s32 @!p2 $0x11800  }
0x270: {  	[tilespmem:s25], [sflag:$0x3] =	stream.indirect_vreg.gather @!p2 [hbm4b:s17+s21], $0x80, v4, vm0, $0xb8;
	[tilespmem:$0x18880] =	vst v63  }
0x271: {  	s25 =	simm.s32 @!p2 $0x12000  }
0x272: {  	[tilespmem:s25], [sflag:$0x3] =	stream.indirect_vreg.gather @!p2 [hbm4b:s18+s21], $0x80, v4, vm0, $0xb8;
	[tilespmem:$0x18880] =	vst v63  }
0x273: {  	s25 =	simm.s32 @!p2 $0x12800  }
0x274: {  	[tilespmem:s25], [sflag:$0x3] =	stream.indirect_vreg.gather @!p2 [hbm4b:s1+s21], $0x80, v0, vm0, $0xb8;
	[tilespmem:$0x18880] =	vst v63  }
0x275: {  	s25 =	simm.s32 @!p2 $0x13000  }
0x276: {  	[tilespmem:s25], [sflag:$0x3] =	stream.indirect_vreg.gather @!p2 [hbm4b:s5+s21], $0x80, v0, vm0, $0xb8;
	[tilespmem:$0x18880] =	vst v63  }
0x277: {  	s25 =	simm.s32 @!p2 $0x13800  }
0x278: {  	[tilespmem:s25], [sflag:$0x3] =	stream.indirect_vreg.gather @!p2 [hbm4b:s17+s21], $0x80, v0, vm0, $0xb8;
	[tilespmem:$0x18880] =	vst v63  }
0x279: {  	s25 =	simm.s32 @!p2 $0x14000  }
0x27a: {  	[tilespmem:s25], [sflag:$0x3] =	stream.indirect_vreg.gather @!p2 [hbm4b:s18+s21], $0x80, v0, vm0, $0xb8;
	[tilespmem:$0x18880] =	vst v63  }
0x27b: {  	v0 =	vld @!p2 [tilespmem:$0x590];
	_ =	sdelay $0x4  }
0x27c: {  	v4 =	vshll.u32 @!p2 v0, $0x3  }
0x27d: {  	v0 =	vand.u32 @!p2 $0x7, v0;
	v4 =	vand.u32 @!p2 $0xFFFFFFC0, v4  }
0x27e: {  	v0 =	vor.u32 @!p2 v0, v4  }
0x27f: {  	v1 =	vperm.xlane @!p2 v0, v1;
	_ =	sdelay $0x1  }
0x280: {  	v1 =	vadd.s32 @!p2 v3, v1;
	_ =	sdelay $0x3  }
0x281: {  	s25 =	simm.s32 @!p2 $0x14800  }
0x282: {  	[tilespmem:s25], [sflag:$0x3] =	stream.indirect_vreg.gather @!p2 [hbm4b:s1+s21], $0x80, v1, vm0, $0xb8;
	[tilespmem:$0x18880] =	vst v63  }
0x283: {  	v0 =	vperm.xlane @!p2 v0, v2;
	s25 =	simm.s32 @!p2 $0x15000  }
0x284: {  	[tilespmem:s25], [sflag:$0x3] =	stream.indirect_vreg.gather @!p2 [hbm4b:s5+s21], $0x80, v1, vm0, $0xb8;
	[tilespmem:$0x18880] =	vst v63  }
0x285: {  	v0 =	vadd.s32 @!p2 v3, v0;
	s25 =	simm.s32 @!p2 $0x15800  }
0x286: {  	[tilespmem:s25], [sflag:$0x3] =	stream.indirect_vreg.gather @!p2 [hbm4b:s17+s21], $0x80, v1, vm0, $0xb8;
	[tilespmem:$0x18880] =	vst v63  }
0x287: {  	s25 =	simm.s32 @!p2 $0x16000  }
0x288: {  	[tilespmem:s25], [sflag:$0x3] =	stream.indirect_vreg.gather @!p2 [hbm4b:s18+s21], $0x80, v1, vm0, $0xb8;
	[tilespmem:$0x18880] =	vst v63  }
0x289: {  	s25 =	simm.s32 @!p2 $0x16800  }
0x28a: {  	[tilespmem:s25], [sflag:$0x3] =	stream.indirect_vreg.gather @!p2 [hbm4b:s1+s21], $0x80, v0, vm0, $0xb8;
	[tilespmem:$0x18880] =	vst v63  }
0x28b: {  	s25 =	simm.s32 @!p2 $0x17000  }
0x28c: {  	[tilespmem:s25], [sflag:$0x3] =	stream.indirect_vreg.gather @!p2 [hbm4b:s5+s21], $0x80, v0, vm0, $0xb8;
	[tilespmem:$0x18880] =	vst v63  }
0x28d: {  	s25 =	simm.s32 @!p2 $0x17800  }
0x28e: {  	[tilespmem:s25], [sflag:$0x3] =	stream.indirect_vreg.gather @!p2 [hbm4b:s17+s21], $0x80, v0, vm0, $0xb8;
	[tilespmem:$0x18880] =	vst v63  }
0x28f: {  	s25 =	simm.s32 @!p2 $0x18000  }
0x290: {  	[tilespmem:s25], [sflag:$0x3] =	stream.indirect_vreg.gather @!p2 [hbm4b:s18+s21], $0x80, v0, vm0, $0xb8;
	[tilespmem:$0x18880] =	vst v63  }
0x291: {  	s25 =	simm.s32 @!p1 $0x2  }
0x292: {  	_ =	swait.ge @!p1 [sflag:s25], $0x8000  }
0x293: {  	[sflag:s25] =	ssyncset.done @!p1 $0x0  }
0x294: {  	s26 =	rddreg [dreg:$0x10];
	[sflag:s25] =	ssyncadd.s32 @!p1 $0xFFFF8000  }
0x295: {  	[hbm4b:s26+s22] =	stream.linear.scatter @!p1 [tilespmem:s24], [sflag:$0x5], $0x8000, $0x38;
	[tilespmem:$0x18880] =	vst v63  }
0x296: {  	s22 =	simm.s32 @!p2 $0x3  }
0x297: {  	_ =	swait.ge @!p2 [sflag:s22], $0x8000  }
0x298: {  	[sflag:s22] =	ssyncset.done @!p2 $0x0  }
0x299: {  	s24 =	rddreg [dreg:$0x11];
	[sflag:s22] =	ssyncadd.s32 @!p2 $0xFFFF8000  }
0x29a: {  	[hbm4b:s24+s21] =	stream.linear.scatter @!p2 [tilespmem:s23], [sflag:$0x6], $0x8000, $0x38;
	[tilespmem:$0x18880] =	vst v63  }
0x29b: {  	s21 =	simm.s32 @!p0 $0x4  }
0x29c: {  	_ =	swait.ge @!p0 [sflag:s21], $0x8000  }
0x29d: {  	[sflag:s21] =	ssyncset.done @!p0 $0x0  }
0x29e: {  	s19 =	sadd.s32 $0xFFFFFFFF, s19;
	[sflag:s21] =	ssyncadd.s32 @!p0 $0xFFFF8000;
	s21 =	simm.s32 @!p1 $0x5  }
0x29f: {  	p0 =	sne.s32 s19, $0x0;
	_ =	swait.ge @!p1 [sflag:s21], $0x8000  }
.Ltmp0:
0x2a0: {  	[sflag:s21] =	ssyncset.done @!p1 $0x0;
	(pc) =	sbr.rel @p0 .LBB2_1-.Ltmp0, $4  }
0x2a1: {  	[sflag:s21] =	ssyncadd.s32 @!p1 $0xFFFF8000;
	s21 =	simm.s32 @!p2 $0x6  }
0x2a2: {  	_ =	swait.ge @!p2 [sflag:s21], $0x8000  }
0x2a3: {  	[sflag:s21] =	ssyncset.done @!p2 $0x0  }
0x2a4: {  	[sflag:s21] =	ssyncadd.s32 @!p2 $0xFFFF8000  }
0x2a5: {  	_ =	sfence.sel $0x180000  }
0x2a6: {  	[bflag:$0x0] =	sbarrier.arrive $0xFFFF  }
0x2a7: {  	p0 =	sne.s32 s3, $0x0;
	_ =	strace $0x90000047  }
0x2a8: {  	s0 =	sadd.s32 @!p0 $0x100000, s0;
	[bflag:$0x2] =	sbarrier.arrive $0xFFFF  }
0x2a9: {  	[sflag:s0] =	ssyncadd.tile.s32 @!p0 $0x1;
	_ =	shalt  }
.Lfunc_end2:
_tile_overlayer_lowered:
.L_overlay_start_2:
0x2aa: {  	(tag) =	ssettag $0x2  }
0x2ab: {  	s0 =	rddreg [dreg:$0x0];
	s2 =	stileid.u32  }
0x2ac: {  	s1 =	rddreg [dreg:$0x1];
	p0 =	sne.s32 s2, $0x0  }
0x2ad: {  	s3 =	rddreg [dreg:$0x2];
	[bflag:$0x3] =	sbarrier.arrive $0xFFFF;
	s2 =	simm.s32 @!p0 $0x1C07  }
0x2ae: {  	[timem:s3], [sflag:s2] =	dma.local @!p0 [hbm:s0], s1  }
0x2af: {  	s0 =	simm.s32 @!p0 $0x7  }
0x2b0: {  	_ =	swait.ge @!p0 [sflag:s0], s1  }
0x2b1: {  	s1 =	ssub.s32 @!p0 $0x0, s1;
	[sflag:s0] =	ssyncset.done @!p0 $0x0  }
0x2b2: {  	[sflag:s0] =	ssyncadd.s32 @!p0 s1  }
0x2b3: {  	[bflag:$0x3] =	sbarrier.arrive $0xFFFF  }
0x2b4: {  	_ =	shalt  }

// kernel: kernel.8.cloned.1.call-start
scs
__scs_entry_jumppad:
0x0: {  	(pc) =	sbr.rel $0x88, $3  }
0x1: {  	(tag) =	ssettag $0x0;
	lr =	simm.s32 $0x1  }
0x2: {  	[smem:$0x3F9B] =	sst lr;
	_ =	strace $0xD0000000  }
0x3: {  	_ = 	snop  }
0x4: {  	_ = 	snop  }
0x5: {  	_ = 	snop  }
0x6: {  	_ = 	snop  }
0x7: {  	_ = 	snop  }
__scs_overlays_trampoline_lowered:
0x8: {  	[smem:$0x3FAA] =	sst s0  }
0x9: {  	[smem:$0x3FAB] =	sst s1  }
0xa: {  	[smem:$0x3FAC] =	sst s2  }
0xb: {  	[smem:$0x3FAD] =	sst s3  }
0xc: {  	[smem:$0x3FAE] =	sst s4  }
0xd: {  	[smem:$0x3FAF] =	sst s5  }
0xe: {  	[smem:$0x3FB0] =	sst s6  }
0xf: {  	[smem:$0x3FB1] =	sst s7  }
0x10: {  	[smem:$0x3FB2] =	sst s8  }
0x11: {  	[smem:$0x3FB3] =	sst s9;
	s0 =	simm.s32 @!p0 $0x0  }
0x12: {  	s1 =	sld [smem:$0x3F99];
	s0 =	simm.s32 @p0 $0x1  }
0x13: {  	[smem:$0x3FB4] =	sst s0;
	s0 =	simm.s32 @!p1 $0x0  }
0x14: {  	s2 =	sld [smem:$0x3F98];
	s0 =	simm.s32 @p1 $0x1  }
0x15: {  	[smem:$0x3FB5] =	sst s0;
	s0 =	simm.s32 @!p2 $0x0  }
0x16: {  	s3 =	sld [smem:$0x3FDB];
	s0 =	simm.s32 @p2 $0x1  }
0x17: {  	s4 =	simm.s32 $0x1BF5;
	[smem:$0x3FB7] =	sst s0  }
0x18: {  	s0 =	sld [smem:$0x3F9A];
	_ =	swait.ge [sflag:s4], $0x0  }
0x19: {  	s7 =	sld [smem:$0x3F9B]  }
0x1a: {  	s8 =	sadd.s32 $0xFFFFE003, lr  }
0x1b: {  	s9 =	sadd.s32 $0xFFFFFEF7, lr;
	s5 =	simm.s32 $0xFFFFFFFF;
	p2 =	slt.u32 s8, $0xFFFFF086  }
0x1c: {  	p1 =	slt.u32 s9, $0xF7A;
	s5 =	simm.s32 @!p2 $0x0  }
0x1d: {  	s5 =	simm.s32 @p1 $0x1;
	p0 =	seq.s32 s7, s2  }
0x1e: {  	s7 =	smul.u32 @!p0 $0xF7A, s2;
	p2 =	seq.s32 @!p0 s5, $0x0  }
0x1f: {  	s9 =	smul.u32 $0xF7A, s1;
	s8 =	simm.s32 @!p0 $0x1BF5;
	p2 =	por !p2, p0  }
0x20: {  	[sflag:s8] =	ssyncset.s32 @!p0 $0xFFFFF086;
	s6 =	sadd.s32 @!p0 s3, s7;
	s7 =	simm.s32 @!p0 $0x108  }
0x21: {  	s3 =	sadd.s32 s3, s9;
	s6 =	sadd.s32 @!p0 $0x88, s6;
	s7 =	simm.s32 @p2 $0x1082  }
0x22: {  	[simem:s7], [sflag:s8] =	dma.local @!p0 [hbm:s6], $0xF7A  }
0x23: {  	s9 =	sor.u32 $0xD0000000, s2;
	s6 =	simm.s32 $0x108;
	_ =	swait.ge @!p0 [sflag:s8], $0x0  }
0x24: {  	s3 =	sadd.s32 $0x88, s3;
	s6 =	simm.s32 @!p1 $0x1082;
	[sflag:s4] =	ssyncset.s32 $0xFFFFF086  }
0x25: {  	[simem:s6], [sflag:s4] =	dma.local [hbm:s3], $0xF7A  }
0x26: {  	[smem:$0x3F9B] =	sst s1;
	(tag) =	ssettag s2;
	_ =	strace s9  }
0x27: {  	s1 =	sld [smem:$0x3FAB]  }
0x28: {  	s2 =	sld [smem:$0x3FAC]  }
0x29: {  	s4 =	sld [smem:$0x3FAE]  }
0x2a: {  	p0 =	seq.s32 s5, $0x0;
	s5 =	sld [smem:$0x3FAF]  }
0x2b: {  	s6 =	sld [smem:$0x3FB0]  }
0x2c: {  	s7 =	sld [smem:$0x3FB1]  }
0x2d: {  	s3 =	simm.s32 $0x108;
	s8 =	sld [smem:$0x3FB2]  }
0x2e: {  	s3 =	simm.s32 @!p0 $0x1082;
	s9 =	sld [smem:$0x3FB3]  }
0x2f: {  	lr =	sadd.s32 s0, s3;
	s0 =	sld [smem:$0x3FAA]  }
0x30: {  	s3 =	sld [smem:$0x3FAD]  }
0x31: {  	[smem:$0x3FB6] =	sst s10  }
0x32: {  	s10 =	sld [smem:$0x3FB4];
	_ =	sdelay $0x3  }
0x33: {  	p0 =	seq.s32 s10, $0x1;
	s10 =	sld [smem:$0x3FB6];
	_ =	sdelay $0x3  }
0x34: {  	[smem:$0x3FB6] =	sst s10  }
0x35: {  	s10 =	sld [smem:$0x3FB5];
	_ =	sdelay $0x3  }
0x36: {  	p1 =	seq.s32 s10, $0x1;
	s10 =	sld [smem:$0x3FB6];
	_ =	sdelay $0x3  }
0x37: {  	[smem:$0x3FB6] =	sst s10  }
0x38: {  	s10 =	sld [smem:$0x3FB7]  }
0x39: {  	_ = 	snop;
	(pc) =	sbr.ind lr, $3  }
0x3a: {  	_ = 	snop  }
0x3b: {  	_ = 	snop  }
0x3c: {  	p2 =	seq.s32 s10, $0x1;
	s10 =	sld [smem:$0x3FB6]  }
0x3d: {  	_ =	shalt  }
0x3e: {  	_ =	shalt  }
0x3f: {  	_ =	shalt  }
0x40: {  	_ =	shalt  }
0x41: {  	_ =	shalt  }
0x42: {  	_ =	shalt  }
0x43: {  	_ =	shalt  }
0x44: {  	_ =	shalt  }
0x45: {  	_ =	shalt  }
0x46: {  	_ =	shalt  }
0x47: {  	_ =	shalt  }
0x48: {  	_ =	shalt  }
0x49: {  	_ =	shalt  }
0x4a: {  	_ =	shalt  }
0x4b: {  	_ =	shalt  }
0x4c: {  	_ =	shalt  }
0x4d: {  	_ =	shalt  }
0x4e: {  	_ =	shalt  }
0x4f: {  	_ =	shalt  }
0x50: {  	_ =	shalt  }
0x51: {  	_ =	shalt  }
0x52: {  	_ =	shalt  }
0x53: {  	_ =	shalt  }
0x54: {  	_ =	shalt  }
0x55: {  	_ =	shalt  }
0x56: {  	_ =	shalt  }
0x57: {  	_ =	shalt  }
0x58: {  	_ =	shalt  }
0x59: {  	_ =	shalt  }
0x5a: {  	_ =	shalt  }
0x5b: {  	_ =	shalt  }
0x5c: {  	_ =	shalt  }
0x5d: {  	_ =	shalt  }
0x5e: {  	_ =	shalt  }
0x5f: {  	_ =	shalt  }
0x60: {  	_ =	shalt  }
0x61: {  	_ =	shalt  }
0x62: {  	_ =	shalt  }
0x63: {  	_ =	shalt  }
0x64: {  	_ =	shalt  }
0x65: {  	_ =	shalt  }
0x66: {  	_ =	shalt  }
0x67: {  	_ =	shalt  }
0x68: {  	_ =	shalt  }
0x69: {  	_ =	shalt  }
0x6a: {  	_ =	shalt  }
0x6b: {  	_ =	shalt  }
0x6c: {  	_ =	shalt  }
0x6d: {  	_ =	shalt  }
0x6e: {  	_ =	shalt  }
0x6f: {  	_ =	shalt  }
0x70: {  	_ =	shalt  }
0x71: {  	_ =	shalt  }
0x72: {  	_ =	shalt  }
0x73: {  	_ =	shalt  }
0x74: {  	_ =	shalt  }
0x75: {  	_ =	shalt  }
0x76: {  	_ =	shalt  }
0x77: {  	_ =	shalt  }
0x78: {  	_ =	shalt  }
0x79: {  	_ =	shalt  }
0x7a: {  	_ =	shalt  }
0x7b: {  	_ =	shalt  }
0x7c: {  	_ =	shalt  }
0x7d: {  	_ =	shalt  }
0x7e: {  	_ =	shalt  }
0x7f: {  	_ =	shalt  }
0x80: {  	_ =	shalt  }
0x81: {  	_ =	shalt  }
0x82: {  	_ =	shalt  }
0x83: {  	_ =	shalt  }
0x84: {  	_ =	shalt  }
0x85: {  	_ =	shalt  }
0x86: {  	_ =	shalt  }
0x87: {  	_ =	shalt  }
.Lfunc_end0:
.L_simem_size_0:
called_computation.1_lowered:
.L_overlay_start_0:
0x88: {  	s2 =	sld [smem:$0x3FD9]  }
0x89: {  	s3 =	sld [smem:$0x3FFE];
	_ =	sdelay $0x1  }
0x8a: {  	s1 =	srdreg.scid  }
0x8b: {  	s0 =	sand.u32 $0x1, s1  }
0x8c: {  	s17 =	sshll.u32 s0, $0xA;
	s2 =	sadd.s32 s3, s2  }
0x8d: {  	s2 =	sadd.s32 s2, s17  }
0x8e: {  	[smem:$0x3FC2] =	sst s2  }
0x8f: {  	_ = 	snop  }
0x90: {  	s2 =	sld [smem:$0x3FD0];
	(tm) =	ssettm $0x1  }
0x91: {  	s18 =	sld [smem:$0x3FFB];
	_ =	sdelay $0x3  }
0x92: {  	_ =	strace s18  }
0x93: {  	s3 =	sld [smem:$0x3FFC];
	_ =	sdelay $0x3  }
0x94: {  	_ =	strace s3  }
0x95: {  	s3 =	sld [smem:$0x3FFD];
	_ =	sdelay $0x3  }
0x96: {  	_ =	strace s3  }
0x97: {  	_ =	strace $0x8FFFFFFF  }
0x98: {  	s19 =	sld [smem:$0x3FDB];
	_ =	sdelay $0x1  }
0x99: {  	s4 =	simm.s32 $_scs_section_size  }
0x9a: {  	s5 =	simm.s32 $_size__tile_overlayer_lowered;
	s6 =	simm.s32 $_tile_overlayer_lowered  }
0x9b: {  	s22 =	simm.s32 $0x1BFF;
	s21 =	sshll.u32 s6, $0x1;
	s3 =	sadd.s32 s4, s19  }
0x9c: {  	s7 =	simm.s32 $0x0;
	s20 =	sshll.u32 s5, $0x1;
	s5 =	sadd.s32 s21, s3  }
0x9d: {  	[timem:s7], [sflag:s22] =	dma.local [hbm:s5], s20  }
0x9e: {  	_ =	swait.ge [sflag:s22], s20  }
0x9f: {  	s4 =	ssub.s32 $0x0, s20;
	[sflag:s22] =	ssyncset.done $0x0  }
0xa0: {  	[sflag:s22] =	ssyncadd.s32 s4;
	_ =	sdelay $0x1  }
0xa1: {  	s23 =	simm.s32 $0x1B8B  }
0xa2: {  	_ =	swait.ge [sflag:s23], $0x1  }
0xa3: {  	[sflag:s23] =	ssyncset.done $0x0  }
0xa4: {  	s25 =	simm.s32 $0x1B8E;
	s24 =	sld [smem:$0x3FFE];
	[sflag:s23] =	ssyncadd.s32 $0xFFFFFFFF  }
0xa5: {  	s26 =	simm.s32 $execute0_lowered;
	[smem:$0x3FD2] =	sst s25  }
0xa6: {  	s5 =	sshll.u32 s26, $0x1;
	_ =	strace $0x80000049;
	[dreg:$0x1] =	wrdreg $0xFFFFFFFF  }
0xa7: {  	s28 =	simm.s32 $_size_execute0_lowered;
	s3 =	sadd.s32 s3, s5;
	[dreg:$0x0] =	wrdreg $0x0  }
0xa8: {  	s5 =	sshll.u32 s28, $0x1;
	[dreg:$0x2] =	wrdreg s3  }
0xa9: {  	[dreg:$0x3] =	wrdreg s5  }
0xaa: {  	[dreg:$0x4] =	wrdreg $0xC0  }
0xab: {  	_ =	task [dreg:s7], $0x5FFFF  }
0xac: {  	[dreg:$0x1] =	wrdreg $0xFFFFFFFF  }
0xad: {  	[dreg:$0x0] =	wrdreg $0x60  }
0xae: {  	[dreg:$0x2] =	wrdreg s24  }
0xaf: {  	[dreg:$0x3] =	wrdreg s2  }
0xb0: {  	[dreg:$0x4] =	wrdreg $0x9  }
0xb1: {  	_ =	task.clear_ibuf [dreg:s7], $0x5FFFF;
	_ =	strace $0x90000049  }
0xb2: {  	s29 =	simm.s32 $0x9;
	_ =	strace $0x8000004B  }
0xb3: {  	_ =	swait.ge [sflag:s29], $0x1  }
0xb4: {  	[sflag:s29] =	ssyncadd.s32 $0xFFFFFFFF  }
0xb5: {  	_ =	strace $0x9000004B  }
0xb6: {  	_ =	sfence  }
0xb7: {  	s30 =	sld [smem:$0x0];
	_ =	sdelay $0x2  }
0xb8: {  	s31 =	sshll.u32 s1, $0xD;
	s1 =	sshrl.u32 s1, $0x2  }
0xb9: {  	s3 =	sand.u32 $0x4000, s31;
	s1 =	sadd.s32 s1, s30  }
0xba: {  	s0 =	sor.u32 s3, s0;
	s1 =	sshll.u32 s1, $0x11  }
0xbb: {  	s0 =	sor.u32 s1, s0  }
0xbc: {  	s0 =	sadd.s32 $0x8F2B, s0  }
0xbd: {  	[sflag:s0] =	ssyncadd.remote.s32 $0x1  }
0xbe: {  	_ =	sfence.sel $0xFFFF  }
0xbf: {  	[dreg:$0x0] =	wrdreg $0xFFFFFFFF;
	(pc) =	sbr.abs _section_cstart, $3  }
0xc0: {  	[dreg:$0x1] =	wrdreg $0xFFFFFFFF  }
0xc1: {  	_ =	task.clear_ibuf [dreg:s7], $0x2FFFF;
	_ =	strace $0x9FFFFFFF  }
0xc2: {  	(tm) =	ssettm $0x7FFFFFFF  }
0xc3: {  	_ =	shalt  }
tec
execute0_lowered:
.L_overlay_start_1:
0x0: {  	(tag) =	ssettag $0x1  }
0x1: {  	s2 =	rddreg [dreg:$0x0]  }
0x2: {  	s1 =	srdreg.scid;
	s0 =	stileid.u32  }
0x3: {  	s11 =	rddreg [dreg:$0x1];
	s3 =	simm.s32 $0x0;
	s31 =	simm.s32 $0x18200  }
0x4: {  	s4 =	sand.u32 $0x1, s1;
	s5 =	sshll.u32 s0, $0x1;
	s1 =	rddreg [dreg:$0x2]  }
0x5: {  	[smem:$0x7FF] =	sst s3;
	s6 =	sor.u32 s4, s5;
	s7 =	ssub.s32 $0x2, s4  }
0x6: {  	_ =	strace $0x8000004A;
	s4 =	sadd.s32 $0x180C00, s2;
	[dreg:$0x8] =	wrdreg s31  }
0x7: {  	s5 =	sshll.u32 s6, $0x6;
	s8 =	sshrl.u32 s7, $0x1;
	s29 =	sshll.u32 s6, $0xE  }
0x8: {  	s5 =	sadd.s32 s5, s2;
	s12 =	ssub.s32 s7, s8;
	s8 =	sadd.s32 s11, s29  }
0x9: {  	s28 =	sadd.s32 $0x180400, s5;
	s5 =	sshll.u32 s6, $0x7;
	s6 =	sadd.s32 $0x180D00, s2  }
0xa: {  	[dreg:$0x4] =	wrdreg s8;
	s12 =	smax.u32 s12, $0x1;
	s7 =	sor.u32 $0x20, s5  }
0xb: {  	[dreg:$0x3] =	wrdreg s28;
	s8 =	sor.u32 $0x40, s5;
	s9 =	sshll.u32 s7, $0x7  }
0xc: {  	s13 =	sshll.u32 s8, $0x7;
	s10 =	sadd.s32 s11, s9;
	s9 =	sor.u32 $0x60, s5  }
0xd: {  	s13 =	sadd.s32 s11, s13;
	[dreg:$0x5] =	wrdreg s10;
	s14 =	sshll.u32 s9, $0x7  }
0xe: {  	s10 =	sadd.s32 $0x180E00, s2;
	[dreg:$0x6] =	wrdreg s13;
	s30 =	sadd.s32 s11, s14  }
0xf: {  	s13 =	simm.s32 $0x7;
	s11 =	sadd.s32 $0x180F00, s2;
	[dreg:$0x7] =	wrdreg s30  }
.LBB2_1:
0x10: {  	s14 =	rddreg [dreg:$0x8]  }
0x11: {  	[tilespmem:s14], [sflag:$0x7] =	stream.linear.gather [hbm4b:s2+s3], $0x80, $0x38;
	[tilespmem:$0x18280] =	vst v63  }
0x12: {  	_ =	swait.ge [sflag:s13], $0x80  }
0x13: {  	[sflag:s13] =	ssyncset.done $0x0  }
0x14: {  	s30 =	rddreg [dreg:$0x3];
	[sflag:s13] =	ssyncadd.s32 $0xFFFFFF80  }
0x15: {  	[tilespmem:s3], [sflag:$0x7] =	stream.linear.gather [hbm4b:s30+s3], $0x200, $0x38;
	[tilespmem:$0x18280] =	vst v63  }
0x16: {  	_ =	swait.ge [sflag:s13], $0x200  }
0x17: {  	[sflag:s13] =	ssyncset.done $0x0  }
0x18: {  	[sflag:s13] =	ssyncadd.s32 $0xFFFFFE00  }
0x19: {  	v0 =	vld [tilespmem:$0x18200];
	_ =	sdelay $0x4  }
0x1a: {  	(v2sf) =	vpush v0, $0x0;
	_ =	sdelay $0xe  }
0x1b: {  	s31 =	spop (v2sf)  }
0x1c: {  	p1 =	sge.s32 s5, s31  }
0x1d: {  	v0 =	vld @!p1 [tilespmem:$0x0];
	_ =	sdelay $0x4  }
0x1e: {  	v1 =	vshll.u32 @!p1 v0, $0x3  }
0x1f: {  	v2 =	vlaneseq.u32 @!p1;
	v0 =	vand.u32 @!p1 $0x7, v0;
	v1 =	vand.u32 @!p1 $0xFFFFFFC0, v1  }
0x20: {  	v3 =	vshrl.u32 @!p1 v2, $0x3;
	v0 =	vor.u32 @!p1 v0, v1;
	v1 =	vand.u32 @!p1 $0x7, v2  }
0x21: {  	v3 =	vmul.u32 @!p1 $0x8, v3;
	v4 =	vperm.xlane @!p1 v0, v1;
	_ =	sdelay $0x1  }
0x22: {  	v4 =	vadd.s32 @!p1 v3, v4;
	_ =	sdelay $0x3  }
0x23: {  	vm0 =	vmmov @!p1 $0xffff;
	s15 =	simm.s32 @!p1 $0x0;
	s16 =	simm.s32 @!p1 $0x200  }
0x24: {  	v2 =	vor.u32 @!p1 $0x8, v2;
	[tilespmem:s16], [sflag:$0x1] =	stream.indirect_vreg.gather @!p1 [hbm4b:s4+s15], $0x80, v4, vm0, $0xb8;
	[tilespmem:$0x18280] =	vst v63  }
0x25: {  	s17 =	simm.s32 @!p1 $0xA00;
	v0 =	vperm.xlane @!p1 v0, v2  }
0x26: {  	[tilespmem:s17], [sflag:$0x1] =	stream.indirect_vreg.gather @!p1 [hbm4b:s6+s15], $0x80, v4, vm0, $0xb8;
	[tilespmem:$0x18280] =	vst v63  }
0x27: {  	v0 =	vadd.s32 @!p1 v3, v0;
	s17 =	simm.s32 @!p1 $0x1200  }
0x28: {  	[tilespmem:s17], [sflag:$0x1] =	stream.indirect_vreg.gather @!p1 [hbm4b:s10+s15], $0x80, v4, vm0, $0xb8;
	[tilespmem:$0x18280] =	vst v63  }
0x29: {  	s17 =	simm.s32 @!p1 $0x1A00  }
0x2a: {  	[tilespmem:s17], [sflag:$0x1] =	stream.indirect_vreg.gather @!p1 [hbm4b:s11+s15], $0x80, v4, vm0, $0xb8;
	[tilespmem:$0x18280] =	vst v63  }
0x2b: {  	s17 =	simm.s32 @!p1 $0x2200  }
0x2c: {  	[tilespmem:s17], [sflag:$0x1] =	stream.indirect_vreg.gather @!p1 [hbm4b:s4+s15], $0x80, v0, vm0, $0xb8;
	[tilespmem:$0x18280] =	vst v63  }
0x2d: {  	s17 =	simm.s32 @!p1 $0x2A00  }
0x2e: {  	[tilespmem:s17], [sflag:$0x1] =	stream.indirect_vreg.gather @!p1 [hbm4b:s6+s15], $0x80, v0, vm0, $0xb8;
	[tilespmem:$0x18280] =	vst v63  }
0x2f: {  	s17 =	simm.s32 @!p1 $0x3200  }
0x30: {  	[tilespmem:s17], [sflag:$0x1] =	stream.indirect_vreg.gather @!p1 [hbm4b:s10+s15], $0x80, v0, vm0, $0xb8;
	[tilespmem:$0x18280] =	vst v63  }
0x31: {  	s17 =	simm.s32 @!p1 $0x3A00  }
0x32: {  	[tilespmem:s17], [sflag:$0x1] =	stream.indirect_vreg.gather @!p1 [hbm4b:s11+s15], $0x80, v0, vm0, $0xb8;
	[tilespmem:$0x18280] =	vst v63  }
0x33: {  	v0 =	vld @!p1 [tilespmem:$0x10];
	_ =	sdelay $0x4  }
0x34: {  	v4 =	vshll.u32 @!p1 v0, $0x3  }
0x35: {  	v0 =	vand.u32 @!p1 $0x7, v0;
	v4 =	vand.u32 @!p1 $0xFFFFFFC0, v4  }
0x36: {  	v0 =	vor.u32 @!p1 v0, v4  }
0x37: {  	v1 =	vperm.xlane @!p1 v0, v1;
	_ =	sdelay $0x1  }
0x38: {  	v1 =	vadd.s32 @!p1 v3, v1;
	_ =	sdelay $0x3  }
0x39: {  	s17 =	simm.s32 @!p1 $0x4200  }
0x3a: {  	[tilespmem:s17], [sflag:$0x1] =	stream.indirect_vreg.gather @!p1 [hbm4b:s4+s15], $0x80, v1, vm0, $0xb8;
	[tilespmem:$0x18280] =	vst v63  }
0x3b: {  	v0 =	vperm.xlane @!p1 v0, v2;
	s17 =	simm.s32 @!p1 $0x4A00  }
0x3c: {  	[tilespmem:s17], [sflag:$0x1] =	stream.indirect_vreg.gather @!p1 [hbm4b:s6+s15], $0x80, v1, vm0, $0xb8;
	[tilespmem:$0x18280] =	vst v63  }
0x3d: {  	v0 =	vadd.s32 @!p1 v3, v0;
	s17 =	simm.s32 @!p1 $0x5200  }
0x3e: {  	[tilespmem:s17], [sflag:$0x1] =	stream.indirect_vreg.gather @!p1 [hbm4b:s10+s15], $0x80, v1, vm0, $0xb8;
	[tilespmem:$0x18280] =	vst v63  }
0x3f: {  	s17 =	simm.s32 @!p1 $0x5A00  }
0x40: {  	[tilespmem:s17], [sflag:$0x1] =	stream.indirect_vreg.gather @!p1 [hbm4b:s11+s15], $0x80, v1, vm0, $0xb8;
	[tilespmem:$0x18280] =	vst v63  }
0x41: {  	s17 =	simm.s32 @!p1 $0x6200  }
0x42: {  	[tilespmem:s17], [sflag:$0x1] =	stream.indirect_vreg.gather @!p1 [hbm4b:s4+s15], $0x80, v0, vm0, $0xb8;
	[tilespmem:$0x18280] =	vst v63  }
0x43: {  	s17 =	simm.s32 @!p1 $0x6A00  }
0x44: {  	[tilespmem:s17], [sflag:$0x1] =	stream.indirect_vreg.gather @!p1 [hbm4b:s6+s15], $0x80, v0, vm0, $0xb8;
	[tilespmem:$0x18280] =	vst v63  }
0x45: {  	s17 =	simm.s32 @!p1 $0x7200  }
0x46: {  	[tilespmem:s17], [sflag:$0x1] =	stream.indirect_vreg.gather @!p1 [hbm4b:s10+s15], $0x80, v0, vm0, $0xb8;
	[tilespmem:$0x18280] =	vst v63  }
0x47: {  	p0 =	sge.s32 s7, s31;
	s17 =	simm.s32 @!p1 $0x7A00  }
0x48: {  	[tilespmem:s17], [sflag:$0x1] =	stream.indirect_vreg.gather @!p1 [hbm4b:s11+s15], $0x80, v0, vm0, $0xb8;
	[tilespmem:$0x18280] =	vst v63  }
0x49: {  	v0 =	vld @!p0 [tilespmem:$0x80];
	_ =	sdelay $0x4  }
0x4a: {  	v1 =	vshll.u32 @!p0 v0, $0x3  }
0x4b: {  	v2 =	vlaneseq.u32 @!p0;
	v0 =	vand.u32 @!p0 $0x7, v0;
	v1 =	vand.u32 @!p0 $0xFFFFFFC0, v1  }
0x4c: {  	v3 =	vshrl.u32 @!p0 v2, $0x3;
	v0 =	vor.u32 @!p0 v0, v1;
	v1 =	vand.u32 @!p0 $0x7, v2  }
0x4d: {  	v3 =	vmul.u32 @!p0 $0x8, v3;
	v4 =	vperm.xlane @!p0 v0, v1;
	_ =	sdelay $0x1  }
0x4e: {  	v4 =	vadd.s32 @!p0 v3, v4;
	_ =	sdelay $0x3  }
0x4f: {  	s18 =	simm.s32 @!p0 $0x8200;
	vm0 =	vmmov @!p0 $0xffff;
	s17 =	simm.s32 @!p0 $0x0  }
0x50: {  	v2 =	vor.u32 @!p0 $0x8, v2;
	[tilespmem:s18], [sflag:$0x2] =	stream.indirect_vreg.gather @!p0 [hbm4b:s4+s17], $0x80, v4, vm0, $0xb8;
	[tilespmem:$0x18280] =	vst v63  }
0x51: {  	s19 =	simm.s32 @!p0 $0x8A00;
	v0 =	vperm.xlane @!p0 v0, v2  }
0x52: {  	[tilespmem:s19], [sflag:$0x2] =	stream.indirect_vreg.gather @!p0 [hbm4b:s6+s17], $0x80, v4, vm0, $0xb8;
	[tilespmem:$0x18280] =	vst v63  }
0x53: {  	v0 =	vadd.s32 @!p0 v3, v0;
	s19 =	simm.s32 @!p0 $0x9200  }
0x54: {  	[tilespmem:s19], [sflag:$0x2] =	stream.indirect_vreg.gather @!p0 [hbm4b:s10+s17], $0x80, v4, vm0, $0xb8;
	[tilespmem:$0x18280] =	vst v63  }
0x55: {  	s19 =	simm.s32 @!p0 $0x9A00  }
0x56: {  	[tilespmem:s19], [sflag:$0x2] =	stream.indirect_vreg.gather @!p0 [hbm4b:s11+s17], $0x80, v4, vm0, $0xb8;
	[tilespmem:$0x18280] =	vst v63  }
0x57: {  	s19 =	simm.s32 @!p0 $0xA200  }
0x58: {  	[tilespmem:s19], [sflag:$0x2] =	stream.indirect_vreg.gather @!p0 [hbm4b:s4+s17], $0x80, v0, vm0, $0xb8;
	[tilespmem:$0x18280] =	vst v63  }
0x59: {  	s19 =	simm.s32 @!p0 $0xAA00  }
0x5a: {  	[tilespmem:s19], [sflag:$0x2] =	stream.indirect_vreg.gather @!p0 [hbm4b:s6+s17], $0x80, v0, vm0, $0xb8;
	[tilespmem:$0x18280] =	vst v63  }
0x5b: {  	s19 =	simm.s32 @!p0 $0xB200  }
0x5c: {  	[tilespmem:s19], [sflag:$0x2] =	stream.indirect_vreg.gather @!p0 [hbm4b:s10+s17], $0x80, v0, vm0, $0xb8;
	[tilespmem:$0x18280] =	vst v63  }
0x5d: {  	s19 =	simm.s32 @!p0 $0xBA00  }
0x5e: {  	[tilespmem:s19], [sflag:$0x2] =	stream.indirect_vreg.gather @!p0 [hbm4b:s11+s17], $0x80, v0, vm0, $0xb8;
	[tilespmem:$0x18280] =	vst v63  }
0x5f: {  	v0 =	vld @!p0 [tilespmem:$0x90];
	_ =	sdelay $0x4  }
0x60: {  	v4 =	vshll.u32 @!p0 v0, $0x3  }
0x61: {  	v0 =	vand.u32 @!p0 $0x7, v0;
	v4 =	vand.u32 @!p0 $0xFFFFFFC0, v4  }
0x62: {  	v0 =	vor.u32 @!p0 v0, v4  }
0x63: {  	v1 =	vperm.xlane @!p0 v0, v1;
	_ =	sdelay $0x1  }
0x64: {  	v1 =	vadd.s32 @!p0 v3, v1;
	_ =	sdelay $0x3  }
0x65: {  	s19 =	simm.s32 @!p0 $0xC200  }
0x66: {  	[tilespmem:s19], [sflag:$0x2] =	stream.indirect_vreg.gather @!p0 [hbm4b:s4+s17], $0x80, v1, vm0, $0xb8;
	[tilespmem:$0x18280] =	vst v63  }
0x67: {  	v0 =	vperm.xlane @!p0 v0, v2;
	s19 =	simm.s32 @!p0 $0xCA00  }
0x68: {  	[tilespmem:s19], [sflag:$0x2] =	stream.indirect_vreg.gather @!p0 [hbm4b:s6+s17], $0x80, v1, vm0, $0xb8;
	[tilespmem:$0x18280] =	vst v63  }
0x69: {  	v0 =	vadd.s32 @!p0 v3, v0;
	s19 =	simm.s32 @!p0 $0xD200  }
0x6a: {  	[tilespmem:s19], [sflag:$0x2] =	stream.indirect_vreg.gather @!p0 [hbm4b:s10+s17], $0x80, v1, vm0, $0xb8;
	[tilespmem:$0x18280] =	vst v63  }
0x6b: {  	s19 =	simm.s32 @!p0 $0xDA00  }
0x6c: {  	[tilespmem:s19], [sflag:$0x2] =	stream.indirect_vreg.gather @!p0 [hbm4b:s11+s17], $0x80, v1, vm0, $0xb8;
	[tilespmem:$0x18280] =	vst v63  }
0x6d: {  	s19 =	simm.s32 @!p0 $0xE200  }
0x6e: {  	[tilespmem:s19], [sflag:$0x2] =	stream.indirect_vreg.gather @!p0 [hbm4b:s4+s17], $0x80, v0, vm0, $0xb8;
	[tilespmem:$0x18280] =	vst v63  }
0x6f: {  	s19 =	simm.s32 @!p0 $0xEA00  }
0x70: {  	[tilespmem:s19], [sflag:$0x2] =	stream.indirect_vreg.gather @!p0 [hbm4b:s6+s17], $0x80, v0, vm0, $0xb8;
	[tilespmem:$0x18280] =	vst v63  }
0x71: {  	s19 =	simm.s32 @!p0 $0xF200  }
0x72: {  	[tilespmem:s19], [sflag:$0x2] =	stream.indirect_vreg.gather @!p0 [hbm4b:s10+s17], $0x80, v0, vm0, $0xb8;
	[tilespmem:$0x18280] =	vst v63  }
0x73: {  	s19 =	simm.s32 @!p0 $0xFA00  }
0x74: {  	[tilespmem:s19], [sflag:$0x2] =	stream.indirect_vreg.gather @!p0 [hbm4b:s11+s17], $0x80, v0, vm0, $0xb8;
	[tilespmem:$0x18280] =	vst v63  }
0x75: {  	s19 =	simm.s32 @!p1 $0x1  }
0x76: {  	_ =	swait.ge @!p1 [sflag:s19], $0x8000  }
0x77: {  	[sflag:s19] =	ssyncset.done @!p1 $0x0  }
0x78: {  	p2 =	sge.s32 s8, s31;
	s20 =	rddreg [dreg:$0x4];
	[sflag:s19] =	ssyncadd.s32 @!p1 $0xFFFF8000  }
0x79: {  	[hbm4b:s20+s15] =	stream.linear.scatter @!p1 [tilespmem:s16], [sflag:$0x4], $0x8000, $0x38;
	[tilespmem:$0x18280] =	vst v63  }
0x7a: {  	v0 =	vld @!p2 [tilespmem:$0x100];
	_ =	sdelay $0x4  }
0x7b: {  	v1 =	vshll.u32 @!p2 v0, $0x3  }
0x7c: {  	v2 =	vlaneseq.u32 @!p2;
	v0 =	vand.u32 @!p2 $0x7, v0;
	v1 =	vand.u32 @!p2 $0xFFFFFFC0, v1  }
0x7d: {  	v3 =	vshrl.u32 @!p2 v2, $0x3;
	v0 =	vor.u32 @!p2 v0, v1;
	v1 =	vand.u32 @!p2 $0x7, v2  }
0x7e: {  	v3 =	vmul.u32 @!p2 $0x8, v3;
	v4 =	vperm.xlane @!p2 v0, v1;
	_ =	sdelay $0x1  }
0x7f: {  	v4 =	vadd.s32 @!p2 v3, v4;
	_ =	sdelay $0x3  }
0x80: {  	vm0 =	vmmov @!p2 $0xffff;
	s15 =	simm.s32 @!p2 $0x0;
	s16 =	simm.s32 @!p2 $0x10200  }
0x81: {  	v2 =	vor.u32 @!p2 $0x8, v2;
	[tilespmem:s16], [sflag:$0x3] =	stream.indirect_vreg.gather @!p2 [hbm4b:s4+s15], $0x80, v4, vm0, $0xb8;
	[tilespmem:$0x18280] =	vst v63  }
0x82: {  	s19 =	simm.s32 @!p2 $0x10A00;
	v0 =	vperm.xlane @!p2 v0, v2  }
0x83: {  	[tilespmem:s19], [sflag:$0x3] =	stream.indirect_vreg.gather @!p2 [hbm4b:s6+s15], $0x80, v4, vm0, $0xb8;
	[tilespmem:$0x18280] =	vst v63  }
0x84: {  	v0 =	vadd.s32 @!p2 v3, v0;
	s19 =	simm.s32 @!p2 $0x11200  }
0x85: {  	[tilespmem:s19], [sflag:$0x3] =	stream.indirect_vreg.gather @!p2 [hbm4b:s10+s15], $0x80, v4, vm0, $0xb8;
	[tilespmem:$0x18280] =	vst v63  }
0x86: {  	s19 =	simm.s32 @!p2 $0x11A00  }
0x87: {  	[tilespmem:s19], [sflag:$0x3] =	stream.indirect_vreg.gather @!p2 [hbm4b:s11+s15], $0x80, v4, vm0, $0xb8;
	[tilespmem:$0x18280] =	vst v63  }
0x88: {  	s19 =	simm.s32 @!p2 $0x12200  }
0x89: {  	[tilespmem:s19], [sflag:$0x3] =	stream.indirect_vreg.gather @!p2 [hbm4b:s4+s15], $0x80, v0, vm0, $0xb8;
	[tilespmem:$0x18280] =	vst v63  }
0x8a: {  	s19 =	simm.s32 @!p2 $0x12A00  }
0x8b: {  	[tilespmem:s19], [sflag:$0x3] =	stream.indirect_vreg.gather @!p2 [hbm4b:s6+s15], $0x80, v0, vm0, $0xb8;
	[tilespmem:$0x18280] =	vst v63  }
0x8c: {  	s19 =	simm.s32 @!p2 $0x13200  }
0x8d: {  	[tilespmem:s19], [sflag:$0x3] =	stream.indirect_vreg.gather @!p2 [hbm4b:s10+s15], $0x80, v0, vm0, $0xb8;
	[tilespmem:$0x18280] =	vst v63  }
0x8e: {  	s19 =	simm.s32 @!p2 $0x13A00  }
0x8f: {  	[tilespmem:s19], [sflag:$0x3] =	stream.indirect_vreg.gather @!p2 [hbm4b:s11+s15], $0x80, v0, vm0, $0xb8;
	[tilespmem:$0x18280] =	vst v63  }
0x90: {  	v0 =	vld @!p2 [tilespmem:$0x110];
	_ =	sdelay $0x4  }
0x91: {  	v4 =	vshll.u32 @!p2 v0, $0x3  }
0x92: {  	v0 =	vand.u32 @!p2 $0x7, v0;
	v4 =	vand.u32 @!p2 $0xFFFFFFC0, v4  }
0x93: {  	v0 =	vor.u32 @!p2 v0, v4  }
0x94: {  	v1 =	vperm.xlane @!p2 v0, v1;
	_ =	sdelay $0x1  }
0x95: {  	v1 =	vadd.s32 @!p2 v3, v1;
	_ =	sdelay $0x3  }
0x96: {  	s19 =	simm.s32 @!p2 $0x14200  }
0x97: {  	[tilespmem:s19], [sflag:$0x3] =	stream.indirect_vreg.gather @!p2 [hbm4b:s4+s15], $0x80, v1, vm0, $0xb8;
	[tilespmem:$0x18280] =	vst v63  }
0x98: {  	v0 =	vperm.xlane @!p2 v0, v2;
	s19 =	simm.s32 @!p2 $0x14A00  }
0x99: {  	[tilespmem:s19], [sflag:$0x3] =	stream.indirect_vreg.gather @!p2 [hbm4b:s6+s15], $0x80, v1, vm0, $0xb8;
	[tilespmem:$0x18280] =	vst v63  }
0x9a: {  	v0 =	vadd.s32 @!p2 v3, v0;
	s19 =	simm.s32 @!p2 $0x15200  }
0x9b: {  	[tilespmem:s19], [sflag:$0x3] =	stream.indirect_vreg.gather @!p2 [hbm4b:s10+s15], $0x80, v1, vm0, $0xb8;
	[tilespmem:$0x18280] =	vst v63  }
0x9c: {  	s19 =	simm.s32 @!p2 $0x15A00  }
0x9d: {  	[tilespmem:s19], [sflag:$0x3] =	stream.indirect_vreg.gather @!p2 [hbm4b:s11+s15], $0x80, v1, vm0, $0xb8;
	[tilespmem:$0x18280] =	vst v63  }
0x9e: {  	s19 =	simm.s32 @!p2 $0x16200  }
0x9f: {  	[tilespmem:s19], [sflag:$0x3] =	stream.indirect_vreg.gather @!p2 [hbm4b:s4+s15], $0x80, v0, vm0, $0xb8;
	[tilespmem:$0x18280] =	vst v63  }
0xa0: {  	s19 =	simm.s32 @!p2 $0x16A00  }
0xa1: {  	[tilespmem:s19], [sflag:$0x3] =	stream.indirect_vreg.gather @!p2 [hbm4b:s6+s15], $0x80, v0, vm0, $0xb8;
	[tilespmem:$0x18280] =	vst v63  }
0xa2: {  	s19 =	simm.s32 @!p2 $0x17200  }
0xa3: {  	[tilespmem:s19], [sflag:$0x3] =	stream.indirect_vreg.gather @!p2 [hbm4b:s10+s15], $0x80, v0, vm0, $0xb8;
	[tilespmem:$0x18280] =	vst v63  }
0xa4: {  	s19 =	simm.s32 @!p2 $0x17A00  }
0xa5: {  	[tilespmem:s19], [sflag:$0x3] =	stream.indirect_vreg.gather @!p2 [hbm4b:s11+s15], $0x80, v0, vm0, $0xb8;
	[tilespmem:$0x18280] =	vst v63  }
0xa6: {  	s19 =	simm.s32 @!p0 $0x2  }
0xa7: {  	_ =	swait.ge @!p0 [sflag:s19], $0x8000  }
0xa8: {  	[sflag:s19] =	ssyncset.done @!p0 $0x0  }
0xa9: {  	s20 =	rddreg [dreg:$0x5];
	[sflag:s19] =	ssyncadd.s32 @!p0 $0xFFFF8000  }
0xaa: {  	[hbm4b:s20+s17] =	stream.linear.scatter @!p0 [tilespmem:s18], [sflag:$0x5], $0x8000, $0x38;
	[tilespmem:$0x18280] =	vst v63  }
0xab: {  	s17 =	simm.s32 @!p1 $0x4  }
0xac: {  	_ =	swait.ge @!p1 [sflag:s17], $0x8000  }
0xad: {  	[sflag:s17] =	ssyncset.done @!p1 $0x0  }
0xae: {  	[sflag:s17] =	ssyncadd.s32 @!p1 $0xFFFF8000;
	p1 =	sge.s32 s9, s31  }
0xaf: {  	v0 =	vld @!p1 [tilespmem:$0x180];
	_ =	sdelay $0x4  }
0xb0: {  	v1 =	vshll.u32 @!p1 v0, $0x3  }
0xb1: {  	v2 =	vlaneseq.u32 @!p1;
	v0 =	vand.u32 @!p1 $0x7, v0;
	v1 =	vand.u32 @!p1 $0xFFFFFFC0, v1  }
0xb2: {  	v3 =	vshrl.u32 @!p1 v2, $0x3;
	v0 =	vor.u32 @!p1 v0, v1;
	v1 =	vand.u32 @!p1 $0x7, v2  }
0xb3: {  	v3 =	vmul.u32 @!p1 $0x8, v3;
	v4 =	vperm.xlane @!p1 v0, v1;
	_ =	sdelay $0x1  }
0xb4: {  	v4 =	vadd.s32 @!p1 v3, v4;
	_ =	sdelay $0x3  }
0xb5: {  	vm0 =	vmmov @!p1 $0xffff;
	s14 =	simm.s32 @!p1 $0x0;
	s17 =	simm.s32 @!p1 $0x200  }
0xb6: {  	v2 =	vor.u32 @!p1 $0x8, v2;
	[tilespmem:s17], [sflag:$0x1] =	stream.indirect_vreg.gather @!p1 [hbm4b:s4+s14], $0x80, v4, vm0, $0xb8;
	[tilespmem:$0x18280] =	vst v63  }
0xb7: {  	s18 =	simm.s32 @!p1 $0xA00;
	v0 =	vperm.xlane @!p1 v0, v2  }
0xb8: {  	[tilespmem:s18], [sflag:$0x1] =	stream.indirect_vreg.gather @!p1 [hbm4b:s6+s14], $0x80, v4, vm0, $0xb8;
	[tilespmem:$0x18280] =	vst v63  }
0xb9: {  	v0 =	vadd.s32 @!p1 v3, v0;
	s18 =	simm.s32 @!p1 $0x1200  }
0xba: {  	[tilespmem:s18], [sflag:$0x1] =	stream.indirect_vreg.gather @!p1 [hbm4b:s10+s14], $0x80, v4, vm0, $0xb8;
	[tilespmem:$0x18280] =	vst v63  }
0xbb: {  	s18 =	simm.s32 @!p1 $0x1A00  }
0xbc: {  	[tilespmem:s18], [sflag:$0x1] =	stream.indirect_vreg.gather @!p1 [hbm4b:s11+s14], $0x80, v4, vm0, $0xb8;
	[tilespmem:$0x18280] =	vst v63  }
0xbd: {  	s18 =	simm.s32 @!p1 $0x2200  }
0xbe: {  	[tilespmem:s18], [sflag:$0x1] =	stream.indirect_vreg.gather @!p1 [hbm4b:s4+s14], $0x80, v0, vm0, $0xb8;
	[tilespmem:$0x18280] =	vst v63  }
0xbf: {  	s18 =	simm.s32 @!p1 $0x2A00  }
0xc0: {  	[tilespmem:s18], [sflag:$0x1] =	stream.indirect_vreg.gather @!p1 [hbm4b:s6+s14], $0x80, v0, vm0, $0xb8;
	[tilespmem:$0x18280] =	vst v63  }
0xc1: {  	s18 =	simm.s32 @!p1 $0x3200  }
0xc2: {  	[tilespmem:s18], [sflag:$0x1] =	stream.indirect_vreg.gather @!p1 [hbm4b:s10+s14], $0x80, v0, vm0, $0xb8;
	[tilespmem:$0x18280] =	vst v63  }
0xc3: {  	s18 =	simm.s32 @!p1 $0x3A00  }
0xc4: {  	[tilespmem:s18], [sflag:$0x1] =	stream.indirect_vreg.gather @!p1 [hbm4b:s11+s14], $0x80, v0, vm0, $0xb8;
	[tilespmem:$0x18280] =	vst v63  }
0xc5: {  	v0 =	vld @!p1 [tilespmem:$0x190];
	_ =	sdelay $0x4  }
0xc6: {  	v4 =	vshll.u32 @!p1 v0, $0x3  }
0xc7: {  	v0 =	vand.u32 @!p1 $0x7, v0;
	v4 =	vand.u32 @!p1 $0xFFFFFFC0, v4  }
0xc8: {  	v0 =	vor.u32 @!p1 v0, v4  }
0xc9: {  	v1 =	vperm.xlane @!p1 v0, v1;
	_ =	sdelay $0x1  }
0xca: {  	v1 =	vadd.s32 @!p1 v3, v1;
	_ =	sdelay $0x3  }
0xcb: {  	s18 =	simm.s32 @!p1 $0x4200  }
0xcc: {  	[tilespmem:s18], [sflag:$0x1] =	stream.indirect_vreg.gather @!p1 [hbm4b:s4+s14], $0x80, v1, vm0, $0xb8;
	[tilespmem:$0x18280] =	vst v63  }
0xcd: {  	v0 =	vperm.xlane @!p1 v0, v2;
	s18 =	simm.s32 @!p1 $0x4A00  }
0xce: {  	[tilespmem:s18], [sflag:$0x1] =	stream.indirect_vreg.gather @!p1 [hbm4b:s6+s14], $0x80, v1, vm0, $0xb8;
	[tilespmem:$0x18280] =	vst v63  }
0xcf: {  	v0 =	vadd.s32 @!p1 v3, v0;
	s18 =	simm.s32 @!p1 $0x5200  }
0xd0: {  	[tilespmem:s18], [sflag:$0x1] =	stream.indirect_vreg.gather @!p1 [hbm4b:s10+s14], $0x80, v1, vm0, $0xb8;
	[tilespmem:$0x18280] =	vst v63  }
0xd1: {  	s18 =	simm.s32 @!p1 $0x5A00  }
0xd2: {  	[tilespmem:s18], [sflag:$0x1] =	stream.indirect_vreg.gather @!p1 [hbm4b:s11+s14], $0x80, v1, vm0, $0xb8;
	[tilespmem:$0x18280] =	vst v63  }
0xd3: {  	s18 =	simm.s32 @!p1 $0x6200  }
0xd4: {  	[tilespmem:s18], [sflag:$0x1] =	stream.indirect_vreg.gather @!p1 [hbm4b:s4+s14], $0x80, v0, vm0, $0xb8;
	[tilespmem:$0x18280] =	vst v63  }
0xd5: {  	s18 =	simm.s32 @!p1 $0x6A00  }
0xd6: {  	[tilespmem:s18], [sflag:$0x1] =	stream.indirect_vreg.gather @!p1 [hbm4b:s6+s14], $0x80, v0, vm0, $0xb8;
	[tilespmem:$0x18280] =	vst v63  }
0xd7: {  	s18 =	simm.s32 @!p1 $0x7200  }
0xd8: {  	[tilespmem:s18], [sflag:$0x1] =	stream.indirect_vreg.gather @!p1 [hbm4b:s10+s14], $0x80, v0, vm0, $0xb8;
	[tilespmem:$0x18280] =	vst v63  }
0xd9: {  	s18 =	simm.s32 @!p1 $0x7A00  }
0xda: {  	[tilespmem:s18], [sflag:$0x1] =	stream.indirect_vreg.gather @!p1 [hbm4b:s11+s14], $0x80, v0, vm0, $0xb8;
	[tilespmem:$0x18280] =	vst v63  }
0xdb: {  	s18 =	simm.s32 @!p2 $0x3  }
0xdc: {  	_ =	swait.ge @!p2 [sflag:s18], $0x8000  }
0xdd: {  	[sflag:s18] =	ssyncset.done @!p2 $0x0  }
0xde: {  	s19 =	rddreg [dreg:$0x6];
	[sflag:s18] =	ssyncadd.s32 @!p2 $0xFFFF8000  }
0xdf: {  	[hbm4b:s19+s15] =	stream.linear.scatter @!p2 [tilespmem:s16], [sflag:$0x6], $0x8000, $0x38;
	[tilespmem:$0x18280] =	vst v63  }
0xe0: {  	s15 =	simm.s32 @!p1 $0x1  }
0xe1: {  	_ =	swait.ge @!p1 [sflag:s15], $0x8000  }
0xe2: {  	[sflag:s15] =	ssyncset.done @!p1 $0x0  }
0xe3: {  	s16 =	rddreg [dreg:$0x7];
	[sflag:s15] =	ssyncadd.s32 @!p1 $0xFFFF8000  }
0xe4: {  	[hbm4b:s16+s14] =	stream.linear.scatter @!p1 [tilespmem:s17], [sflag:$0x4], $0x8000, $0x38;
	[tilespmem:$0x18280] =	vst v63  }
0xe5: {  	s14 =	simm.s32 @!p0 $0x5  }
0xe6: {  	_ =	swait.ge @!p0 [sflag:s14], $0x8000  }
0xe7: {  	[sflag:s14] =	ssyncset.done @!p0 $0x0  }
0xe8: {  	s12 =	sadd.s32 $0xFFFFFFFF, s12;
	[sflag:s14] =	ssyncadd.s32 @!p0 $0xFFFF8000;
	s14 =	simm.s32 @!p2 $0x6  }
0xe9: {  	p0 =	sne.s32 s12, $0x0;
	_ =	swait.ge @!p2 [sflag:s14], $0x8000  }
.Ltmp0:
0xea: {  	[sflag:s14] =	ssyncset.done @!p2 $0x0;
	(pc) =	sbr.rel @p0 .LBB2_1-.Ltmp0, $4  }
0xeb: {  	[sflag:s14] =	ssyncadd.s32 @!p2 $0xFFFF8000;
	s14 =	simm.s32 @!p1 $0x4  }
0xec: {  	_ =	swait.ge @!p1 [sflag:s14], $0x8000  }
0xed: {  	[sflag:s14] =	ssyncset.done @!p1 $0x0  }
0xee: {  	[sflag:s14] =	ssyncadd.s32 @!p1 $0xFFFF8000  }
0xef: {  	_ =	sfence.sel $0x180000  }
0xf0: {  	[bflag:$0x0] =	sbarrier.arrive $0xFFFF  }
0xf1: {  	p0 =	sne.s32 s0, $0x0;
	_ =	strace $0x9000004A  }
0xf2: {  	s0 =	sadd.s32 @!p0 $0x100000, s1;
	[bflag:$0x2] =	sbarrier.arrive $0xFFFF  }
0xf3: {  	[sflag:s0] =	ssyncadd.tile.s32 @!p0 $0x1;
	_ =	shalt  }
.Lfunc_end2:
_tile_overlayer_lowered:
.L_overlay_start_2:
0xf4: {  	(tag) =	ssettag $0x2  }
0xf5: {  	s0 =	rddreg [dreg:$0x0];
	s2 =	stileid.u32  }
0xf6: {  	s1 =	rddreg [dreg:$0x1];
	p0 =	sne.s32 s2, $0x0  }
0xf7: {  	s3 =	rddreg [dreg:$0x2];
	[bflag:$0x3] =	sbarrier.arrive $0xFFFF;
	s2 =	simm.s32 @!p0 $0x1C07  }
0xf8: {  	[timem:s3], [sflag:s2] =	dma.local @!p0 [hbm:s0], s1  }
0xf9: {  	s0 =	simm.s32 @!p0 $0x7  }
0xfa: {  	_ =	swait.ge @!p0 [sflag:s0], s1  }
0xfb: {  	s1 =	ssub.s32 @!p0 $0x0, s1;
	[sflag:s0] =	ssyncset.done @!p0 $0x0  }
0xfc: {  	[sflag:s0] =	ssyncadd.s32 @!p0 s1  }
0xfd: {  	[bflag:$0x3] =	sbarrier.arrive $0xFFFF  }
0xfe: {  	_ =	shalt  }

</sc_bundles>
